<compile_context>
chip_gen: v7x
topology: tpu7x:2x2x1
jax: 0.10.2.dev20260603
libtpu: 0.0.44.dev20260713+nightly
codegen_flags: <defaults>
</compile_context>

<pallas_src>
import math

import jax
import jax.numpy as jnp
from jax import lax
from jax.experimental import pallas as pl
from jax.experimental.pallas import tpu as pltpu
from jax.experimental.pallas import tpu_sc as plsc

N = 10000
D = 128
EPS = 1e-5

NS = 16
CHUNK = 128
NCHUNK = 160
EDGES_PER_TILE = CHUNK * NCHUNK
E_PAD = NS * EDGES_PER_TILE
NPAD = 10240
ROWS_PER_TILE = NPAD // NS
_BN_INV = 1.0 / math.sqrt(1.0 + EPS)


def _sc_body(table, srcr, dstr, sum_out,
             src_v, dst_v, rows_a, rows_b, sum_sh, gsem, ssem, isem):
    s = lax.axis_index("s")
    zero16 = jnp.zeros((16,), jnp.float32)
    base = s * ROWS_PER_TILE
    cbase = s * NCHUNK

    def zero_row(r, _):
        for k in range(D // 16):
            rows_a[r, pl.ds(k * 16, 16)] = zero16
        return 0

    lax.fori_loop(0, CHUNK, zero_row, 0)
    for k in range(ROWS_PER_TILE // CHUNK):
        pltpu.sync_copy(rows_a, sum_sh.at[pl.ds(base + k * CHUNK, CHUNK)])
    plsc.subcore_barrier()

    def two(i, _):
        j0 = 2 * i
        c0 = pltpu.async_copy(srcr.at[cbase + j0], src_v.at[0], isem)
        c1 = pltpu.async_copy(dstr.at[cbase + j0], dst_v.at[0], isem)
        c2 = pltpu.async_copy(srcr.at[cbase + j0 + 1], src_v.at[1], isem)
        c3 = pltpu.async_copy(dstr.at[cbase + j0 + 1], dst_v.at[1], isem)
        c0.wait()
        g0 = pltpu.async_copy(table.at[src_v.at[0]], rows_a, gsem)
        c2.wait()
        g1 = pltpu.async_copy(table.at[src_v.at[1]], rows_b, gsem)
        c1.wait()
        c3.wait()
        g0.wait()
        s0 = pltpu.async_copy(rows_a, sum_sh.at[dst_v.at[0]], ssem, add=True)
        g1.wait()
        s1 = pltpu.async_copy(rows_b, sum_sh.at[dst_v.at[1]], ssem, add=True)
        s0.wait()
        s1.wait()
        return 0

    lax.fori_loop(0, NCHUNK // 2, two, 0)
    plsc.subcore_barrier()

    for k in range(ROWS_PER_TILE // CHUNK):
        pltpu.sync_copy(sum_sh.at[pl.ds(base + k * CHUNK, CHUNK)], rows_a)
        pltpu.sync_copy(rows_a, sum_out.at[pl.ds(base + k * CHUNK, CHUNK)])


def _make_sc_pass():
    mesh = plsc.VectorSubcoreMesh(
        core_axis_name="c", subcore_axis_name="s", num_cores=1)
    out_type = [jax.ShapeDtypeStruct((NPAD, D), jnp.float32)]
    scratch = [
        pltpu.VMEM((2, CHUNK), jnp.int32),
        pltpu.VMEM((2, CHUNK), jnp.int32),
        pltpu.VMEM((CHUNK, D), jnp.float32),
        pltpu.VMEM((CHUNK, D), jnp.float32),
        pltpu.VMEM_SHARED((NPAD, D), jnp.float32),
        pltpu.SemaphoreType.DMA,
        pltpu.SemaphoreType.DMA,
        pltpu.SemaphoreType.DMA,
    ]
    return pl.kernel(_sc_body, mesh=mesh, out_type=out_type,
                     scratch_types=scratch)


_sc_pass = _make_sc_pass()

R = 1000
GRID = N // R


def _tc1_body(sum_ref, cnt_ref, x_ref, wl_ref, wr_ref, wres_ref,
              g_ref, b_ref, bres_ref, hrelu_ref, h1_ref):
    cnt = cnt_ref[:, 0:1]
    agg = sum_ref[...] / jnp.maximum(cnt, 1.0)
    x = x_ref[...]
    h = (jnp.dot(agg, wl_ref[...], preferred_element_type=jnp.float32)
         + jnp.dot(x, wr_ref[...], preferred_element_type=jnp.float32))
    h = g_ref[...] * (h * _BN_INV) + b_ref[...]
    hr = jnp.maximum(h, 0.0)
    hrelu_ref[...] = hr
    h1_ref[...] = hr + jnp.dot(x, wres_ref[...],
                               preferred_element_type=jnp.float32) + bres_ref[...]


def _tc2_body(sum_ref, cnt_ref, x_ref, h1_ref, hr1_ref, wl_ref, wr_ref,
              g2_ref, b2_ref, wm0a_ref, wm0b_ref, wm0c_ref, bm0_ref,
              gm_ref, bm_ref, wm1_ref, bm1_ref, out_ref):
    cnt = cnt_ref[:, 0:1]
    agg = sum_ref[...] / jnp.maximum(cnt, 1.0)
    h1 = h1_ref[...]
    h2 = (jnp.dot(agg, wl_ref[...], preferred_element_type=jnp.float32)
          + jnp.dot(h1, wr_ref[...], preferred_element_type=jnp.float32))
    h2 = g2_ref[...] * (h2 * _BN_INV) + b2_ref[...]
    h2 = jnp.maximum(h2, 0.0)
    z1 = (jnp.dot(x_ref[...], wm0a_ref[...], preferred_element_type=jnp.float32)
          + jnp.dot(hr1_ref[...], wm0b_ref[...], preferred_element_type=jnp.float32)
          + jnp.dot(h2, wm0c_ref[...], preferred_element_type=jnp.float32)
          + bm0_ref[...])
    z1 = gm_ref[...] * (z1 * _BN_INV) + bm_ref[...]
    z1 = jnp.maximum(z1, 0.0)
    out_ref[...] = jnp.dot(z1, wm1_ref[...],
                           preferred_element_type=jnp.float32) + bm1_ref[...]


def _row_spec(shape):
    return pl.BlockSpec(shape, lambda i: (i, 0))


def _full_spec(shape):
    nd = len(shape)
    return pl.BlockSpec(shape, lambda i: (0,) * nd)


def _tc1(sums, cnts, x, Wl1, Wr1, Wres, g1, b1, bres):
    return pl.pallas_call(
        _tc1_body,
        grid=(GRID,),
        in_specs=[
            _row_spec((R, D)), _row_spec((R, D)), _row_spec((R, D)),
            _full_spec((D, D)), _full_spec((D, D)), _full_spec((D, D)),
            _full_spec((1, D)), _full_spec((1, D)), _full_spec((1, D)),
        ],
        out_specs=[_row_spec((R, D)), _row_spec((R, D))],
        out_shape=[jax.ShapeDtypeStruct((N, D), jnp.float32),
                   jax.ShapeDtypeStruct((N, D), jnp.float32)],
    )(sums, cnts, x, Wl1, Wr1, Wres, g1, b1, bres)


def _tc2(sums, cnts, x, h1, hr1, Wl2, Wr2, g2, b2,
         Wm0a, Wm0b, Wm0c, bm0, gm, bm, Wm1, bm1):
    cdim = Wm0a.shape[1]
    cout = Wm1.shape[1]
    return pl.pallas_call(
        _tc2_body,
        grid=(GRID,),
        in_specs=[
            _row_spec((R, D)), _row_spec((R, D)), _row_spec((R, D)),
            _row_spec((R, D)), _row_spec((R, D)),
            _full_spec((D, D)), _full_spec((D, D)),
            _full_spec((1, D)), _full_spec((1, D)),
            _full_spec((D, cdim)), _full_spec((D, cdim)), _full_spec((D, cdim)),
            _full_spec((1, cdim)), _full_spec((1, cdim)), _full_spec((1, cdim)),
            _full_spec((cdim, cout)), _full_spec((1, cout)),
        ],
        out_specs=[_row_spec((R, cout))],
        out_shape=[jax.ShapeDtypeStruct((N, cout), jnp.float32)],
    )(sums, cnts, x, h1, hr1, Wl2, Wr2, g2, b2,
      Wm0a, Wm0b, Wm0c, bm0, gm, bm, Wm1, bm1)[0]


def kernel(x, edge_index, Wl1, Wr1, g1, b1, Wl2, Wr2, g2, b2,
           Wres, bres, Wm0, bm0, gm, bm, Wm1, bm1):
    E = edge_index.shape[1]
    src = jnp.concatenate(
        [edge_index[0], jnp.zeros((E_PAD - E,), jnp.int32)])
    dst = jnp.concatenate(
        [edge_index[1], jnp.full((E_PAD - E,), N, jnp.int32)])
    srcr = src.reshape(NS * NCHUNK, CHUNK)
    dstr = dst.reshape(NS * NCHUNK, CHUNK)
    ones_tab = jnp.ones((N, D), jnp.float32)
    srcr, dstr, ones_tab = lax.optimization_barrier((srcr, dstr, ones_tab))

    cnts = _sc_pass(ones_tab, srcr, dstr)[0][:N]
    sums1 = _sc_pass(x, srcr, dstr)[0][:N]

    hr1, h1 = _tc1(sums1, cnts, x, Wl1, Wr1, Wres,
                   g1.reshape(1, D), b1.reshape(1, D), bres.reshape(1, D))

    sums2 = _sc_pass(h1, srcr, dstr)[0][:N]

    cdim = Wm0.shape[1]
    cout = Wm1.shape[1]
    return _tc2(sums2, cnts, x, h1, hr1, Wl2, Wr2,
                g2.reshape(1, D), b2.reshape(1, D),
                Wm0[:D], Wm0[D:2 * D], Wm0[2 * D:], bm0.reshape(1, cdim),
                gm.reshape(1, cdim), bm.reshape(1, cdim),
                Wm1, bm1.reshape(1, cout))

# --- scband reference (transcript-rebuilt; emitter-appended) ---
"""Pipeline reference for scband-indi-sage-p-1623497638158 (READ-ONLY COPY).

The authoritative reference and input builder live on the scoring server;
editing this copy changes nothing except your own understanding.
"""

import jax, jax.numpy as jnp
import numpy as np

N = 10000
E = 320000
D_IN = 128
H = 128
C = 40
EPS = 1e-5


def setup_inputs(seed: int = 0) -> dict:
    key = jax.random.key(seed)
    ks = jax.random.split(key, 20)
    x = jax.random.normal(ks[0], (N, D_IN), dtype=jnp.float32)
    edge_index = jax.random.randint(ks[1], (2, E), 0, N, dtype=jnp.int32)
    def w(k, shape):
        return jax.random.normal(k, shape, dtype=jnp.float32) * 0.05
    return {
        'x': x,
        'edge_index': edge_index,
        'Wl1': w(ks[2], (D_IN, H)),
        'Wr1': w(ks[3], (D_IN, H)),
        'g1': jnp.ones((H,), jnp.float32),
        'b1': jnp.zeros((H,), jnp.float32),
        'Wl2': w(ks[4], (H, H)),
        'Wr2': w(ks[5], (H, H)),
        'g2': jnp.ones((H,), jnp.float32),
        'b2': jnp.zeros((H,), jnp.float32),
        'Wres': w(ks[6], (D_IN, H)),
        'bres': jnp.zeros((H,), jnp.float32),
        'Wm0': w(ks[7], (D_IN + 2 * H, 2 * C)),
        'bm0': jnp.zeros((2 * C,), jnp.float32),
        'gm': jnp.ones((2 * C,), jnp.float32),
        'bm': jnp.zeros((2 * C,), jnp.float32),
        'Wm1': w(ks[8], (2 * C, C)),
        'bm1': jnp.zeros((C,), jnp.float32),
    }


def _sage_conv(x, src, dst, Wl, Wr):
    # PyG SAGEConv (aggr='mean', bias=False): lin_l(mean_j x_j) + lin_r(x)
    msg = x[src]
    s = jax.ops.segment_sum(msg, dst, num_segments=N)
    cnt = jax.ops.segment_sum(jnp.ones((E, 1), jnp.float32), dst, num_segments=N)
    agg = s / jnp.maximum(cnt, 1.0)
    return agg @ Wl + x @ Wr


def _bn_eval(x, g, b):
    # eval-mode BatchNorm1d with running_mean=0, running_var=1
    return g * (x / jnp.sqrt(1.0 + EPS)) + b


def reference(x, edge_index, Wl1, Wr1, g1, b1, Wl2, Wr2, g2, b2, Wres, bres, Wm0, bm0, gm, bm, Wm1, bm1):
    src = edge_index[0]
    dst = edge_index[1]
    collect = [x]
    # layer 1
    h_res = x
    h = _sage_conv(x, src, dst, Wl1, Wr1)
    h = _bn_eval(h, g1, b1)
    h = jax.nn.relu(h)
    collect.append(h)
    h = h + (h_res @ Wres + bres)
    # layer 2
    h_res2 = h
    h2 = _sage_conv(h, src, dst, Wl2, Wr2)
    h2 = _bn_eval(h2, g2, b2)
    h2 = jax.nn.relu(h2)
    collect.append(h2)
    h = h2 + h_res2  # Identity residual
    # MLP head on concatenated features
    z = jnp.concatenate(collect, axis=-1)  # [N, D_IN + 2H]
    z1 = z @ Wm0 + bm0
    z1 = _bn_eval(z1, gm, bm)
    z1 = jax.nn.relu(z1)
    out = z1 @ Wm1 + bm1
    return out

if __name__ == "__main__":
    import jax
    _d = setup_inputs()
    print(jax.jit(kernel)(*tuple(_d.values())))

</pallas_src>

<mosaic_0001>
#map = affine_map<(d0, d1) -> (0, 0)>
module attributes {stable_mosaic.version = 14 : i64} {
  func.func @_sc_body(%arg0: i32, %arg1: i32, %arg2: memref<10000x128xf32, #tpu.memory_space<hbm>>, %arg3: memref<2560x128xi32, #tpu.memory_space<hbm>>, %arg4: memref<2560x128xi32, #tpu.memory_space<hbm>>, %arg5: memref<10240x128xf32, #tpu.memory_space<hbm>>, %arg6: memref<2x128xi32, #tpu.memory_space<vmem>>, %arg7: memref<2x128xi32, #tpu.memory_space<vmem>>, %arg8: memref<128x128xf32, #tpu.memory_space<vmem>>, %arg9: memref<128x128xf32, #tpu.memory_space<vmem>>, %arg10: memref<10240x128xf32, #tpu.memory_space<vmem_shared>>, %arg11: memref<!tpu.dma_semaphore, #tpu.memory_space<semaphore_mem>>, %arg12: memref<!tpu.dma_semaphore, #tpu.memory_space<semaphore_mem>>, %arg13: memref<!tpu.dma_semaphore, #tpu.memory_space<semaphore_mem>>) attributes {dimension_semantics = [#tpu.dimension_semantics<core_parallel>, #tpu.dimension_semantics<subcore_parallel>], iteration_bounds = array<i64: 1, 16>, scalar_prefetch = 0 : i64, scratch_operands = 8 : i64, tpu.core_type = #tpu.core_type<sc_vector_subcore>, window_params = [{transform_indices = #map}, {transform_indices = #map}, {transform_indices = #map}, {transform_indices = #map}]} {
    %broadcast_in_dim3A = arith.constant 0.000000e+00 : f32
    %broadcast_in_dim3A_0 = vector.broadcast %broadcast_in_dim3A : f32 to vector<16xf32>
    %mul3A = arith.constant 640 : i32
    %mul3A_1 = arith.muli %arg1, %mul3A : i32
    %mul3A_2 = arith.constant 160 : i32
    %mul3A_3 = arith.muli %arg1, %mul3A_2 : i32
    %scan3A = arith.constant 0 : i32
    %scan3A_4 = arith.constant 0 : i32
    %scan3A_5 = arith.constant 128 : i32
    %scan3A_6 = arith.addi %scan3A_4, %scan3A_5 : i32
    %scan3A_7 = arith.constant 1 : i32
    %scan3A_8 = scf.for %scan3A_47 = %scan3A_4 to %scan3A_6 step %scan3A_7 iter_args(%scan3A_48 = %scan3A) -> (i32)  : i32 {
      %swap3A = arith.index_cast %scan3A_47 : i32 to index
      %swap3A_49 = arith.constant 0 : index
      %swap3A_50 = tpu.vector_load %arg8[%swap3A, %swap3A_49] {strides = array<i32>} : memref<128x128xf32, #tpu.memory_space<vmem>>, vector<1x16xf32>,
      %swap3A_51 = vector.shape_cast %swap3A_50 : vector<1x16xf32> to vector<16xf32>
      %swap3A_52 = vector.shape_cast %broadcast_in_dim3A_0 : vector<16xf32> to vector<1x16xf32>
      tpu.vector_store %arg8[%swap3A, %swap3A_49], %swap3A_52 {strides = array<i32>} : memref<128x128xf32, #tpu.memory_space<vmem>>, vector<1x16xf32>,
      %swap3A_53 = arith.index_cast %scan3A_47 : i32 to index
      %swap3A_54 = arith.constant 16 : index
      %swap3A_55 = tpu.vector_load %arg8[%swap3A_53, %swap3A_54] {strides = array<i32>} : memref<128x128xf32, #tpu.memory_space<vmem>>, vector<1x16xf32>,
      %swap3A_56 = vector.shape_cast %swap3A_55 : vector<1x16xf32> to vector<16xf32>
      %swap3A_57 = vector.shape_cast %broadcast_in_dim3A_0 : vector<16xf32> to vector<1x16xf32>
      tpu.vector_store %arg8[%swap3A_53, %swap3A_54], %swap3A_57 {strides = array<i32>} : memref<128x128xf32, #tpu.memory_space<vmem>>, vector<1x16xf32>,
      %swap3A_58 = arith.index_cast %scan3A_47 : i32 to index
      %swap3A_59 = arith.constant 32 : index
      %swap3A_60 = tpu.vector_load %arg8[%swap3A_58, %swap3A_59] {strides = array<i32>} : memref<128x128xf32, #tpu.memory_space<vmem>>, vector<1x16xf32>,
      %swap3A_61 = vector.shape_cast %swap3A_60 : vector<1x16xf32> to vector<16xf32>
      %swap3A_62 = vector.shape_cast %broadcast_in_dim3A_0 : vector<16xf32> to vector<1x16xf32>
      tpu.vector_store %arg8[%swap3A_58, %swap3A_59], %swap3A_62 {strides = array<i32>} : memref<128x128xf32, #tpu.memory_space<vmem>>, vector<1x16xf32>,
      %swap3A_63 = arith.index_cast %scan3A_47 : i32 to index
      %swap3A_64 = arith.constant 48 : index
      %swap3A_65 = tpu.vector_load %arg8[%swap3A_63, %swap3A_64] {strides = array<i32>} : memref<128x128xf32, #tpu.memory_space<vmem>>, vector<1x16xf32>,
      %swap3A_66 = vector.shape_cast %swap3A_65 : vector<1x16xf32> to vector<16xf32>
      %swap3A_67 = vector.shape_cast %broadcast_in_dim3A_0 : vector<16xf32> to vector<1x16xf32>
      tpu.vector_store %arg8[%swap3A_63, %swap3A_64], %swap3A_67 {strides = array<i32>} : memref<128x128xf32, #tpu.memory_space<vmem>>, vector<1x16xf32>,
      %swap3A_68 = arith.index_cast %scan3A_47 : i32 to index
      %swap3A_69 = arith.constant 64 : index
      %swap3A_70 = tpu.vector_load %arg8[%swap3A_68, %swap3A_69] {strides = array<i32>} : memref<128x128xf32, #tpu.memory_space<vmem>>, vector<1x16xf32>,
      %swap3A_71 = vector.shape_cast %swap3A_70 : vector<1x16xf32> to vector<16xf32>
      %swap3A_72 = vector.shape_cast %broadcast_in_dim3A_0 : vector<16xf32> to vector<1x16xf32>
      tpu.vector_store %arg8[%swap3A_68, %swap3A_69], %swap3A_72 {strides = array<i32>} : memref<128x128xf32, #tpu.memory_space<vmem>>, vector<1x16xf32>,
      %swap3A_73 = arith.index_cast %scan3A_47 : i32 to index
      %swap3A_74 = arith.constant 80 : index
      %swap3A_75 = tpu.vector_load %arg8[%swap3A_73, %swap3A_74] {strides = array<i32>} : memref<128x128xf32, #tpu.memory_space<vmem>>, vector<1x16xf32>,
      %swap3A_76 = vector.shape_cast %swap3A_75 : vector<1x16xf32> to vector<16xf32>
      %swap3A_77 = vector.shape_cast %broadcast_in_dim3A_0 : vector<16xf32> to vector<1x16xf32>
      tpu.vector_store %arg8[%swap3A_73, %swap3A_74], %swap3A_77 {strides = array<i32>} : memref<128x128xf32, #tpu.memory_space<vmem>>, vector<1x16xf32>,
      %swap3A_78 = arith.index_cast %scan3A_47 : i32 to index
      %swap3A_79 = arith.constant 96 : index
      %swap3A_80 = tpu.vector_load %arg8[%swap3A_78, %swap3A_79] {strides = array<i32>} : memref<128x128xf32, #tpu.memory_space<vmem>>, vector<1x16xf32>,
      %swap3A_81 = vector.shape_cast %swap3A_80 : vector<1x16xf32> to vector<16xf32>
      %swap3A_82 = vector.shape_cast %broadcast_in_dim3A_0 : vector<16xf32> to vector<1x16xf32>
      tpu.vector_store %arg8[%swap3A_78, %swap3A_79], %swap3A_82 {strides = array<i32>} : memref<128x128xf32, #tpu.memory_space<vmem>>, vector<1x16xf32>,
      %swap3A_83 = arith.index_cast %scan3A_47 : i32 to index
      %swap3A_84 = arith.constant 112 : index
      %swap3A_85 = tpu.vector_load %arg8[%swap3A_83, %swap3A_84] {strides = array<i32>} : memref<128x128xf32, #tpu.memory_space<vmem>>, vector<1x16xf32>,
      %swap3A_86 = vector.shape_cast %swap3A_85 : vector<1x16xf32> to vector<16xf32>
      %swap3A_87 = vector.shape_cast %broadcast_in_dim3A_0 : vector<16xf32> to vector<1x16xf32>
      tpu.vector_store %arg8[%swap3A_83, %swap3A_84], %swap3A_87 {strides = array<i32>} : memref<128x128xf32, #tpu.memory_space<vmem>>, vector<1x16xf32>,
      %scan3A_88 = arith.constant 0 : i32
      scf.yield %scan3A_88 : i32
    }
    %scan3A_9 = arith.constant 128 : i32
    %add3A = arith.constant 0 : i32
    %add3A_10 = arith.addi %mul3A_1, %add3A : i32
    "tpu.region"() ({
      %run_scoped3A = tpu.sem_alloc : memref<!tpu.dma_semaphore, #tpu.memory_space<semaphore_mem>>
      %dma_start3A = arith.constant 0 : i32
      %dma_start3A_47 = tpu.memref_slice %arg10[%add3A_10, %dma_start3A] : memref<10240x128xf32, #tpu.memory_space<vmem_shared>> -> memref<128x128xf32, #tpu.memory_space<vmem_shared>>
      %dma_start3A_48 = arith.constant 0 : i32
      %dma_start3A_49 = tpu.memref_slice %arg10[%add3A_10, %dma_start3A_48] : memref<10240x128xf32, #tpu.memory_space<vmem_shared>> -> memref<128x128xf32, #tpu.memory_space<vmem_shared>>
      tpu.enqueue_dma source(%arg8 : memref<128x128xf32, #tpu.memory_space<vmem>>) target(%dma_start3A_49 : memref<128x128xf32, #tpu.memory_space<vmem_shared>>) target_semaphore(%run_scoped3A : memref<!tpu.dma_semaphore, #tpu.memory_space<semaphore_mem>>)
      %dma_wait3A = arith.constant 0 : i32
      %dma_wait3A_50 = tpu.memref_slice %arg10[%add3A_10, %dma_wait3A] : memref<10240x128xf32, #tpu.memory_space<vmem_shared>> -> memref<128x128xf32, #tpu.memory_space<vmem_shared>>
      %dma_wait3A_51 = arith.constant 0 : i32
      %dma_wait3A_52 = tpu.memref_slice %arg10[%add3A_10, %dma_wait3A_51] : memref<10240x128xf32, #tpu.memory_space<vmem_shared>> -> memref<128x128xf32, #tpu.memory_space<vmem_shared>>
      tpu.wait_dma2 semaphore(%run_scoped3A : memref<!tpu.dma_semaphore, #tpu.memory_space<semaphore_mem>>) src(%arg8 : memref<128x128xf32, #tpu.memory_space<vmem>>) dst(%dma_wait3A_52 : memref<128x128xf32, #tpu.memory_space<vmem_shared>>)
      tpu.yield
    }) : () -> ()
    %add3A_11 = arith.constant 128 : i32
    %add3A_12 = arith.addi %mul3A_1, %add3A_11 : i32
    "tpu.region"() ({
      %run_scoped3A = tpu.sem_alloc : memref<!tpu.dma_semaphore, #tpu.memory_space<semaphore_mem>>
      %dma_start3A = arith.constant 0 : i32
      %dma_start3A_47 = tpu.memref_slice %arg10[%add3A_12, %dma_start3A] : memref<10240x128xf32, #tpu.memory_space<vmem_shared>> -> memref<128x128xf32, #tpu.memory_space<vmem_shared>>
      %dma_start3A_48 = arith.constant 0 : i32
      %dma_start3A_49 = tpu.memref_slice %arg10[%add3A_12, %dma_start3A_48] : memref<10240x128xf32, #tpu.memory_space<vmem_shared>> -> memref<128x128xf32, #tpu.memory_space<vmem_shared>>
      tpu.enqueue_dma source(%arg8 : memref<128x128xf32, #tpu.memory_space<vmem>>) target(%dma_start3A_49 : memref<128x128xf32, #tpu.memory_space<vmem_shared>>) target_semaphore(%run_scoped3A : memref<!tpu.dma_semaphore, #tpu.memory_space<semaphore_mem>>)
      %dma_wait3A = arith.constant 0 : i32
      %dma_wait3A_50 = tpu.memref_slice %arg10[%add3A_12, %dma_wait3A] : memref<10240x128xf32, #tpu.memory_space<vmem_shared>> -> memref<128x128xf32, #tpu.memory_space<vmem_shared>>
      %dma_wait3A_51 = arith.constant 0 : i32
      %dma_wait3A_52 = tpu.memref_slice %arg10[%add3A_12, %dma_wait3A_51] : memref<10240x128xf32, #tpu.memory_space<vmem_shared>> -> memref<128x128xf32, #tpu.memory_space<vmem_shared>>
      tpu.wait_dma2 semaphore(%run_scoped3A : memref<!tpu.dma_semaphore, #tpu.memory_space<semaphore_mem>>) src(%arg8 : memref<128x128xf32, #tpu.memory_space<vmem>>) dst(%dma_wait3A_52 : memref<128x128xf32, #tpu.memory_space<vmem_shared>>)
      tpu.yield
    }) : () -> ()
    %add3A_13 = arith.constant 256 : i32
    %add3A_14 = arith.addi %mul3A_1, %add3A_13 : i32
    "tpu.region"() ({
      %run_scoped3A = tpu.sem_alloc : memref<!tpu.dma_semaphore, #tpu.memory_space<semaphore_mem>>
      %dma_start3A = arith.constant 0 : i32
      %dma_start3A_47 = tpu.memref_slice %arg10[%add3A_14, %dma_start3A] : memref<10240x128xf32, #tpu.memory_space<vmem_shared>> -> memref<128x128xf32, #tpu.memory_space<vmem_shared>>
      %dma_start3A_48 = arith.constant 0 : i32
      %dma_start3A_49 = tpu.memref_slice %arg10[%add3A_14, %dma_start3A_48] : memref<10240x128xf32, #tpu.memory_space<vmem_shared>> -> memref<128x128xf32, #tpu.memory_space<vmem_shared>>
      tpu.enqueue_dma source(%arg8 : memref<128x128xf32, #tpu.memory_space<vmem>>) target(%dma_start3A_49 : memref<128x128xf32, #tpu.memory_space<vmem_shared>>) target_semaphore(%run_scoped3A : memref<!tpu.dma_semaphore, #tpu.memory_space<semaphore_mem>>)
      %dma_wait3A = arith.constant 0 : i32
      %dma_wait3A_50 = tpu.memref_slice %arg10[%add3A_14, %dma_wait3A] : memref<10240x128xf32, #tpu.memory_space<vmem_shared>> -> memref<128x128xf32, #tpu.memory_space<vmem_shared>>
      %dma_wait3A_51 = arith.constant 0 : i32
      %dma_wait3A_52 = tpu.memref_slice %arg10[%add3A_14, %dma_wait3A_51] : memref<10240x128xf32, #tpu.memory_space<vmem_shared>> -> memref<128x128xf32, #tpu.memory_space<vmem_shared>>
      tpu.wait_dma2 semaphore(%run_scoped3A : memref<!tpu.dma_semaphore, #tpu.memory_space<semaphore_mem>>) src(%arg8 : memref<128x128xf32, #tpu.memory_space<vmem>>) dst(%dma_wait3A_52 : memref<128x128xf32, #tpu.memory_space<vmem_shared>>)
      tpu.yield
    }) : () -> ()
    %add3A_15 = arith.constant 384 : i32
    %add3A_16 = arith.addi %mul3A_1, %add3A_15 : i32
    "tpu.region"() ({
      %run_scoped3A = tpu.sem_alloc : memref<!tpu.dma_semaphore, #tpu.memory_space<semaphore_mem>>
      %dma_start3A = arith.constant 0 : i32
      %dma_start3A_47 = tpu.memref_slice %arg10[%add3A_16, %dma_start3A] : memref<10240x128xf32, #tpu.memory_space<vmem_shared>> -> memref<128x128xf32, #tpu.memory_space<vmem_shared>>
      %dma_start3A_48 = arith.constant 0 : i32
      %dma_start3A_49 = tpu.memref_slice %arg10[%add3A_16, %dma_start3A_48] : memref<10240x128xf32, #tpu.memory_space<vmem_shared>> -> memref<128x128xf32, #tpu.memory_space<vmem_shared>>
      tpu.enqueue_dma source(%arg8 : memref<128x128xf32, #tpu.memory_space<vmem>>) target(%dma_start3A_49 : memref<128x128xf32, #tpu.memory_space<vmem_shared>>) target_semaphore(%run_scoped3A : memref<!tpu.dma_semaphore, #tpu.memory_space<semaphore_mem>>)
      %dma_wait3A = arith.constant 0 : i32
      %dma_wait3A_50 = tpu.memref_slice %arg10[%add3A_16, %dma_wait3A] : memref<10240x128xf32, #tpu.memory_space<vmem_shared>> -> memref<128x128xf32, #tpu.memory_space<vmem_shared>>
      %dma_wait3A_51 = arith.constant 0 : i32
      %dma_wait3A_52 = tpu.memref_slice %arg10[%add3A_16, %dma_wait3A_51] : memref<10240x128xf32, #tpu.memory_space<vmem_shared>> -> memref<128x128xf32, #tpu.memory_space<vmem_shared>>
      tpu.wait_dma2 semaphore(%run_scoped3A : memref<!tpu.dma_semaphore, #tpu.memory_space<semaphore_mem>>) src(%arg8 : memref<128x128xf32, #tpu.memory_space<vmem>>) dst(%dma_wait3A_52 : memref<128x128xf32, #tpu.memory_space<vmem_shared>>)
      tpu.yield
    }) : () -> ()
    %add3A_17 = arith.constant 512 : i32
    %add3A_18 = arith.addi %mul3A_1, %add3A_17 : i32
    "tpu.region"() ({
      %run_scoped3A = tpu.sem_alloc : memref<!tpu.dma_semaphore, #tpu.memory_space<semaphore_mem>>
      %dma_start3A = arith.constant 0 : i32
      %dma_start3A_47 = tpu.memref_slice %arg10[%add3A_18, %dma_start3A] : memref<10240x128xf32, #tpu.memory_space<vmem_shared>> -> memref<128x128xf32, #tpu.memory_space<vmem_shared>>
      %dma_start3A_48 = arith.constant 0 : i32
      %dma_start3A_49 = tpu.memref_slice %arg10[%add3A_18, %dma_start3A_48] : memref<10240x128xf32, #tpu.memory_space<vmem_shared>> -> memref<128x128xf32, #tpu.memory_space<vmem_shared>>
      tpu.enqueue_dma source(%arg8 : memref<128x128xf32, #tpu.memory_space<vmem>>) target(%dma_start3A_49 : memref<128x128xf32, #tpu.memory_space<vmem_shared>>) target_semaphore(%run_scoped3A : memref<!tpu.dma_semaphore, #tpu.memory_space<semaphore_mem>>)
      %dma_wait3A = arith.constant 0 : i32
      %dma_wait3A_50 = tpu.memref_slice %arg10[%add3A_18, %dma_wait3A] : memref<10240x128xf32, #tpu.memory_space<vmem_shared>> -> memref<128x128xf32, #tpu.memory_space<vmem_shared>>
      %dma_wait3A_51 = arith.constant 0 : i32
      %dma_wait3A_52 = tpu.memref_slice %arg10[%add3A_18, %dma_wait3A_51] : memref<10240x128xf32, #tpu.memory_space<vmem_shared>> -> memref<128x128xf32, #tpu.memory_space<vmem_shared>>
      tpu.wait_dma2 semaphore(%run_scoped3A : memref<!tpu.dma_semaphore, #tpu.memory_space<semaphore_mem>>) src(%arg8 : memref<128x128xf32, #tpu.memory_space<vmem>>) dst(%dma_wait3A_52 : memref<128x128xf32, #tpu.memory_space<vmem_shared>>)
      tpu.yield
    }) : () -> ()
    %barrier3A = arith.constant 0 : index
    tpu.barrier barrier_id(%barrier3A)
    %scan3A_19 = arith.constant 0 : i32
    %scan3A_20 = arith.constant 0 : i32
    %scan3A_21 = arith.constant 80 : i32
    %scan3A_22 = arith.addi %scan3A_20, %scan3A_21 : i32
    %scan3A_23 = arith.constant 1 : i32
    %scan3A_24 = scf.for %scan3A_47 = %scan3A_20 to %scan3A_22 step %scan3A_23 iter_args(%scan3A_48 = %scan3A_19) -> (i32)  : i32 {
      %mul3A_49 = arith.constant 2 : i32
      %mul3A_50 = arith.muli %mul3A_49, %scan3A_47 : i32
      %add3A_51 = arith.addi %mul3A_3, %mul3A_50 : i32
      %dma_start3A = arith.constant 0 : i32
      %dma_start3A_52 = arith.constant 0 : i32
      %dma_start3A_53 = tpu.memref_slice %arg6[%dma_start3A, %dma_start3A_52] : memref<2x128xi32, #tpu.memory_space<vmem>> -> memref<1x128xi32, #tpu.memory_space<vmem>>
      %dma_start3A_54 = tpu.memref_squeeze %dma_start3A_53 : memref<1x128xi32, #tpu.memory_space<vmem>> -> memref<128xi32, #tpu.memory_space<vmem>>
      %dma_start3A_55 = arith.constant 0 : i32
      %dma_start3A_56 = tpu.memref_slice %arg3[%add3A_51, %dma_start3A_55] : memref<2560x128xi32, #tpu.memory_space<hbm>> -> memref<1x128xi32, #tpu.memory_space<hbm>>
      %dma_start3A_57 = tpu.memref_squeeze %dma_start3A_56 : memref<1x128xi32, #tpu.memory_space<hbm>> -> memref<128xi32, #tpu.memory_space<hbm>>
      %dma_start3A_58 = arith.constant 0 : i32
      %dma_start3A_59 = tpu.memref_slice %arg6[%dma_start3A, %dma_start3A_58] : memref<2x128xi32, #tpu.memory_space<vmem>> -> memref<1x128xi32, #tpu.memory_space<vmem>>
      %dma_start3A_60 = tpu.memref_squeeze %dma_start3A_59 : memref<1x128xi32, #tpu.memory_space<vmem>> -> memref<128xi32, #tpu.memory_space<vmem>>
      %dma_start3A_61 = arith.constant 0 : i32
      %dma_start3A_62 = tpu.memref_slice %arg3[%add3A_51, %dma_start3A_61] : memref<2560x128xi32, #tpu.memory_space<hbm>> -> memref<1x128xi32, #tpu.memory_space<hbm>>
      %dma_start3A_63 = tpu.memref_squeeze %dma_start3A_62 : memref<1x128xi32, #tpu.memory_space<hbm>> -> memref<128xi32, #tpu.memory_space<hbm>>
      tpu.enqueue_dma source(%dma_start3A_63 : memref<128xi32, #tpu.memory_space<hbm>>) target(%dma_start3A_60 : memref<128xi32, #tpu.memory_space<vmem>>) target_semaphore(%arg13 : memref<!tpu.dma_semaphore, #tpu.memory_space<semaphore_mem>>)
      %add3A_64 = arith.addi %mul3A_3, %mul3A_50 : i32
      %dma_start3A_65 = arith.constant 0 : i32
      %dma_start3A_66 = arith.constant 0 : i32
      %dma_start3A_67 = tpu.memref_slice %arg7[%dma_start3A_65, %dma_start3A_66] : memref<2x128xi32, #tpu.memory_space<vmem>> -> memref<1x128xi32, #tpu.memory_space<vmem>>
      %dma_start3A_68 = tpu.memref_squeeze %dma_start3A_67 : memref<1x128xi32, #tpu.memory_space<vmem>> -> memref<128xi32, #tpu.memory_space<vmem>>
      %dma_start3A_69 = arith.constant 0 : i32
      %dma_start3A_70 = tpu.memref_slice %arg4[%add3A_64, %dma_start3A_69] : memref<2560x128xi32, #tpu.memory_space<hbm>> -> memref<1x128xi32, #tpu.memory_space<hbm>>
      %dma_start3A_71 = tpu.memref_squeeze %dma_start3A_70 : memref<1x128xi32, #tpu.memory_space<hbm>> -> memref<128xi32, #tpu.memory_space<hbm>>
      %dma_start3A_72 = arith.constant 0 : i32
      %dma_start3A_73 = tpu.memref_slice %arg7[%dma_start3A_65, %dma_start3A_72] : memref<2x128xi32, #tpu.memory_space<vmem>> -> memref<1x128xi32, #tpu.memory_space<vmem>>
      %dma_start3A_74 = tpu.memref_squeeze %dma_start3A_73 : memref<1x128xi32, #tpu.memory_space<vmem>> -> memref<128xi32, #tpu.memory_space<vmem>>
      %dma_start3A_75 = arith.constant 0 : i32
      %dma_start3A_76 = tpu.memref_slice %arg4[%add3A_64, %dma_start3A_75] : memref<2560x128xi32, #tpu.memory_space<hbm>> -> memref<1x128xi32, #tpu.memory_space<hbm>>
      %dma_start3A_77 = tpu.memref_squeeze %dma_start3A_76 : memref<1x128xi32, #tpu.memory_space<hbm>> -> memref<128xi32, #tpu.memory_space<hbm>>
      tpu.enqueue_dma source(%dma_start3A_77 : memref<128xi32, #tpu.memory_space<hbm>>) target(%dma_start3A_74 : memref<128xi32, #tpu.memory_space<vmem>>) target_semaphore(%arg13 : memref<!tpu.dma_semaphore, #tpu.memory_space<semaphore_mem>>)
      %add3A_78 = arith.addi %mul3A_3, %mul3A_50 : i32
      %add3A_79 = arith.constant 1 : i32
      %add3A_80 = arith.addi %add3A_78, %add3A_79 : i32
      %dma_start3A_81 = arith.constant 1 : i32
      %dma_start3A_82 = arith.constant 0 : i32
      %dma_start3A_83 = tpu.memref_slice %arg6[%dma_start3A_81, %dma_start3A_82] : memref<2x128xi32, #tpu.memory_space<vmem>> -> memref<1x128xi32, #tpu.memory_space<vmem>>
      %dma_start3A_84 = tpu.memref_squeeze %dma_start3A_83 : memref<1x128xi32, #tpu.memory_space<vmem>> -> memref<128xi32, #tpu.memory_space<vmem>>
      %dma_start3A_85 = arith.constant 0 : i32
      %dma_start3A_86 = tpu.memref_slice %arg3[%add3A_80, %dma_start3A_85] : memref<2560x128xi32, #tpu.memory_space<hbm>> -> memref<1x128xi32, #tpu.memory_space<hbm>>
      %dma_start3A_87 = tpu.memref_squeeze %dma_start3A_86 : memref<1x128xi32, #tpu.memory_space<hbm>> -> memref<128xi32, #tpu.memory_space<hbm>>
      %dma_start3A_88 = arith.constant 0 : i32
      %dma_start3A_89 = tpu.memref_slice %arg6[%dma_start3A_81, %dma_start3A_88] : memref<2x128xi32, #tpu.memory_space<vmem>> -> memref<1x128xi32, #tpu.memory_space<vmem>>
      %dma_start3A_90 = tpu.memref_squeeze %dma_start3A_89 : memref<1x128xi32, #tpu.memory_space<vmem>> -> memref<128xi32, #tpu.memory_space<vmem>>
      %dma_start3A_91 = arith.constant 0 : i32
      %dma_start3A_92 = tpu.memref_slice %arg3[%add3A_80, %dma_start3A_91] : memref<2560x128xi32, #tpu.memory_space<hbm>> -> memref<1x128xi32, #tpu.memory_space<hbm>>
      %dma_start3A_93 = tpu.memref_squeeze %dma_start3A_92 : memref<1x128xi32, #tpu.memory_space<hbm>> -> memref<128xi32, #tpu.memory_space<hbm>>
      tpu.enqueue_dma source(%dma_start3A_93 : memref<128xi32, #tpu.memory_space<hbm>>) target(%dma_start3A_90 : memref<128xi32, #tpu.memory_space<vmem>>) target_semaphore(%arg13 : memref<!tpu.dma_semaphore, #tpu.memory_space<semaphore_mem>>)
      %add3A_94 = arith.addi %mul3A_3, %mul3A_50 : i32
      %add3A_95 = arith.constant 1 : i32
      %add3A_96 = arith.addi %add3A_94, %add3A_95 : i32
      %dma_start3A_97 = arith.constant 1 : i32
      %dma_start3A_98 = arith.constant 0 : i32
      %dma_start3A_99 = tpu.memref_slice %arg7[%dma_start3A_97, %dma_start3A_98] : memref<2x128xi32, #tpu.memory_space<vmem>> -> memref<1x128xi32, #tpu.memory_space<vmem>>
      %dma_start3A_100 = tpu.memref_squeeze %dma_start3A_99 : memref<1x128xi32, #tpu.memory_space<vmem>> -> memref<128xi32, #tpu.memory_space<vmem>>
      %dma_start3A_101 = arith.constant 0 : i32
      %dma_start3A_102 = tpu.memref_slice %arg4[%add3A_96, %dma_start3A_101] : memref<2560x128xi32, #tpu.memory_space<hbm>> -> memref<1x128xi32, #tpu.memory_space<hbm>>
      %dma_start3A_103 = tpu.memref_squeeze %dma_start3A_102 : memref<1x128xi32, #tpu.memory_space<hbm>> -> memref<128xi32, #tpu.memory_space<hbm>>
      %dma_start3A_104 = arith.constant 0 : i32
      %dma_start3A_105 = tpu.memref_slice %arg7[%dma_start3A_97, %dma_start3A_104] : memref<2x128xi32, #tpu.memory_space<vmem>> -> memref<1x128xi32, #tpu.memory_space<vmem>>
      %dma_start3A_106 = tpu.memref_squeeze %dma_start3A_105 : memref<1x128xi32, #tpu.memory_space<vmem>> -> memref<128xi32, #tpu.memory_space<vmem>>
      %dma_start3A_107 = arith.constant 0 : i32
      %dma_start3A_108 = tpu.memref_slice %arg4[%add3A_96, %dma_start3A_107] : memref<2560x128xi32, #tpu.memory_space<hbm>> -> memref<1x128xi32, #tpu.memory_space<hbm>>
      %dma_start3A_109 = tpu.memref_squeeze %dma_start3A_108 : memref<1x128xi32, #tpu.memory_space<hbm>> -> memref<128xi32, #tpu.memory_space<hbm>>
      tpu.enqueue_dma source(%dma_start3A_109 : memref<128xi32, #tpu.memory_space<hbm>>) target(%dma_start3A_106 : memref<128xi32, #tpu.memory_space<vmem>>) target_semaphore(%arg13 : memref<!tpu.dma_semaphore, #tpu.memory_space<semaphore_mem>>)
      %dma_wait3A = arith.constant 0 : i32
      %dma_wait3A_110 = arith.constant 0 : i32
      %dma_wait3A_111 = tpu.memref_slice %arg6[%dma_wait3A, %dma_wait3A_110] : memref<2x128xi32, #tpu.memory_space<vmem>> -> memref<1x128xi32, #tpu.memory_space<vmem>>
      %dma_wait3A_112 = tpu.memref_squeeze %dma_wait3A_111 : memref<1x128xi32, #tpu.memory_space<vmem>> -> memref<128xi32, #tpu.memory_space<vmem>>
      %dma_wait3A_113 = arith.constant 0 : i32
      %dma_wait3A_114 = tpu.memref_slice %arg3[%add3A_51, %dma_wait3A_113] : memref<2560x128xi32, #tpu.memory_space<hbm>> -> memref<1x128xi32, #tpu.memory_space<hbm>>
      %dma_wait3A_115 = tpu.memref_squeeze %dma_wait3A_114 : memref<1x128xi32, #tpu.memory_space<hbm>> -> memref<128xi32, #tpu.memory_space<hbm>>
      %dma_wait3A_116 = arith.constant 0 : i32
      %dma_wait3A_117 = tpu.memref_slice %arg6[%dma_wait3A, %dma_wait3A_116] : memref<2x128xi32, #tpu.memory_space<vmem>> -> memref<1x128xi32, #tpu.memory_space<vmem>>
      %dma_wait3A_118 = tpu.memref_squeeze %dma_wait3A_117 : memref<1x128xi32, #tpu.memory_space<vmem>> -> memref<128xi32, #tpu.memory_space<vmem>>
      %dma_wait3A_119 = arith.constant 0 : i32
      %dma_wait3A_120 = tpu.memref_slice %arg3[%add3A_51, %dma_wait3A_119] : memref<2560x128xi32, #tpu.memory_space<hbm>> -> memref<1x128xi32, #tpu.memory_space<hbm>>
      %dma_wait3A_121 = tpu.memref_squeeze %dma_wait3A_120 : memref<1x128xi32, #tpu.memory_space<hbm>> -> memref<128xi32, #tpu.memory_space<hbm>>
      tpu.wait_dma2 semaphore(%arg13 : memref<!tpu.dma_semaphore, #tpu.memory_space<semaphore_mem>>) src(%dma_wait3A_121 : memref<128xi32, #tpu.memory_space<hbm>>) dst(%dma_wait3A_118 : memref<128xi32, #tpu.memory_space<vmem>>)
      %dma_start3A_122 = arith.constant 0 : i32
      %dma_start3A_123 = arith.constant 0 : i32
      %dma_start3A_124 = tpu.memref_slice %arg6[%dma_start3A_122, %dma_start3A_123] : memref<2x128xi32, #tpu.memory_space<vmem>> -> memref<1x128xi32, #tpu.memory_space<vmem>>
      %dma_start3A_125 = tpu.memref_squeeze %dma_start3A_124 : memref<1x128xi32, #tpu.memory_space<vmem>> -> memref<128xi32, #tpu.memory_space<vmem>>
      %dma_start3A_126 = arith.constant 0 : i32
      %dma_start3A_127 = arith.constant 0 : i32
      %dma_start3A_128 = tpu.memref_slice %arg2[%dma_start3A_126, %dma_start3A_127] : memref<10000x128xf32, #tpu.memory_space<hbm>> -> memref<10000x128xf32, #tpu.memory_space<hbm>>
      tpu.enqueue_indirect_dma source(%dma_start3A_128 : memref<10000x128xf32, #tpu.memory_space<hbm>>) target(%arg8 : memref<128x128xf32, #tpu.memory_space<vmem>>) offsets(%dma_start3A_125 : memref<128xi32, #tpu.memory_space<vmem>>) semaphore(%arg11 : memref<!tpu.dma_semaphore, #tpu.memory_space<semaphore_mem>>)
      %dma_wait3A_129 = arith.constant 1 : i32
      %dma_wait3A_130 = arith.constant 0 : i32
      %dma_wait3A_131 = tpu.memref_slice %arg6[%dma_wait3A_129, %dma_wait3A_130] : memref<2x128xi32, #tpu.memory_space<vmem>> -> memref<1x128xi32, #tpu.memory_space<vmem>>
      %dma_wait3A_132 = tpu.memref_squeeze %dma_wait3A_131 : memref<1x128xi32, #tpu.memory_space<vmem>> -> memref<128xi32, #tpu.memory_space<vmem>>
      %dma_wait3A_133 = arith.constant 0 : i32
      %dma_wait3A_134 = tpu.memref_slice %arg3[%add3A_80, %dma_wait3A_133] : memref<2560x128xi32, #tpu.memory_space<hbm>> -> memref<1x128xi32, #tpu.memory_space<hbm>>
      %dma_wait3A_135 = tpu.memref_squeeze %dma_wait3A_134 : memref<1x128xi32, #tpu.memory_space<hbm>> -> memref<128xi32, #tpu.memory_space<hbm>>
      %dma_wait3A_136 = arith.constant 0 : i32
      %dma_wait3A_137 = tpu.memref_slice %arg6[%dma_wait3A_129, %dma_wait3A_136] : memref<2x128xi32, #tpu.memory_space<vmem>> -> memref<1x128xi32, #tpu.memory_space<vmem>>
      %dma_wait3A_138 = tpu.memref_squeeze %dma_wait3A_137 : memref<1x128xi32, #tpu.memory_space<vmem>> -> memref<128xi32, #tpu.memory_space<vmem>>
      %dma_wait3A_139 = arith.constant 0 : i32
      %dma_wait3A_140 = tpu.memref_slice %arg3[%add3A_80, %dma_wait3A_139] : memref<2560x128xi32, #tpu.memory_space<hbm>> -> memref<1x128xi32, #tpu.memory_space<hbm>>
      %dma_wait3A_141 = tpu.memref_squeeze %dma_wait3A_140 : memref<1x128xi32, #tpu.memory_space<hbm>> -> memref<128xi32, #tpu.memory_space<hbm>>
      tpu.wait_dma2 semaphore(%arg13 : memref<!tpu.dma_semaphore, #tpu.memory_space<semaphore_mem>>) src(%dma_wait3A_141 : memref<128xi32, #tpu.memory_space<hbm>>) dst(%dma_wait3A_138 : memref<128xi32, #tpu.memory_space<vmem>>)
      %dma_start3A_142 = arith.constant 1 : i32
      %dma_start3A_143 = arith.constant 0 : i32
      %dma_start3A_144 = tpu.memref_slice %arg6[%dma_start3A_142, %dma_start3A_143] : memref<2x128xi32, #tpu.memory_space<vmem>> -> memref<1x128xi32, #tpu.memory_space<vmem>>
      %dma_start3A_145 = tpu.memref_squeeze %dma_start3A_144 : memref<1x128xi32, #tpu.memory_space<vmem>> -> memref<128xi32, #tpu.memory_space<vmem>>
      %dma_start3A_146 = arith.constant 0 : i32
      %dma_start3A_147 = arith.constant 0 : i32
      %dma_start3A_148 = tpu.memref_slice %arg2[%dma_start3A_146, %dma_start3A_147] : memref<10000x128xf32, #tpu.memory_space<hbm>> -> memref<10000x128xf32, #tpu.memory_space<hbm>>
      tpu.enqueue_indirect_dma source(%dma_start3A_148 : memref<10000x128xf32, #tpu.memory_space<hbm>>) target(%arg9 : memref<128x128xf32, #tpu.memory_space<vmem>>) offsets(%dma_start3A_145 : memref<128xi32, #tpu.memory_space<vmem>>) semaphore(%arg11 : memref<!tpu.dma_semaphore, #tpu.memory_space<semaphore_mem>>)
      %dma_wait3A_149 = arith.constant 0 : i32
      %dma_wait3A_150 = arith.constant 0 : i32
      %dma_wait3A_151 = tpu.memref_slice %arg7[%dma_wait3A_149, %dma_wait3A_150] : memref<2x128xi32, #tpu.memory_space<vmem>> -> memref<1x128xi32, #tpu.memory_space<vmem>>
      %dma_wait3A_152 = tpu.memref_squeeze %dma_wait3A_151 : memref<1x128xi32, #tpu.memory_space<vmem>> -> memref<128xi32, #tpu.memory_space<vmem>>
      %dma_wait3A_153 = arith.constant 0 : i32
      %dma_wait3A_154 = tpu.memref_slice %arg4[%add3A_64, %dma_wait3A_153] : memref<2560x128xi32, #tpu.memory_space<hbm>> -> memref<1x128xi32, #tpu.memory_space<hbm>>
      %dma_wait3A_155 = tpu.memref_squeeze %dma_wait3A_154 : memref<1x128xi32, #tpu.memory_space<hbm>> -> memref<128xi32, #tpu.memory_space<hbm>>
      %dma_wait3A_156 = arith.constant 0 : i32
      %dma_wait3A_157 = tpu.memref_slice %arg7[%dma_wait3A_149, %dma_wait3A_156] : memref<2x128xi32, #tpu.memory_space<vmem>> -> memref<1x128xi32, #tpu.memory_space<vmem>>
      %dma_wait3A_158 = tpu.memref_squeeze %dma_wait3A_157 : memref<1x128xi32, #tpu.memory_space<vmem>> -> memref<128xi32, #tpu.memory_space<vmem>>
      %dma_wait3A_159 = arith.constant 0 : i32
      %dma_wait3A_160 = tpu.memref_slice %arg4[%add3A_64, %dma_wait3A_159] : memref<2560x128xi32, #tpu.memory_space<hbm>> -> memref<1x128xi32, #tpu.memory_space<hbm>>
      %dma_wait3A_161 = tpu.memref_squeeze %dma_wait3A_160 : memref<1x128xi32, #tpu.memory_space<hbm>> -> memref<128xi32, #tpu.memory_space<hbm>>
      tpu.wait_dma2 semaphore(%arg13 : memref<!tpu.dma_semaphore, #tpu.memory_space<semaphore_mem>>) src(%dma_wait3A_161 : memref<128xi32, #tpu.memory_space<hbm>>) dst(%dma_wait3A_158 : memref<128xi32, #tpu.memory_space<vmem>>)
      %dma_wait3A_162 = arith.constant 1 : i32
      %dma_wait3A_163 = arith.constant 0 : i32
      %dma_wait3A_164 = tpu.memref_slice %arg7[%dma_wait3A_162, %dma_wait3A_163] : memref<2x128xi32, #tpu.memory_space<vmem>> -> memref<1x128xi32, #tpu.memory_space<vmem>>
      %dma_wait3A_165 = tpu.memref_squeeze %dma_wait3A_164 : memref<1x128xi32, #tpu.memory_space<vmem>> -> memref<128xi32, #tpu.memory_space<vmem>>
      %dma_wait3A_166 = arith.constant 0 : i32
      %dma_wait3A_167 = tpu.memref_slice %arg4[%add3A_96, %dma_wait3A_166] : memref<2560x128xi32, #tpu.memory_space<hbm>> -> memref<1x128xi32, #tpu.memory_space<hbm>>
      %dma_wait3A_168 = tpu.memref_squeeze %dma_wait3A_167 : memref<1x128xi32, #tpu.memory_space<hbm>> -> memref<128xi32, #tpu.memory_space<hbm>>
      %dma_wait3A_169 = arith.constant 0 : i32
      %dma_wait3A_170 = tpu.memref_slice %arg7[%dma_wait3A_162, %dma_wait3A_169] : memref<2x128xi32, #tpu.memory_space<vmem>> -> memref<1x128xi32, #tpu.memory_space<vmem>>
      %dma_wait3A_171 = tpu.memref_squeeze %dma_wait3A_170 : memref<1x128xi32, #tpu.memory_space<vmem>> -> memref<128xi32, #tpu.memory_space<vmem>>
      %dma_wait3A_172 = arith.constant 0 : i32
      %dma_wait3A_173 = tpu.memref_slice %arg4[%add3A_96, %dma_wait3A_172] : memref<2560x128xi32, #tpu.memory_space<hbm>> -> memref<1x128xi32, #tpu.memory_space<hbm>>
      %dma_wait3A_174 = tpu.memref_squeeze %dma_wait3A_173 : memref<1x128xi32, #tpu.memory_space<hbm>> -> memref<128xi32, #tpu.memory_space<hbm>>
      tpu.wait_dma2 semaphore(%arg13 : memref<!tpu.dma_semaphore, #tpu.memory_space<semaphore_mem>>) src(%dma_wait3A_174 : memref<128xi32, #tpu.memory_space<hbm>>) dst(%dma_wait3A_171 : memref<128xi32, #tpu.memory_space<vmem>>)
      %dma_wait3A_175 = arith.constant 0 : i32
      %dma_wait3A_176 = arith.constant 0 : i32
      %dma_wait3A_177 = tpu.memref_slice %arg6[%dma_wait3A_175, %dma_wait3A_176] : memref<2x128xi32, #tpu.memory_space<vmem>> -> memref<1x128xi32, #tpu.memory_space<vmem>>
      %dma_wait3A_178 = tpu.memref_squeeze %dma_wait3A_177 : memref<1x128xi32, #tpu.memory_space<vmem>> -> memref<128xi32, #tpu.memory_space<vmem>>
      %dma_wait3A_179 = arith.constant 0 : i32
      %dma_wait3A_180 = arith.constant 0 : i32
      %dma_wait3A_181 = tpu.memref_slice %arg2[%dma_wait3A_179, %dma_wait3A_180] : memref<10000x128xf32, #tpu.memory_space<hbm>> -> memref<10000x128xf32, #tpu.memory_space<hbm>>
      tpu.wait_indirect_dma semaphore(%arg11 : memref<!tpu.dma_semaphore, #tpu.memory_space<semaphore_mem>>) src(%dma_wait3A_181 : memref<10000x128xf32, #tpu.memory_space<hbm>>) dst(%arg8 : memref<128x128xf32, #tpu.memory_space<vmem>>)
      %dma_start3A_182 = arith.constant 0 : i32
      %dma_start3A_183 = arith.constant 0 : i32
      %dma_start3A_184 = tpu.memref_slice %arg7[%dma_start3A_182, %dma_start3A_183] : memref<2x128xi32, #tpu.memory_space<vmem>> -> memref<1x128xi32, #tpu.memory_space<vmem>>
      %dma_start3A_185 = tpu.memref_squeeze %dma_start3A_184 : memref<1x128xi32, #tpu.memory_space<vmem>> -> memref<128xi32, #tpu.memory_space<vmem>>
      %dma_start3A_186 = arith.constant 0 : i32
      %dma_start3A_187 = arith.constant 0 : i32
      %dma_start3A_188 = tpu.memref_slice %arg10[%dma_start3A_186, %dma_start3A_187] : memref<10240x128xf32, #tpu.memory_space<vmem_shared>> -> memref<10240x128xf32, #tpu.memory_space<vmem_shared>>
      tpu.enqueue_indirect_dma source(%arg8 : memref<128x128xf32, #tpu.memory_space<vmem>>) target(%dma_start3A_188 : memref<10240x128xf32, #tpu.memory_space<vmem_shared>>) offsets(%dma_start3A_185 : memref<128xi32, #tpu.memory_space<vmem>>) semaphore(%arg12 : memref<!tpu.dma_semaphore, #tpu.memory_space<semaphore_mem>>) {add = true}
      %dma_wait3A_189 = arith.constant 1 : i32
      %dma_wait3A_190 = arith.constant 0 : i32
      %dma_wait3A_191 = tpu.memref_slice %arg6[%dma_wait3A_189, %dma_wait3A_190] : memref<2x128xi32, #tpu.memory_space<vmem>> -> memref<1x128xi32, #tpu.memory_space<vmem>>
      %dma_wait3A_192 = tpu.memref_squeeze %dma_wait3A_191 : memref<1x128xi32, #tpu.memory_space<vmem>> -> memref<128xi32, #tpu.memory_space<vmem>>
      %dma_wait3A_193 = arith.constant 0 : i32
      %dma_wait3A_194 = arith.constant 0 : i32
      %dma_wait3A_195 = tpu.memref_slice %arg2[%dma_wait3A_193, %dma_wait3A_194] : memref<10000x128xf32, #tpu.memory_space<hbm>> -> memref<10000x128xf32, #tpu.memory_space<hbm>>
      tpu.wait_indirect_dma semaphore(%arg11 : memref<!tpu.dma_semaphore, #tpu.memory_space<semaphore_mem>>) src(%dma_wait3A_195 : memref<10000x128xf32, #tpu.memory_space<hbm>>) dst(%arg9 : memref<128x128xf32, #tpu.memory_space<vmem>>)
      %dma_start3A_196 = arith.constant 1 : i32
      %dma_start3A_197 = arith.constant 0 : i32
      %dma_start3A_198 = tpu.memref_slice %arg7[%dma_start3A_196, %dma_start3A_197] : memref<2x128xi32, #tpu.memory_space<vmem>> -> memref<1x128xi32, #tpu.memory_space<vmem>>
      %dma_start3A_199 = tpu.memref_squeeze %dma_start3A_198 : memref<1x128xi32, #tpu.memory_space<vmem>> -> memref<128xi32, #tpu.memory_space<vmem>>
      %dma_start3A_200 = arith.constant 0 : i32
      %dma_start3A_201 = arith.constant 0 : i32
      %dma_start3A_202 = tpu.memref_slice %arg10[%dma_start3A_200, %dma_start3A_201] : memref<10240x128xf32, #tpu.memory_space<vmem_shared>> -> memref<10240x128xf32, #tpu.memory_space<vmem_shared>>
      tpu.enqueue_indirect_dma source(%arg9 : memref<128x128xf32, #tpu.memory_space<vmem>>) target(%dma_start3A_202 : memref<10240x128xf32, #tpu.memory_space<vmem_shared>>) offsets(%dma_start3A_199 : memref<128xi32, #tpu.memory_space<vmem>>) semaphore(%arg12 : memref<!tpu.dma_semaphore, #tpu.memory_space<semaphore_mem>>) {add = true}
      %dma_wait3A_203 = arith.constant 0 : i32
      %dma_wait3A_204 = arith.constant 0 : i32
      %dma_wait3A_205 = tpu.memref_slice %arg7[%dma_wait3A_203, %dma_wait3A_204] : memref<2x128xi32, #tpu.memory_space<vmem>> -> memref<1x128xi32, #tpu.memory_space<vmem>>
      %dma_wait3A_206 = tpu.memref_squeeze %dma_wait3A_205 : memref<1x128xi32, #tpu.memory_space<vmem>> -> memref<128xi32, #tpu.memory_space<vmem>>
      %dma_wait3A_207 = arith.constant 0 : i32
      %dma_wait3A_208 = arith.constant 0 : i32
      %dma_wait3A_209 = tpu.memref_slice %arg10[%dma_wait3A_207, %dma_wait3A_208] : memref<10240x128xf32, #tpu.memory_space<vmem_shared>> -> memref<10240x128xf32, #tpu.memory_space<vmem_shared>>
      tpu.wait_indirect_dma semaphore(%arg12 : memref<!tpu.dma_semaphore, #tpu.memory_space<semaphore_mem>>) src(%arg8 : memref<128x128xf32, #tpu.memory_space<vmem>>) dst(%dma_wait3A_209 : memref<10240x128xf32, #tpu.memory_space<vmem_shared>>)
      %dma_wait3A_210 = arith.constant 1 : i32
      %dma_wait3A_211 = arith.constant 0 : i32
      %dma_wait3A_212 = tpu.memref_slice %arg7[%dma_wait3A_210, %dma_wait3A_211] : memref<2x128xi32, #tpu.memory_space<vmem>> -> memref<1x128xi32, #tpu.memory_space<vmem>>
      %dma_wait3A_213 = tpu.memref_squeeze %dma_wait3A_212 : memref<1x128xi32, #tpu.memory_space<vmem>> -> memref<128xi32, #tpu.memory_space<vmem>>
      %dma_wait3A_214 = arith.constant 0 : i32
      %dma_wait3A_215 = arith.constant 0 : i32
      %dma_wait3A_216 = tpu.memref_slice %arg10[%dma_wait3A_214, %dma_wait3A_215] : memref<10240x128xf32, #tpu.memory_space<vmem_shared>> -> memref<10240x128xf32, #tpu.memory_space<vmem_shared>>
      tpu.wait_indirect_dma semaphore(%arg12 : memref<!tpu.dma_semaphore, #tpu.memory_space<semaphore_mem>>) src(%arg9 : memref<128x128xf32, #tpu.memory_space<vmem>>) dst(%dma_wait3A_216 : memref<10240x128xf32, #tpu.memory_space<vmem_shared>>)
      %scan3A_217 = arith.constant 0 : i32
      scf.yield %scan3A_217 : i32
    }
    %scan3A_25 = arith.constant 80 : i32
    %barrier3A_26 = arith.constant 0 : index
    tpu.barrier barrier_id(%barrier3A_26)
    %add3A_27 = arith.constant 0 : i32
    %add3A_28 = arith.addi %mul3A_1, %add3A_27 : i32
    "tpu.region"() ({
      %run_scoped3A = tpu.sem_alloc : memref<!tpu.dma_semaphore, #tpu.memory_space<semaphore_mem>>
      %dma_start3A = arith.constant 0 : i32
      %dma_start3A_47 = tpu.memref_slice %arg10[%add3A_28, %dma_start3A] : memref<10240x128xf32, #tpu.memory_space<vmem_shared>> -> memref<128x128xf32, #tpu.memory_space<vmem_shared>>
      %dma_start3A_48 = arith.constant 0 : i32
      %dma_start3A_49 = tpu.memref_slice %arg10[%add3A_28, %dma_start3A_48] : memref<10240x128xf32, #tpu.memory_space<vmem_shared>> -> memref<128x128xf32, #tpu.memory_space<vmem_shared>>
      tpu.enqueue_dma source(%dma_start3A_49 : memref<128x128xf32, #tpu.memory_space<vmem_shared>>) target(%arg8 : memref<128x128xf32, #tpu.memory_space<vmem>>) target_semaphore(%run_scoped3A : memref<!tpu.dma_semaphore, #tpu.memory_space<semaphore_mem>>)
      %dma_wait3A = arith.constant 0 : i32
      %dma_wait3A_50 = tpu.memref_slice %arg10[%add3A_28, %dma_wait3A] : memref<10240x128xf32, #tpu.memory_space<vmem_shared>> -> memref<128x128xf32, #tpu.memory_space<vmem_shared>>
      %dma_wait3A_51 = arith.constant 0 : i32
      %dma_wait3A_52 = tpu.memref_slice %arg10[%add3A_28, %dma_wait3A_51] : memref<10240x128xf32, #tpu.memory_space<vmem_shared>> -> memref<128x128xf32, #tpu.memory_space<vmem_shared>>
      tpu.wait_dma2 semaphore(%run_scoped3A : memref<!tpu.dma_semaphore, #tpu.memory_space<semaphore_mem>>) src(%dma_wait3A_52 : memref<128x128xf32, #tpu.memory_space<vmem_shared>>) dst(%arg8 : memref<128x128xf32, #tpu.memory_space<vmem>>)
      tpu.yield
    }) : () -> ()
    %add3A_29 = arith.constant 0 : i32
    %add3A_30 = arith.addi %mul3A_1, %add3A_29 : i32
    "tpu.region"() ({
      %run_scoped3A = tpu.sem_alloc : memref<!tpu.dma_semaphore, #tpu.memory_space<semaphore_mem>>
      %dma_start3A = arith.constant 0 : i32
      %dma_start3A_47 = tpu.memref_slice %arg5[%add3A_30, %dma_start3A] : memref<10240x128xf32, #tpu.memory_space<hbm>> -> memref<128x128xf32, #tpu.memory_space<hbm>>
      %dma_start3A_48 = arith.constant 0 : i32
      %dma_start3A_49 = tpu.memref_slice %arg5[%add3A_30, %dma_start3A_48] : memref<10240x128xf32, #tpu.memory_space<hbm>> -> memref<128x128xf32, #tpu.memory_space<hbm>>
      tpu.enqueue_dma source(%arg8 : memref<128x128xf32, #tpu.memory_space<vmem>>) target(%dma_start3A_49 : memref<128x128xf32, #tpu.memory_space<hbm>>) target_semaphore(%run_scoped3A : memref<!tpu.dma_semaphore, #tpu.memory_space<semaphore_mem>>)
      %dma_wait3A = arith.constant 0 : i32
      %dma_wait3A_50 = tpu.memref_slice %arg5[%add3A_30, %dma_wait3A] : memref<10240x128xf32, #tpu.memory_space<hbm>> -> memref<128x128xf32, #tpu.memory_space<hbm>>
      %dma_wait3A_51 = arith.constant 0 : i32
      %dma_wait3A_52 = tpu.memref_slice %arg5[%add3A_30, %dma_wait3A_51] : memref<10240x128xf32, #tpu.memory_space<hbm>> -> memref<128x128xf32, #tpu.memory_space<hbm>>
      tpu.wait_dma2 semaphore(%run_scoped3A : memref<!tpu.dma_semaphore, #tpu.memory_space<semaphore_mem>>) src(%arg8 : memref<128x128xf32, #tpu.memory_space<vmem>>) dst(%dma_wait3A_52 : memref<128x128xf32, #tpu.memory_space<hbm>>)
      tpu.yield
    }) : () -> ()
    %add3A_31 = arith.constant 128 : i32
    %add3A_32 = arith.addi %mul3A_1, %add3A_31 : i32
    "tpu.region"() ({
      %run_scoped3A = tpu.sem_alloc : memref<!tpu.dma_semaphore, #tpu.memory_space<semaphore_mem>>
      %dma_start3A = arith.constant 0 : i32
      %dma_start3A_47 = tpu.memref_slice %arg10[%add3A_32, %dma_start3A] : memref<10240x128xf32, #tpu.memory_space<vmem_shared>> -> memref<128x128xf32, #tpu.memory_space<vmem_shared>>
      %dma_start3A_48 = arith.constant 0 : i32
      %dma_start3A_49 = tpu.memref_slice %arg10[%add3A_32, %dma_start3A_48] : memref<10240x128xf32, #tpu.memory_space<vmem_shared>> -> memref<128x128xf32, #tpu.memory_space<vmem_shared>>
      tpu.enqueue_dma source(%dma_start3A_49 : memref<128x128xf32, #tpu.memory_space<vmem_shared>>) target(%arg8 : memref<128x128xf32, #tpu.memory_space<vmem>>) target_semaphore(%run_scoped3A : memref<!tpu.dma_semaphore, #tpu.memory_space<semaphore_mem>>)
      %dma_wait3A = arith.constant 0 : i32
      %dma_wait3A_50 = tpu.memref_slice %arg10[%add3A_32, %dma_wait3A] : memref<10240x128xf32, #tpu.memory_space<vmem_shared>> -> memref<128x128xf32, #tpu.memory_space<vmem_shared>>
      %dma_wait3A_51 = arith.constant 0 : i32
      %dma_wait3A_52 = tpu.memref_slice %arg10[%add3A_32, %dma_wait3A_51] : memref<10240x128xf32, #tpu.memory_space<vmem_shared>> -> memref<128x128xf32, #tpu.memory_space<vmem_shared>>
      tpu.wait_dma2 semaphore(%run_scoped3A : memref<!tpu.dma_semaphore, #tpu.memory_space<semaphore_mem>>) src(%dma_wait3A_52 : memref<128x128xf32, #tpu.memory_space<vmem_shared>>) dst(%arg8 : memref<128x128xf32, #tpu.memory_space<vmem>>)
      tpu.yield
    }) : () -> ()
    %add3A_33 = arith.constant 128 : i32
    %add3A_34 = arith.addi %mul3A_1, %add3A_33 : i32
    "tpu.region"() ({
      %run_scoped3A = tpu.sem_alloc : memref<!tpu.dma_semaphore, #tpu.memory_space<semaphore_mem>>
      %dma_start3A = arith.constant 0 : i32
      %dma_start3A_47 = tpu.memref_slice %arg5[%add3A_34, %dma_start3A] : memref<10240x128xf32, #tpu.memory_space<hbm>> -> memref<128x128xf32, #tpu.memory_space<hbm>>
      %dma_start3A_48 = arith.constant 0 : i32
      %dma_start3A_49 = tpu.memref_slice %arg5[%add3A_34, %dma_start3A_48] : memref<10240x128xf32, #tpu.memory_space<hbm>> -> memref<128x128xf32, #tpu.memory_space<hbm>>
      tpu.enqueue_dma source(%arg8 : memref<128x128xf32, #tpu.memory_space<vmem>>) target(%dma_start3A_49 : memref<128x128xf32, #tpu.memory_space<hbm>>) target_semaphore(%run_scoped3A : memref<!tpu.dma_semaphore, #tpu.memory_space<semaphore_mem>>)
      %dma_wait3A = arith.constant 0 : i32
      %dma_wait3A_50 = tpu.memref_slice %arg5[%add3A_34, %dma_wait3A] : memref<10240x128xf32, #tpu.memory_space<hbm>> -> memref<128x128xf32, #tpu.memory_space<hbm>>
      %dma_wait3A_51 = arith.constant 0 : i32
      %dma_wait3A_52 = tpu.memref_slice %arg5[%add3A_34, %dma_wait3A_51] : memref<10240x128xf32, #tpu.memory_space<hbm>> -> memref<128x128xf32, #tpu.memory_space<hbm>>
      tpu.wait_dma2 semaphore(%run_scoped3A : memref<!tpu.dma_semaphore, #tpu.memory_space<semaphore_mem>>) src(%arg8 : memref<128x128xf32, #tpu.memory_space<vmem>>) dst(%dma_wait3A_52 : memref<128x128xf32, #tpu.memory_space<hbm>>)
      tpu.yield
    }) : () -> ()
    %add3A_35 = arith.constant 256 : i32
    %add3A_36 = arith.addi %mul3A_1, %add3A_35 : i32
    "tpu.region"() ({
      %run_scoped3A = tpu.sem_alloc : memref<!tpu.dma_semaphore, #tpu.memory_space<semaphore_mem>>
      %dma_start3A = arith.constant 0 : i32
      %dma_start3A_47 = tpu.memref_slice %arg10[%add3A_36, %dma_start3A] : memref<10240x128xf32, #tpu.memory_space<vmem_shared>> -> memref<128x128xf32, #tpu.memory_space<vmem_shared>>
      %dma_start3A_48 = arith.constant 0 : i32
      %dma_start3A_49 = tpu.memref_slice %arg10[%add3A_36, %dma_start3A_48] : memref<10240x128xf32, #tpu.memory_space<vmem_shared>> -> memref<128x128xf32, #tpu.memory_space<vmem_shared>>
      tpu.enqueue_dma source(%dma_start3A_49 : memref<128x128xf32, #tpu.memory_space<vmem_shared>>) target(%arg8 : memref<128x128xf32, #tpu.memory_space<vmem>>) target_semaphore(%run_scoped3A : memref<!tpu.dma_semaphore, #tpu.memory_space<semaphore_mem>>)
      %dma_wait3A = arith.constant 0 : i32
      %dma_wait3A_50 = tpu.memref_slice %arg10[%add3A_36, %dma_wait3A] : memref<10240x128xf32, #tpu.memory_space<vmem_shared>> -> memref<128x128xf32, #tpu.memory_space<vmem_shared>>
      %dma_wait3A_51 = arith.constant 0 : i32
      %dma_wait3A_52 = tpu.memref_slice %arg10[%add3A_36, %dma_wait3A_51] : memref<10240x128xf32, #tpu.memory_space<vmem_shared>> -> memref<128x128xf32, #tpu.memory_space<vmem_shared>>
      tpu.wait_dma2 semaphore(%run_scoped3A : memref<!tpu.dma_semaphore, #tpu.memory_space<semaphore_mem>>) src(%dma_wait3A_52 : memref<128x128xf32, #tpu.memory_space<vmem_shared>>) dst(%arg8 : memref<128x128xf32, #tpu.memory_space<vmem>>)
      tpu.yield
    }) : () -> ()
    %add3A_37 = arith.constant 256 : i32
    %add3A_38 = arith.addi %mul3A_1, %add3A_37 : i32
    "tpu.region"() ({
      %run_scoped3A = tpu.sem_alloc : memref<!tpu.dma_semaphore, #tpu.memory_space<semaphore_mem>>
      %dma_start3A = arith.constant 0 : i32
      %dma_start3A_47 = tpu.memref_slice %arg5[%add3A_38, %dma_start3A] : memref<10240x128xf32, #tpu.memory_space<hbm>> -> memref<128x128xf32, #tpu.memory_space<hbm>>
      %dma_start3A_48 = arith.constant 0 : i32
      %dma_start3A_49 = tpu.memref_slice %arg5[%add3A_38, %dma_start3A_48] : memref<10240x128xf32, #tpu.memory_space<hbm>> -> memref<128x128xf32, #tpu.memory_space<hbm>>
      tpu.enqueue_dma source(%arg8 : memref<128x128xf32, #tpu.memory_space<vmem>>) target(%dma_start3A_49 : memref<128x128xf32, #tpu.memory_space<hbm>>) target_semaphore(%run_scoped3A : memref<!tpu.dma_semaphore, #tpu.memory_space<semaphore_mem>>)
      %dma_wait3A = arith.constant 0 : i32
      %dma_wait3A_50 = tpu.memref_slice %arg5[%add3A_38, %dma_wait3A] : memref<10240x128xf32, #tpu.memory_space<hbm>> -> memref<128x128xf32, #tpu.memory_space<hbm>>
      %dma_wait3A_51 = arith.constant 0 : i32
      %dma_wait3A_52 = tpu.memref_slice %arg5[%add3A_38, %dma_wait3A_51] : memref<10240x128xf32, #tpu.memory_space<hbm>> -> memref<128x128xf32, #tpu.memory_space<hbm>>
      tpu.wait_dma2 semaphore(%run_scoped3A : memref<!tpu.dma_semaphore, #tpu.memory_space<semaphore_mem>>) src(%arg8 : memref<128x128xf32, #tpu.memory_space<vmem>>) dst(%dma_wait3A_52 : memref<128x128xf32, #tpu.memory_space<hbm>>)
      tpu.yield
    }) : () -> ()
    %add3A_39 = arith.constant 384 : i32
    %add3A_40 = arith.addi %mul3A_1, %add3A_39 : i32
    "tpu.region"() ({
      %run_scoped3A = tpu.sem_alloc : memref<!tpu.dma_semaphore, #tpu.memory_space<semaphore_mem>>
      %dma_start3A = arith.constant 0 : i32
      %dma_start3A_47 = tpu.memref_slice %arg10[%add3A_40, %dma_start3A] : memref<10240x128xf32, #tpu.memory_space<vmem_shared>> -> memref<128x128xf32, #tpu.memory_space<vmem_shared>>
      %dma_start3A_48 = arith.constant 0 : i32
      %dma_start3A_49 = tpu.memref_slice %arg10[%add3A_40, %dma_start3A_48] : memref<10240x128xf32, #tpu.memory_space<vmem_shared>> -> memref<128x128xf32, #tpu.memory_space<vmem_shared>>
      tpu.enqueue_dma source(%dma_start3A_49 : memref<128x128xf32, #tpu.memory_space<vmem_shared>>) target(%arg8 : memref<128x128xf32, #tpu.memory_space<vmem>>) target_semaphore(%run_scoped3A : memref<!tpu.dma_semaphore, #tpu.memory_space<semaphore_mem>>)
      %dma_wait3A = arith.constant 0 : i32
      %dma_wait3A_50 = tpu.memref_slice %arg10[%add3A_40, %dma_wait3A] : memref<10240x128xf32, #tpu.memory_space<vmem_shared>> -> memref<128x128xf32, #tpu.memory_space<vmem_shared>>
      %dma_wait3A_51 = arith.constant 0 : i32
      %dma_wait3A_52 = tpu.memref_slice %arg10[%add3A_40, %dma_wait3A_51] : memref<10240x128xf32, #tpu.memory_space<vmem_shared>> -> memref<128x128xf32, #tpu.memory_space<vmem_shared>>
      tpu.wait_dma2 semaphore(%run_scoped3A : memref<!tpu.dma_semaphore, #tpu.memory_space<semaphore_mem>>) src(%dma_wait3A_52 : memref<128x128xf32, #tpu.memory_space<vmem_shared>>) dst(%arg8 : memref<128x128xf32, #tpu.memory_space<vmem>>)
      tpu.yield
    }) : () -> ()
    %add3A_41 = arith.constant 384 : i32
    %add3A_42 = arith.addi %mul3A_1, %add3A_41 : i32
    "tpu.region"() ({
      %run_scoped3A = tpu.sem_alloc : memref<!tpu.dma_semaphore, #tpu.memory_space<semaphore_mem>>
      %dma_start3A = arith.constant 0 : i32
      %dma_start3A_47 = tpu.memref_slice %arg5[%add3A_42, %dma_start3A] : memref<10240x128xf32, #tpu.memory_space<hbm>> -> memref<128x128xf32, #tpu.memory_space<hbm>>
      %dma_start3A_48 = arith.constant 0 : i32
      %dma_start3A_49 = tpu.memref_slice %arg5[%add3A_42, %dma_start3A_48] : memref<10240x128xf32, #tpu.memory_space<hbm>> -> memref<128x128xf32, #tpu.memory_space<hbm>>
      tpu.enqueue_dma source(%arg8 : memref<128x128xf32, #tpu.memory_space<vmem>>) target(%dma_start3A_49 : memref<128x128xf32, #tpu.memory_space<hbm>>) target_semaphore(%run_scoped3A : memref<!tpu.dma_semaphore, #tpu.memory_space<semaphore_mem>>)
      %dma_wait3A = arith.constant 0 : i32
      %dma_wait3A_50 = tpu.memref_slice %arg5[%add3A_42, %dma_wait3A] : memref<10240x128xf32, #tpu.memory_space<hbm>> -> memref<128x128xf32, #tpu.memory_space<hbm>>
      %dma_wait3A_51 = arith.constant 0 : i32
      %dma_wait3A_52 = tpu.memref_slice %arg5[%add3A_42, %dma_wait3A_51] : memref<10240x128xf32, #tpu.memory_space<hbm>> -> memref<128x128xf32, #tpu.memory_space<hbm>>
      tpu.wait_dma2 semaphore(%run_scoped3A : memref<!tpu.dma_semaphore, #tpu.memory_space<semaphore_mem>>) src(%arg8 : memref<128x128xf32, #tpu.memory_space<vmem>>) dst(%dma_wait3A_52 : memref<128x128xf32, #tpu.memory_space<hbm>>)
      tpu.yield
    }) : () -> ()
    %add3A_43 = arith.constant 512 : i32
    %add3A_44 = arith.addi %mul3A_1, %add3A_43 : i32
    "tpu.region"() ({
      %run_scoped3A = tpu.sem_alloc : memref<!tpu.dma_semaphore, #tpu.memory_space<semaphore_mem>>
      %dma_start3A = arith.constant 0 : i32
      %dma_start3A_47 = tpu.memref_slice %arg10[%add3A_44, %dma_start3A] : memref<10240x128xf32, #tpu.memory_space<vmem_shared>> -> memref<128x128xf32, #tpu.memory_space<vmem_shared>>
      %dma_start3A_48 = arith.constant 0 : i32
      %dma_start3A_49 = tpu.memref_slice %arg10[%add3A_44, %dma_start3A_48] : memref<10240x128xf32, #tpu.memory_space<vmem_shared>> -> memref<128x128xf32, #tpu.memory_space<vmem_shared>>
      tpu.enqueue_dma source(%dma_start3A_49 : memref<128x128xf32, #tpu.memory_space<vmem_shared>>) target(%arg8 : memref<128x128xf32, #tpu.memory_space<vmem>>) target_semaphore(%run_scoped3A : memref<!tpu.dma_semaphore, #tpu.memory_space<semaphore_mem>>)
      %dma_wait3A = arith.constant 0 : i32
      %dma_wait3A_50 = tpu.memref_slice %arg10[%add3A_44, %dma_wait3A] : memref<10240x128xf32, #tpu.memory_space<vmem_shared>> -> memref<128x128xf32, #tpu.memory_space<vmem_shared>>
      %dma_wait3A_51 = arith.constant 0 : i32
      %dma_wait3A_52 = tpu.memref_slice %arg10[%add3A_44, %dma_wait3A_51] : memref<10240x128xf32, #tpu.memory_space<vmem_shared>> -> memref<128x128xf32, #tpu.memory_space<vmem_shared>>
      tpu.wait_dma2 semaphore(%run_scoped3A : memref<!tpu.dma_semaphore, #tpu.memory_space<semaphore_mem>>) src(%dma_wait3A_52 : memref<128x128xf32, #tpu.memory_space<vmem_shared>>) dst(%arg8 : memref<128x128xf32, #tpu.memory_space<vmem>>)
      tpu.yield
    }) : () -> ()
    %add3A_45 = arith.constant 512 : i32
    %add3A_46 = arith.addi %mul3A_1, %add3A_45 : i32
    "tpu.region"() ({
      %run_scoped3A = tpu.sem_alloc : memref<!tpu.dma_semaphore, #tpu.memory_space<semaphore_mem>>
      %dma_start3A = arith.constant 0 : i32
      %dma_start3A_47 = tpu.memref_slice %arg5[%add3A_46, %dma_start3A] : memref<10240x128xf32, #tpu.memory_space<hbm>> -> memref<128x128xf32, #tpu.memory_space<hbm>>
      %dma_start3A_48 = arith.constant 0 : i32
      %dma_start3A_49 = tpu.memref_slice %arg5[%add3A_46, %dma_start3A_48] : memref<10240x128xf32, #tpu.memory_space<hbm>> -> memref<128x128xf32, #tpu.memory_space<hbm>>
      tpu.enqueue_dma source(%arg8 : memref<128x128xf32, #tpu.memory_space<vmem>>) target(%dma_start3A_49 : memref<128x128xf32, #tpu.memory_space<hbm>>) target_semaphore(%run_scoped3A : memref<!tpu.dma_semaphore, #tpu.memory_space<semaphore_mem>>)
      %dma_wait3A = arith.constant 0 : i32
      %dma_wait3A_50 = tpu.memref_slice %arg5[%add3A_46, %dma_wait3A] : memref<10240x128xf32, #tpu.memory_space<hbm>> -> memref<128x128xf32, #tpu.memory_space<hbm>>
      %dma_wait3A_51 = arith.constant 0 : i32
      %dma_wait3A_52 = tpu.memref_slice %arg5[%add3A_46, %dma_wait3A_51] : memref<10240x128xf32, #tpu.memory_space<hbm>> -> memref<128x128xf32, #tpu.memory_space<hbm>>
      tpu.wait_dma2 semaphore(%run_scoped3A : memref<!tpu.dma_semaphore, #tpu.memory_space<semaphore_mem>>) src(%arg8 : memref<128x128xf32, #tpu.memory_space<vmem>>) dst(%dma_wait3A_52 : memref<128x128xf32, #tpu.memory_space<hbm>>)
      tpu.yield
    }) : () -> ()
    return
  }
}

#map = affine_map<(d0, d1) -> (0, 0)>
module attributes {stable_mosaic.version = 14 : i64} {
  func.func @_sc_body(%arg0: i32, %arg1: i32, %arg2: memref<10000x128xf32, #tpu.memory_space<hbm>>, %arg3: memref<2560x128xi32, #tpu.memory_space<hbm>>, %arg4: memref<2560x128xi32, #tpu.memory_space<hbm>>, %arg5: memref<10240x128xf32, #tpu.memory_space<hbm>>, %arg6: memref<2x128xi32, #tpu.memory_space<vmem>>, %arg7: memref<2x128xi32, #tpu.memory_space<vmem>>, %arg8: memref<128x128xf32, #tpu.memory_space<vmem>>, %arg9: memref<128x128xf32, #tpu.memory_space<vmem>>, %arg10: memref<10240x128xf32, #tpu.memory_space<vmem_shared>>, %arg11: memref<!tpu.dma_semaphore, #tpu.memory_space<semaphore_mem>>, %arg12: memref<!tpu.dma_semaphore, #tpu.memory_space<semaphore_mem>>, %arg13: memref<!tpu.dma_semaphore, #tpu.memory_space<semaphore_mem>>) attributes {dimension_semantics = [#tpu.dimension_semantics<core_parallel>, #tpu.dimension_semantics<subcore_parallel>], iteration_bounds = array<i64: 1, 16>, scalar_prefetch = 0 : i64, scratch_operands = 8 : i64, tpu.core_type = #tpu.core_type<sc_vector_subcore>, window_params = [{transform_indices = #map}, {transform_indices = #map}, {transform_indices = #map}, {transform_indices = #map}]} {
    %broadcast_in_dim3A = arith.constant 0.000000e+00 : f32
    %broadcast_in_dim3A_0 = vector.broadcast %broadcast_in_dim3A : f32 to vector<16xf32>
    %mul3A = arith.constant 640 : i32
    %mul3A_1 = arith.muli %arg1, %mul3A : i32
    %mul3A_2 = arith.constant 160 : i32
    %mul3A_3 = arith.muli %arg1, %mul3A_2 : i32
    %scan3A = arith.constant 0 : i32
    %scan3A_4 = arith.constant 0 : i32
    %scan3A_5 = arith.constant 128 : i32
    %scan3A_6 = arith.addi %scan3A_4, %scan3A_5 : i32
    %scan3A_7 = arith.constant 1 : i32
    %scan3A_8 = scf.for %scan3A_47 = %scan3A_4 to %scan3A_6 step %scan3A_7 iter_args(%scan3A_48 = %scan3A) -> (i32)  : i32 {
      %swap3A = arith.index_cast %scan3A_47 : i32 to index
      %swap3A_49 = arith.constant 0 : index
      %swap3A_50 = tpu.vector_load %arg8[%swap3A, %swap3A_49] {strides = array<i32>} : memref<128x128xf32, #tpu.memory_space<vmem>>, vector<1x16xf32>,
      %swap3A_51 = vector.shape_cast %swap3A_50 : vector<1x16xf32> to vector<16xf32>
      %swap3A_52 = vector.shape_cast %broadcast_in_dim3A_0 : vector<16xf32> to vector<1x16xf32>
      tpu.vector_store %arg8[%swap3A, %swap3A_49], %swap3A_52 {strides = array<i32>} : memref<128x128xf32, #tpu.memory_space<vmem>>, vector<1x16xf32>,
      %swap3A_53 = arith.index_cast %scan3A_47 : i32 to index
      %swap3A_54 = arith.constant 16 : index
      %swap3A_55 = tpu.vector_load %arg8[%swap3A_53, %swap3A_54] {strides = array<i32>} : memref<128x128xf32, #tpu.memory_space<vmem>>, vector<1x16xf32>,
      %swap3A_56 = vector.shape_cast %swap3A_55 : vector<1x16xf32> to vector<16xf32>
      %swap3A_57 = vector.shape_cast %broadcast_in_dim3A_0 : vector<16xf32> to vector<1x16xf32>
      tpu.vector_store %arg8[%swap3A_53, %swap3A_54], %swap3A_57 {strides = array<i32>} : memref<128x128xf32, #tpu.memory_space<vmem>>, vector<1x16xf32>,
      %swap3A_58 = arith.index_cast %scan3A_47 : i32 to index
      %swap3A_59 = arith.constant 32 : index
      %swap3A_60 = tpu.vector_load %arg8[%swap3A_58, %swap3A_59] {strides = array<i32>} : memref<128x128xf32, #tpu.memory_space<vmem>>, vector<1x16xf32>,
      %swap3A_61 = vector.shape_cast %swap3A_60 : vector<1x16xf32> to vector<16xf32>
      %swap3A_62 = vector.shape_cast %broadcast_in_dim3A_0 : vector<16xf32> to vector<1x16xf32>
      tpu.vector_store %arg8[%swap3A_58, %swap3A_59], %swap3A_62 {strides = array<i32>} : memref<128x128xf32, #tpu.memory_space<vmem>>, vector<1x16xf32>,
      %swap3A_63 = arith.index_cast %scan3A_47 : i32 to index
      %swap3A_64 = arith.constant 48 : index
      %swap3A_65 = tpu.vector_load %arg8[%swap3A_63, %swap3A_64] {strides = array<i32>} : memref<128x128xf32, #tpu.memory_space<vmem>>, vector<1x16xf32>,
      %swap3A_66 = vector.shape_cast %swap3A_65 : vector<1x16xf32> to vector<16xf32>
      %swap3A_67 = vector.shape_cast %broadcast_in_dim3A_0 : vector<16xf32> to vector<1x16xf32>
      tpu.vector_store %arg8[%swap3A_63, %swap3A_64], %swap3A_67 {strides = array<i32>} : memref<128x128xf32, #tpu.memory_space<vmem>>, vector<1x16xf32>,
      %swap3A_68 = arith.index_cast %scan3A_47 : i32 to index
      %swap3A_69 = arith.constant 64 : index
      %swap3A_70 = tpu.vector_load %arg8[%swap3A_68, %swap3A_69] {strides = array<i32>} : memref<128x128xf32, #tpu.memory_space<vmem>>, vector<1x16xf32>,
      %swap3A_71 = vector.shape_cast %swap3A_70 : vector<1x16xf32> to vector<16xf32>
      %swap3A_72 = vector.shape_cast %broadcast_in_dim3A_0 : vector<16xf32> to vector<1x16xf32>
      tpu.vector_store %arg8[%swap3A_68, %swap3A_69], %swap3A_72 {strides = array<i32>} : memref<128x128xf32, #tpu.memory_space<vmem>>, vector<1x16xf32>,
      %swap3A_73 = arith.index_cast %scan3A_47 : i32 to index
      %swap3A_74 = arith.constant 80 : index
      %swap3A_75 = tpu.vector_load %arg8[%swap3A_73, %swap3A_74] {strides = array<i32>} : memref<128x128xf32, #tpu.memory_space<vmem>>, vector<1x16xf32>,
      %swap3A_76 = vector.shape_cast %swap3A_75 : vector<1x16xf32> to vector<16xf32>
      %swap3A_77 = vector.shape_cast %broadcast_in_dim3A_0 : vector<16xf32> to vector<1x16xf32>
      tpu.vector_store %arg8[%swap3A_73, %swap3A_74], %swap3A_77 {strides = array<i32>} : memref<128x128xf32, #tpu.memory_space<vmem>>, vector<1x16xf32>,
      %swap3A_78 = arith.index_cast %scan3A_47 : i32 to index
      %swap3A_79 = arith.constant 96 : index
      %swap3A_80 = tpu.vector_load %arg8[%swap3A_78, %swap3A_79] {strides = array<i32>} : memref<128x128xf32, #tpu.memory_space<vmem>>, vector<1x16xf32>,
      %swap3A_81 = vector.shape_cast %swap3A_80 : vector<1x16xf32> to vector<16xf32>
      %swap3A_82 = vector.shape_cast %broadcast_in_dim3A_0 : vector<16xf32> to vector<1x16xf32>
      tpu.vector_store %arg8[%swap3A_78, %swap3A_79], %swap3A_82 {strides = array<i32>} : memref<128x128xf32, #tpu.memory_space<vmem>>, vector<1x16xf32>,
      %swap3A_83 = arith.index_cast %scan3A_47 : i32 to index
      %swap3A_84 = arith.constant 112 : index
      %swap3A_85 = tpu.vector_load %arg8[%swap3A_83, %swap3A_84] {strides = array<i32>} : memref<128x128xf32, #tpu.memory_space<vmem>>, vector<1x16xf32>,
      %swap3A_86 = vector.shape_cast %swap3A_85 : vector<1x16xf32> to vector<16xf32>
      %swap3A_87 = vector.shape_cast %broadcast_in_dim3A_0 : vector<16xf32> to vector<1x16xf32>
      tpu.vector_store %arg8[%swap3A_83, %swap3A_84], %swap3A_87 {strides = array<i32>} : memref<128x128xf32, #tpu.memory_space<vmem>>, vector<1x16xf32>,
      %scan3A_88 = arith.constant 0 : i32
      scf.yield %scan3A_88 : i32
    }
    %scan3A_9 = arith.constant 128 : i32
    %add3A = arith.constant 0 : i32
    %add3A_10 = arith.addi %mul3A_1, %add3A : i32
    "tpu.region"() ({
      %run_scoped3A = tpu.sem_alloc : memref<!tpu.dma_semaphore, #tpu.memory_space<semaphore_mem>>
      %dma_start3A = arith.constant 0 : i32
      %dma_start3A_47 = tpu.memref_slice %arg10[%add3A_10, %dma_start3A] : memref<10240x128xf32, #tpu.memory_space<vmem_shared>> -> memref<128x128xf32, #tpu.memory_space<vmem_shared>>
      %dma_start3A_48 = arith.constant 0 : i32
      %dma_start3A_49 = tpu.memref_slice %arg10[%add3A_10, %dma_start3A_48] : memref<10240x128xf32, #tpu.memory_space<vmem_shared>> -> memref<128x128xf32, #tpu.memory_space<vmem_shared>>
      tpu.enqueue_dma source(%arg8 : memref<128x128xf32, #tpu.memory_space<vmem>>) target(%dma_start3A_49 : memref<128x128xf32, #tpu.memory_space<vmem_shared>>) target_semaphore(%run_scoped3A : memref<!tpu.dma_semaphore, #tpu.memory_space<semaphore_mem>>)
      %dma_wait3A = arith.constant 0 : i32
      %dma_wait3A_50 = tpu.memref_slice %arg10[%add3A_10, %dma_wait3A] : memref<10240x128xf32, #tpu.memory_space<vmem_shared>> -> memref<128x128xf32, #tpu.memory_space<vmem_shared>>
      %dma_wait3A_51 = arith.constant 0 : i32
      %dma_wait3A_52 = tpu.memref_slice %arg10[%add3A_10, %dma_wait3A_51] : memref<10240x128xf32, #tpu.memory_space<vmem_shared>> -> memref<128x128xf32, #tpu.memory_space<vmem_shared>>
      tpu.wait_dma2 semaphore(%run_scoped3A : memref<!tpu.dma_semaphore, #tpu.memory_space<semaphore_mem>>) src(%arg8 : memref<128x128xf32, #tpu.memory_space<vmem>>) dst(%dma_wait3A_52 : memref<128x128xf32, #tpu.memory_space<vmem_shared>>)
      tpu.yield
    }) : () -> ()
    %add3A_11 = arith.constant 128 : i32
    %add3A_12 = arith.addi %mul3A_1, %add3A_11 : i32
    "tpu.region"() ({
      %run_scoped3A = tpu.sem_alloc : memref<!tpu.dma_semaphore, #tpu.memory_space<semaphore_mem>>
      %dma_start3A = arith.constant 0 : i32
      %dma_start3A_47 = tpu.memref_slice %arg10[%add3A_12, %dma_start3A] : memref<10240x128xf32, #tpu.memory_space<vmem_shared>> -> memref<128x128xf32, #tpu.memory_space<vmem_shared>>
      %dma_start3A_48 = arith.constant 0 : i32
      %dma_start3A_49 = tpu.memref_slice %arg10[%add3A_12, %dma_start3A_48] : memref<10240x128xf32, #tpu.memory_space<vmem_shared>> -> memref<128x128xf32, #tpu.memory_space<vmem_shared>>
      tpu.enqueue_dma source(%arg8 : memref<128x128xf32, #tpu.memory_space<vmem>>) target(%dma_start3A_49 : memref<128x128xf32, #tpu.memory_space<vmem_shared>>) target_semaphore(%run_scoped3A : memref<!tpu.dma_semaphore, #tpu.memory_space<semaphore_mem>>)
      %dma_wait3A = arith.constant 0 : i32
      %dma_wait3A_50 = tpu.memref_slice %arg10[%add3A_12, %dma_wait3A] : memref<10240x128xf32, #tpu.memory_space<vmem_shared>> -> memref<128x128xf32, #tpu.memory_space<vmem_shared>>
      %dma_wait3A_51 = arith.constant 0 : i32
      %dma_wait3A_52 = tpu.memref_slice %arg10[%add3A_12, %dma_wait3A_51] : memref<10240x128xf32, #tpu.memory_space<vmem_shared>> -> memref<128x128xf32, #tpu.memory_space<vmem_shared>>
      tpu.wait_dma2 semaphore(%run_scoped3A : memref<!tpu.dma_semaphore, #tpu.memory_space<semaphore_mem>>) src(%arg8 : memref<128x128xf32, #tpu.memory_space<vmem>>) dst(%dma_wait3A_52 : memref<128x128xf32, #tpu.memory_space<vmem_shared>>)
      tpu.yield
    }) : () -> ()
    %add3A_13 = arith.constant 256 : i32
    %add3A_14 = arith.addi %mul3A_1, %add3A_13 : i32
    "tpu.region"() ({
      %run_scoped3A = tpu.sem_alloc : memref<!tpu.dma_semaphore, #tpu.memory_space<semaphore_mem>>
      %dma_start3A = arith.constant 0 : i32
      %dma_start3A_47 = tpu.memref_slice %arg10[%add3A_14, %dma_start3A] : memref<10240x128xf32, #tpu.memory_space<vmem_shared>> -> memref<128x128xf32, #tpu.memory_space<vmem_shared>>
      %dma_start3A_48 = arith.constant 0 : i32
      %dma_start3A_49 = tpu.memref_slice %arg10[%add3A_14, %dma_start3A_48] : memref<10240x128xf32, #tpu.memory_space<vmem_shared>> -> memref<128x128xf32, #tpu.memory_space<vmem_shared>>
      tpu.enqueue_dma source(%arg8 : memref<128x128xf32, #tpu.memory_space<vmem>>) target(%dma_start3A_49 : memref<128x128xf32, #tpu.memory_space<vmem_shared>>) target_semaphore(%run_scoped3A : memref<!tpu.dma_semaphore, #tpu.memory_space<semaphore_mem>>)
      %dma_wait3A = arith.constant 0 : i32
      %dma_wait3A_50 = tpu.memref_slice %arg10[%add3A_14, %dma_wait3A] : memref<10240x128xf32, #tpu.memory_space<vmem_shared>> -> memref<128x128xf32, #tpu.memory_space<vmem_shared>>
      %dma_wait3A_51 = arith.constant 0 : i32
      %dma_wait3A_52 = tpu.memref_slice %arg10[%add3A_14, %dma_wait3A_51] : memref<10240x128xf32, #tpu.memory_space<vmem_shared>> -> memref<128x128xf32, #tpu.memory_space<vmem_shared>>
      tpu.wait_dma2 semaphore(%run_scoped3A : memref<!tpu.dma_semaphore, #tpu.memory_space<semaphore_mem>>) src(%arg8 : memref<128x128xf32, #tpu.memory_space<vmem>>) dst(%dma_wait3A_52 : memref<128x128xf32, #tpu.memory_space<vmem_shared>>)
      tpu.yield
    }) : () -> ()
    %add3A_15 = arith.constant 384 : i32
    %add3A_16 = arith.addi %mul3A_1, %add3A_15 : i32
    "tpu.region"() ({
      %run_scoped3A = tpu.sem_alloc : memref<!tpu.dma_semaphore, #tpu.memory_space<semaphore_mem>>
      %dma_start3A = arith.constant 0 : i32
      %dma_start3A_47 = tpu.memref_slice %arg10[%add3A_16, %dma_start3A] : memref<10240x128xf32, #tpu.memory_space<vmem_shared>> -> memref<128x128xf32, #tpu.memory_space<vmem_shared>>
      %dma_start3A_48 = arith.constant 0 : i32
      %dma_start3A_49 = tpu.memref_slice %arg10[%add3A_16, %dma_start3A_48] : memref<10240x128xf32, #tpu.memory_space<vmem_shared>> -> memref<128x128xf32, #tpu.memory_space<vmem_shared>>
      tpu.enqueue_dma source(%arg8 : memref<128x128xf32, #tpu.memory_space<vmem>>) target(%dma_start3A_49 : memref<128x128xf32, #tpu.memory_space<vmem_shared>>) target_semaphore(%run_scoped3A : memref<!tpu.dma_semaphore, #tpu.memory_space<semaphore_mem>>)
      %dma_wait3A = arith.constant 0 : i32
      %dma_wait3A_50 = tpu.memref_slice %arg10[%add3A_16, %dma_wait3A] : memref<10240x128xf32, #tpu.memory_space<vmem_shared>> -> memref<128x128xf32, #tpu.memory_space<vmem_shared>>
      %dma_wait3A_51 = arith.constant 0 : i32
      %dma_wait3A_52 = tpu.memref_slice %arg10[%add3A_16, %dma_wait3A_51] : memref<10240x128xf32, #tpu.memory_space<vmem_shared>> -> memref<128x128xf32, #tpu.memory_space<vmem_shared>>
      tpu.wait_dma2 semaphore(%run_scoped3A : memref<!tpu.dma_semaphore, #tpu.memory_space<semaphore_mem>>) src(%arg8 : memref<128x128xf32, #tpu.memory_space<vmem>>) dst(%dma_wait3A_52 : memref<128x128xf32, #tpu.memory_space<vmem_shared>>)
      tpu.yield
    }) : () -> ()
    %add3A_17 = arith.constant 512 : i32
    %add3A_18 = arith.addi %mul3A_1, %add3A_17 : i32
    "tpu.region"() ({
      %run_scoped3A = tpu.sem_alloc : memref<!tpu.dma_semaphore, #tpu.memory_space<semaphore_mem>>
      %dma_start3A = arith.constant 0 : i32
      %dma_start3A_47 = tpu.memref_slice %arg10[%add3A_18, %dma_start3A] : memref<10240x128xf32, #tpu.memory_space<vmem_shared>> -> memref<128x128xf32, #tpu.memory_space<vmem_shared>>
      %dma_start3A_48 = arith.constant 0 : i32
      %dma_start3A_49 = tpu.memref_slice %arg10[%add3A_18, %dma_start3A_48] : memref<10240x128xf32, #tpu.memory_space<vmem_shared>> -> memref<128x128xf32, #tpu.memory_space<vmem_shared>>
      tpu.enqueue_dma source(%arg8 : memref<128x128xf32, #tpu.memory_space<vmem>>) target(%dma_start3A_49 : memref<128x128xf32, #tpu.memory_space<vmem_shared>>) target_semaphore(%run_scoped3A : memref<!tpu.dma_semaphore, #tpu.memory_space<semaphore_mem>>)
      %dma_wait3A = arith.constant 0 : i32
      %dma_wait3A_50 = tpu.memref_slice %arg10[%add3A_18, %dma_wait3A] : memref<10240x128xf32, #tpu.memory_space<vmem_shared>> -> memref<128x128xf32, #tpu.memory_space<vmem_shared>>
      %dma_wait3A_51 = arith.constant 0 : i32
      %dma_wait3A_52 = tpu.memref_slice %arg10[%add3A_18, %dma_wait3A_51] : memref<10240x128xf32, #tpu.memory_space<vmem_shared>> -> memref<128x128xf32, #tpu.memory_space<vmem_shared>>
      tpu.wait_dma2 semaphore(%run_scoped3A : memref<!tpu.dma_semaphore, #tpu.memory_space<semaphore_mem>>) src(%arg8 : memref<128x128xf32, #tpu.memory_space<vmem>>) dst(%dma_wait3A_52 : memref<128x128xf32, #tpu.memory_space<vmem_shared>>)
      tpu.yield
    }) : () -> ()
    %barrier3A = arith.constant 0 : index
    tpu.barrier barrier_id(%barrier3A)
    %scan3A_19 = arith.constant 0 : i32
    %scan3A_20 = arith.constant 0 : i32
    %scan3A_21 = arith.constant 80 : i32
    %scan3A_22 = arith.addi %scan3A_20, %scan3A_21 : i32
    %scan3A_23 = arith.constant 1 : i32
    %scan3A_24 = scf.for %scan3A_47 = %scan3A_20 to %scan3A_22 step %scan3A_23 iter_args(%scan3A_48 = %scan3A_19) -> (i32)  : i32 {
      %mul3A_49 = arith.constant 2 : i32
      %mul3A_50 = arith.muli %mul3A_49, %scan3A_47 : i32
      %add3A_51 = arith.addi %mul3A_3, %mul3A_50 : i32
      %dma_start3A = arith.constant 0 : i32
      %dma_start3A_52 = arith.constant 0 : i32
      %dma_start3A_53 = tpu.memref_slice %arg6[%dma_start3A, %dma_start3A_52] : memref<2x128xi32, #tpu.memory_space<vmem>> -> memref<1x128xi32, #tpu.memory_space<vmem>>
      %dma_start3A_54 = tpu.memref_squeeze %dma_start3A_53 : memref<1x128xi32, #tpu.memory_space<vmem>> -> memref<128xi32, #tpu.memory_space<vmem>>
      %dma_start3A_55 = arith.constant 0 : i32
      %dma_start3A_56 = tpu.memref_slice %arg3[%add3A_51, %dma_start3A_55] : memref<2560x128xi32, #tpu.memory_space<hbm>> -> memref<1x128xi32, #tpu.memory_space<hbm>>
      %dma_start3A_57 = tpu.memref_squeeze %dma_start3A_56 : memref<1x128xi32, #tpu.memory_space<hbm>> -> memref<128xi32, #tpu.memory_space<hbm>>
      %dma_start3A_58 = arith.constant 0 : i32
      %dma_start3A_59 = tpu.memref_slice %arg6[%dma_start3A, %dma_start3A_58] : memref<2x128xi32, #tpu.memory_space<vmem>> -> memref<1x128xi32, #tpu.memory_space<vmem>>
      %dma_start3A_60 = tpu.memref_squeeze %dma_start3A_59 : memref<1x128xi32, #tpu.memory_space<vmem>> -> memref<128xi32, #tpu.memory_space<vmem>>
      %dma_start3A_61 = arith.constant 0 : i32
      %dma_start3A_62 = tpu.memref_slice %arg3[%add3A_51, %dma_start3A_61] : memref<2560x128xi32, #tpu.memory_space<hbm>> -> memref<1x128xi32, #tpu.memory_space<hbm>>
      %dma_start3A_63 = tpu.memref_squeeze %dma_start3A_62 : memref<1x128xi32, #tpu.memory_space<hbm>> -> memref<128xi32, #tpu.memory_space<hbm>>
      tpu.enqueue_dma source(%dma_start3A_63 : memref<128xi32, #tpu.memory_space<hbm>>) target(%dma_start3A_60 : memref<128xi32, #tpu.memory_space<vmem>>) target_semaphore(%arg13 : memref<!tpu.dma_semaphore, #tpu.memory_space<semaphore_mem>>)
      %add3A_64 = arith.addi %mul3A_3, %mul3A_50 : i32
      %dma_start3A_65 = arith.constant 0 : i32
      %dma_start3A_66 = arith.constant 0 : i32
      %dma_start3A_67 = tpu.memref_slice %arg7[%dma_start3A_65, %dma_start3A_66] : memref<2x128xi32, #tpu.memory_space<vmem>> -> memref<1x128xi32, #tpu.memory_space<vmem>>
      %dma_start3A_68 = tpu.memref_squeeze %dma_start3A_67 : memref<1x128xi32, #tpu.memory_space<vmem>> -> memref<128xi32, #tpu.memory_space<vmem>>
      %dma_start3A_69 = arith.constant 0 : i32
      %dma_start3A_70 = tpu.memref_slice %arg4[%add3A_64, %dma_start3A_69] : memref<2560x128xi32, #tpu.memory_space<hbm>> -> memref<1x128xi32, #tpu.memory_space<hbm>>
      %dma_start3A_71 = tpu.memref_squeeze %dma_start3A_70 : memref<1x128xi32, #tpu.memory_space<hbm>> -> memref<128xi32, #tpu.memory_space<hbm>>
      %dma_start3A_72 = arith.constant 0 : i32
      %dma_start3A_73 = tpu.memref_slice %arg7[%dma_start3A_65, %dma_start3A_72] : memref<2x128xi32, #tpu.memory_space<vmem>> -> memref<1x128xi32, #tpu.memory_space<vmem>>
      %dma_start3A_74 = tpu.memref_squeeze %dma_start3A_73 : memref<1x128xi32, #tpu.memory_space<vmem>> -> memref<128xi32, #tpu.memory_space<vmem>>
      %dma_start3A_75 = arith.constant 0 : i32
      %dma_start3A_76 = tpu.memref_slice %arg4[%add3A_64, %dma_start3A_75] : memref<2560x128xi32, #tpu.memory_space<hbm>> -> memref<1x128xi32, #tpu.memory_space<hbm>>
      %dma_start3A_77 = tpu.memref_squeeze %dma_start3A_76 : memref<1x128xi32, #tpu.memory_space<hbm>> -> memref<128xi32, #tpu.memory_space<hbm>>
      tpu.enqueue_dma source(%dma_start3A_77 : memref<128xi32, #tpu.memory_space<hbm>>) target(%dma_start3A_74 : memref<128xi32, #tpu.memory_space<vmem>>) target_semaphore(%arg13 : memref<!tpu.dma_semaphore, #tpu.memory_space<semaphore_mem>>)
      %add3A_78 = arith.addi %mul3A_3, %mul3A_50 : i32
      %add3A_79 = arith.constant 1 : i32
      %add3A_80 = arith.addi %add3A_78, %add3A_79 : i32
      %dma_start3A_81 = arith.constant 1 : i32
      %dma_start3A_82 = arith.constant 0 : i32
      %dma_start3A_83 = tpu.memref_slice %arg6[%dma_start3A_81, %dma_start3A_82] : memref<2x128xi32, #tpu.memory_space<vmem>> -> memref<1x128xi32, #tpu.memory_space<vmem>>
      %dma_start3A_84 = tpu.memref_squeeze %dma_start3A_83 : memref<1x128xi32, #tpu.memory_space<vmem>> -> memref<128xi32, #tpu.memory_space<vmem>>
      %dma_start3A_85 = arith.constant 0 : i32
      %dma_start3A_86 = tpu.memref_slice %arg3[%add3A_80, %dma_start3A_85] : memref<2560x128xi32, #tpu.memory_space<hbm>> -> memref<1x128xi32, #tpu.memory_space<hbm>>
      %dma_start3A_87 = tpu.memref_squeeze %dma_start3A_86 : memref<1x128xi32, #tpu.memory_space<hbm>> -> memref<128xi32, #tpu.memory_space<hbm>>
      %dma_start3A_88 = arith.constant 0 : i32
      %dma_start3A_89 = tpu.memref_slice %arg6[%dma_start3A_81, %dma_start3A_88] : memref<2x128xi32, #tpu.memory_space<vmem>> -> memref<1x128xi32, #tpu.memory_space<vmem>>
      %dma_start3A_90 = tpu.memref_squeeze %dma_start3A_89 : memref<1x128xi32, #tpu.memory_space<vmem>> -> memref<128xi32, #tpu.memory_space<vmem>>
      %dma_start3A_91 = arith.constant 0 : i32
      %dma_start3A_92 = tpu.memref_slice %arg3[%add3A_80, %dma_start3A_91] : memref<2560x128xi32, #tpu.memory_space<hbm>> -> memref<1x128xi32, #tpu.memory_space<hbm>>
      %dma_start3A_93 = tpu.memref_squeeze %dma_start3A_92 : memref<1x128xi32, #tpu.memory_space<hbm>> -> memref<128xi32, #tpu.memory_space<hbm>>
      tpu.enqueue_dma source(%dma_start3A_93 : memref<128xi32, #tpu.memory_space<hbm>>) target(%dma_start3A_90 : memref<128xi32, #tpu.memory_space<vmem>>) target_semaphore(%arg13 : memref<!tpu.dma_semaphore, #tpu.memory_space<semaphore_mem>>)
      %add3A_94 = arith.addi %mul3A_3, %mul3A_50 : i32
      %add3A_95 = arith.constant 1 : i32
      %add3A_96 = arith.addi %add3A_94, %add3A_95 : i32
      %dma_start3A_97 = arith.constant 1 : i32
      %dma_start3A_98 = arith.constant 0 : i32
      %dma_start3A_99 = tpu.memref_slice %arg7[%dma_start3A_97, %dma_start3A_98] : memref<2x128xi32, #tpu.memory_space<vmem>> -> memref<1x128xi32, #tpu.memory_space<vmem>>
      %dma_start3A_100 = tpu.memref_squeeze %dma_start3A_99 : memref<1x128xi32, #tpu.memory_space<vmem>> -> memref<128xi32, #tpu.memory_space<vmem>>
      %dma_start3A_101 = arith.constant 0 : i32
      %dma_start3A_102 = tpu.memref_slice %arg4[%add3A_96, %dma_start3A_101] : memref<2560x128xi32, #tpu.memory_space<hbm>> -> memref<1x128xi32, #tpu.memory_space<hbm>>
      %dma_start3A_103 = tpu.memref_squeeze %dma_start3A_102 : memref<1x128xi32, #tpu.memory_space<hbm>> -> memref<128xi32, #tpu.memory_space<hbm>>
      %dma_start3A_104 = arith.constant 0 : i32
      %dma_start3A_105 = tpu.memref_slice %arg7[%dma_start3A_97, %dma_start3A_104] : memref<2x128xi32, #tpu.memory_space<vmem>> -> memref<1x128xi32, #tpu.memory_space<vmem>>
      %dma_start3A_106 = tpu.memref_squeeze %dma_start3A_105 : memref<1x128xi32, #tpu.memory_space<vmem>> -> memref<128xi32, #tpu.memory_space<vmem>>
      %dma_start3A_107 = arith.constant 0 : i32
      %dma_start3A_108 = tpu.memref_slice %arg4[%add3A_96, %dma_start3A_107] : memref<2560x128xi32, #tpu.memory_space<hbm>> -> memref<1x128xi32, #tpu.memory_space<hbm>>
      %dma_start3A_109 = tpu.memref_squeeze %dma_start3A_108 : memref<1x128xi32, #tpu.memory_space<hbm>> -> memref<128xi32, #tpu.memory_space<hbm>>
      tpu.enqueue_dma source(%dma_start3A_109 : memref<128xi32, #tpu.memory_space<hbm>>) target(%dma_start3A_106 : memref<128xi32, #tpu.memory_space<vmem>>) target_semaphore(%arg13 : memref<!tpu.dma_semaphore, #tpu.memory_space<semaphore_mem>>)
      %dma_wait3A = arith.constant 0 : i32
      %dma_wait3A_110 = arith.constant 0 : i32
      %dma_wait3A_111 = tpu.memref_slice %arg6[%dma_wait3A, %dma_wait3A_110] : memref<2x128xi32, #tpu.memory_space<vmem>> -> memref<1x128xi32, #tpu.memory_space<vmem>>
      %dma_wait3A_112 = tpu.memref_squeeze %dma_wait3A_111 : memref<1x128xi32, #tpu.memory_space<vmem>> -> memref<128xi32, #tpu.memory_space<vmem>>
      %dma_wait3A_113 = arith.constant 0 : i32
      %dma_wait3A_114 = tpu.memref_slice %arg3[%add3A_51, %dma_wait3A_113] : memref<2560x128xi32, #tpu.memory_space<hbm>> -> memref<1x128xi32, #tpu.memory_space<hbm>>
      %dma_wait3A_115 = tpu.memref_squeeze %dma_wait3A_114 : memref<1x128xi32, #tpu.memory_space<hbm>> -> memref<128xi32, #tpu.memory_space<hbm>>
      %dma_wait3A_116 = arith.constant 0 : i32
      %dma_wait3A_117 = tpu.memref_slice %arg6[%dma_wait3A, %dma_wait3A_116] : memref<2x128xi32, #tpu.memory_space<vmem>> -> memref<1x128xi32, #tpu.memory_space<vmem>>
      %dma_wait3A_118 = tpu.memref_squeeze %dma_wait3A_117 : memref<1x128xi32, #tpu.memory_space<vmem>> -> memref<128xi32, #tpu.memory_space<vmem>>
      %dma_wait3A_119 = arith.constant 0 : i32
      %dma_wait3A_120 = tpu.memref_slice %arg3[%add3A_51, %dma_wait3A_119] : memref<2560x128xi32, #tpu.memory_space<hbm>> -> memref<1x128xi32, #tpu.memory_space<hbm>>
      %dma_wait3A_121 = tpu.memref_squeeze %dma_wait3A_120 : memref<1x128xi32, #tpu.memory_space<hbm>> -> memref<128xi32, #tpu.memory_space<hbm>>
      tpu.wait_dma2 semaphore(%arg13 : memref<!tpu.dma_semaphore, #tpu.memory_space<semaphore_mem>>) src(%dma_wait3A_121 : memref<128xi32, #tpu.memory_space<hbm>>) dst(%dma_wait3A_118 : memref<128xi32, #tpu.memory_space<vmem>>)
      %dma_start3A_122 = arith.constant 0 : i32
      %dma_start3A_123 = arith.constant 0 : i32
      %dma_start3A_124 = tpu.memref_slice %arg6[%dma_start3A_122, %dma_start3A_123] : memref<2x128xi32, #tpu.memory_space<vmem>> -> memref<1x128xi32, #tpu.memory_space<vmem>>
      %dma_start3A_125 = tpu.memref_squeeze %dma_start3A_124 : memref<1x128xi32, #tpu.memory_space<vmem>> -> memref<128xi32, #tpu.memory_space<vmem>>
      %dma_start3A_126 = arith.constant 0 : i32
      %dma_start3A_127 = arith.constant 0 : i32
      %dma_start3A_128 = tpu.memref_slice %arg2[%dma_start3A_126, %dma_start3A_127] : memref<10000x128xf32, #tpu.memory_space<hbm>> -> memref<10000x128xf32, #tpu.memory_space<hbm>>
      tpu.enqueue_indirect_dma source(%dma_start3A_128 : memref<10000x128xf32, #tpu.memory_space<hbm>>) target(%arg8 : memref<128x128xf32, #tpu.memory_space<vmem>>) offsets(%dma_start3A_125 : memref<128xi32, #tpu.memory_space<vmem>>) semaphore(%arg11 : memref<!tpu.dma_semaphore, #tpu.memory_space<semaphore_mem>>)
      %dma_wait3A_129 = arith.constant 1 : i32
      %dma_wait3A_130 = arith.constant 0 : i32
      %dma_wait3A_131 = tpu.memref_slice %arg6[%dma_wait3A_129, %dma_wait3A_130] : memref<2x128xi32, #tpu.memory_space<vmem>> -> memref<1x128xi32, #tpu.memory_space<vmem>>
      %dma_wait3A_132 = tpu.memref_squeeze %dma_wait3A_131 : memref<1x128xi32, #tpu.memory_space<vmem>> -> memref<128xi32, #tpu.memory_space<vmem>>
      %dma_wait3A_133 = arith.constant 0 : i32
      %dma_wait3A_134 = tpu.memref_slice %arg3[%add3A_80, %dma_wait3A_133] : memref<2560x128xi32, #tpu.memory_space<hbm>> -> memref<1x128xi32, #tpu.memory_space<hbm>>
      %dma_wait3A_135 = tpu.memref_squeeze %dma_wait3A_134 : memref<1x128xi32, #tpu.memory_space<hbm>> -> memref<128xi32, #tpu.memory_space<hbm>>
      %dma_wait3A_136 = arith.constant 0 : i32
      %dma_wait3A_137 = tpu.memref_slice %arg6[%dma_wait3A_129, %dma_wait3A_136] : memref<2x128xi32, #tpu.memory_space<vmem>> -> memref<1x128xi32, #tpu.memory_space<vmem>>
      %dma_wait3A_138 = tpu.memref_squeeze %dma_wait3A_137 : memref<1x128xi32, #tpu.memory_space<vmem>> -> memref<128xi32, #tpu.memory_space<vmem>>
      %dma_wait3A_139 = arith.constant 0 : i32
      %dma_wait3A_140 = tpu.memref_slice %arg3[%add3A_80, %dma_wait3A_139] : memref<2560x128xi32, #tpu.memory_space<hbm>> -> memref<1x128xi32, #tpu.memory_space<hbm>>
      %dma_wait3A_141 = tpu.memref_squeeze %dma_wait3A_140 : memref<1x128xi32, #tpu.memory_space<hbm>> -> memref<128xi32, #tpu.memory_space<hbm>>
      tpu.wait_dma2 semaphore(%arg13 : memref<!tpu.dma_semaphore, #tpu.memory_space<semaphore_mem>>) src(%dma_wait3A_141 : memref<128xi32, #tpu.memory_space<hbm>>) dst(%dma_wait3A_138 : memref<128xi32, #tpu.memory_space<vmem>>)
      %dma_start3A_142 = arith.constant 1 : i32
      %dma_start3A_143 = arith.constant 0 : i32
      %dma_start3A_144 = tpu.memref_slice %arg6[%dma_start3A_142, %dma_start3A_143] : memref<2x128xi32, #tpu.memory_space<vmem>> -> memref<1x128xi32, #tpu.memory_space<vmem>>
      %dma_start3A_145 = tpu.memref_squeeze %dma_start3A_144 : memref<1x128xi32, #tpu.memory_space<vmem>> -> memref<128xi32, #tpu.memory_space<vmem>>
      %dma_start3A_146 = arith.constant 0 : i32
      %dma_start3A_147 = arith.constant 0 : i32
      %dma_start3A_148 = tpu.memref_slice %arg2[%dma_start3A_146, %dma_start3A_147] : memref<10000x128xf32, #tpu.memory_space<hbm>> -> memref<10000x128xf32, #tpu.memory_space<hbm>>
      tpu.enqueue_indirect_dma source(%dma_start3A_148 : memref<10000x128xf32, #tpu.memory_space<hbm>>) target(%arg9 : memref<128x128xf32, #tpu.memory_space<vmem>>) offsets(%dma_start3A_145 : memref<128xi32, #tpu.memory_space<vmem>>) semaphore(%arg11 : memref<!tpu.dma_semaphore, #tpu.memory_space<semaphore_mem>>)
      %dma_wait3A_149 = arith.constant 0 : i32
      %dma_wait3A_150 = arith.constant 0 : i32
      %dma_wait3A_151 = tpu.memref_slice %arg7[%dma_wait3A_149, %dma_wait3A_150] : memref<2x128xi32, #tpu.memory_space<vmem>> -> memref<1x128xi32, #tpu.memory_space<vmem>>
      %dma_wait3A_152 = tpu.memref_squeeze %dma_wait3A_151 : memref<1x128xi32, #tpu.memory_space<vmem>> -> memref<128xi32, #tpu.memory_space<vmem>>
      %dma_wait3A_153 = arith.constant 0 : i32
      %dma_wait3A_154 = tpu.memref_slice %arg4[%add3A_64, %dma_wait3A_153] : memref<2560x128xi32, #tpu.memory_space<hbm>> -> memref<1x128xi32, #tpu.memory_space<hbm>>
      %dma_wait3A_155 = tpu.memref_squeeze %dma_wait3A_154 : memref<1x128xi32, #tpu.memory_space<hbm>> -> memref<128xi32, #tpu.memory_space<hbm>>
      %dma_wait3A_156 = arith.constant 0 : i32
      %dma_wait3A_157 = tpu.memref_slice %arg7[%dma_wait3A_149, %dma_wait3A_156] : memref<2x128xi32, #tpu.memory_space<vmem>> -> memref<1x128xi32, #tpu.memory_space<vmem>>
      %dma_wait3A_158 = tpu.memref_squeeze %dma_wait3A_157 : memref<1x128xi32, #tpu.memory_space<vmem>> -> memref<128xi32, #tpu.memory_space<vmem>>
      %dma_wait3A_159 = arith.constant 0 : i32
      %dma_wait3A_160 = tpu.memref_slice %arg4[%add3A_64, %dma_wait3A_159] : memref<2560x128xi32, #tpu.memory_space<hbm>> -> memref<1x128xi32, #tpu.memory_space<hbm>>
      %dma_wait3A_161 = tpu.memref_squeeze %dma_wait3A_160 : memref<1x128xi32, #tpu.memory_space<hbm>> -> memref<128xi32, #tpu.memory_space<hbm>>
      tpu.wait_dma2 semaphore(%arg13 : memref<!tpu.dma_semaphore, #tpu.memory_space<semaphore_mem>>) src(%dma_wait3A_161 : memref<128xi32, #tpu.memory_space<hbm>>) dst(%dma_wait3A_158 : memref<128xi32, #tpu.memory_space<vmem>>)
      %dma_wait3A_162 = arith.constant 1 : i32
      %dma_wait3A_163 = arith.constant 0 : i32
      %dma_wait3A_164 = tpu.memref_slice %arg7[%dma_wait3A_162, %dma_wait3A_163] : memref<2x128xi32, #tpu.memory_space<vmem>> -> memref<1x128xi32, #tpu.memory_space<vmem>>
      %dma_wait3A_165 = tpu.memref_squeeze %dma_wait3A_164 : memref<1x128xi32, #tpu.memory_space<vmem>> -> memref<128xi32, #tpu.memory_space<vmem>>
      %dma_wait3A_166 = arith.constant 0 : i32
      %dma_wait3A_167 = tpu.memref_slice %arg4[%add3A_96, %dma_wait3A_166] : memref<2560x128xi32, #tpu.memory_space<hbm>> -> memref<1x128xi32, #tpu.memory_space<hbm>>
      %dma_wait3A_168 = tpu.memref_squeeze %dma_wait3A_167 : memref<1x128xi32, #tpu.memory_space<hbm>> -> memref<128xi32, #tpu.memory_space<hbm>>
      %dma_wait3A_169 = arith.constant 0 : i32
      %dma_wait3A_170 = tpu.memref_slice %arg7[%dma_wait3A_162, %dma_wait3A_169] : memref<2x128xi32, #tpu.memory_space<vmem>> -> memref<1x128xi32, #tpu.memory_space<vmem>>
      %dma_wait3A_171 = tpu.memref_squeeze %dma_wait3A_170 : memref<1x128xi32, #tpu.memory_space<vmem>> -> memref<128xi32, #tpu.memory_space<vmem>>
      %dma_wait3A_172 = arith.constant 0 : i32
      %dma_wait3A_173 = tpu.memref_slice %arg4[%add3A_96, %dma_wait3A_172] : memref<2560x128xi32, #tpu.memory_space<hbm>> -> memref<1x128xi32, #tpu.memory_space<hbm>>
      %dma_wait3A_174 = tpu.memref_squeeze %dma_wait3A_173 : memref<1x128xi32, #tpu.memory_space<hbm>> -> memref<128xi32, #tpu.memory_space<hbm>>
      tpu.wait_dma2 semaphore(%arg13 : memref<!tpu.dma_semaphore, #tpu.memory_space<semaphore_mem>>) src(%dma_wait3A_174 : memref<128xi32, #tpu.memory_space<hbm>>) dst(%dma_wait3A_171 : memref<128xi32, #tpu.memory_space<vmem>>)
      %dma_wait3A_175 = arith.constant 0 : i32
      %dma_wait3A_176 = arith.constant 0 : i32
      %dma_wait3A_177 = tpu.memref_slice %arg6[%dma_wait3A_175, %dma_wait3A_176] : memref<2x128xi32, #tpu.memory_space<vmem>> -> memref<1x128xi32, #tpu.memory_space<vmem>>
      %dma_wait3A_178 = tpu.memref_squeeze %dma_wait3A_177 : memref<1x128xi32, #tpu.memory_space<vmem>> -> memref<128xi32, #tpu.memory_space<vmem>>
      %dma_wait3A_179 = arith.constant 0 : i32
      %dma_wait3A_180 = arith.constant 0 : i32
      %dma_wait3A_181 = tpu.memref_slice %arg2[%dma_wait3A_179, %dma_wait3A_180] : memref<10000x128xf32, #tpu.memory_space<hbm>> -> memref<10000x128xf32, #tpu.memory_space<hbm>>
      tpu.wait_indirect_dma semaphore(%arg11 : memref<!tpu.dma_semaphore, #tpu.memory_space<semaphore_mem>>) src(%dma_wait3A_181 : memref<10000x128xf32, #tpu.memory_space<hbm>>) dst(%arg8 : memref<128x128xf32, #tpu.memory_space<vmem>>)
      %dma_start3A_182 = arith.constant 0 : i32
      %dma_start3A_183 = arith.constant 0 : i32
      %dma_start3A_184 = tpu.memref_slice %arg7[%dma_start3A_182, %dma_start3A_183] : memref<2x128xi32, #tpu.memory_space<vmem>> -> memref<1x128xi32, #tpu.memory_space<vmem>>
      %dma_start3A_185 = tpu.memref_squeeze %dma_start3A_184 : memref<1x128xi32, #tpu.memory_space<vmem>> -> memref<128xi32, #tpu.memory_space<vmem>>
      %dma_start3A_186 = arith.constant 0 : i32
      %dma_start3A_187 = arith.constant 0 : i32
      %dma_start3A_188 = tpu.memref_slice %arg10[%dma_start3A_186, %dma_start3A_187] : memref<10240x128xf32, #tpu.memory_space<vmem_shared>> -> memref<10240x128xf32, #tpu.memory_space<vmem_shared>>
      tpu.enqueue_indirect_dma source(%arg8 : memref<128x128xf32, #tpu.memory_space<vmem>>) target(%dma_start3A_188 : memref<10240x128xf32, #tpu.memory_space<vmem_shared>>) offsets(%dma_start3A_185 : memref<128xi32, #tpu.memory_space<vmem>>) semaphore(%arg12 : memref<!tpu.dma_semaphore, #tpu.memory_space<semaphore_mem>>) {add = true}
      %dma_wait3A_189 = arith.constant 1 : i32
      %dma_wait3A_190 = arith.constant 0 : i32
      %dma_wait3A_191 = tpu.memref_slice %arg6[%dma_wait3A_189, %dma_wait3A_190] : memref<2x128xi32, #tpu.memory_space<vmem>> -> memref<1x128xi32, #tpu.memory_space<vmem>>
      %dma_wait3A_192 = tpu.memref_squeeze %dma_wait3A_191 : memref<1x128xi32, #tpu.memory_space<vmem>> -> memref<128xi32, #tpu.memory_space<vmem>>
      %dma_wait3A_193 = arith.constant 0 : i32
      %dma_wait3A_194 = arith.constant 0 : i32
      %dma_wait3A_195 = tpu.memref_slice %arg2[%dma_wait3A_193, %dma_wait3A_194] : memref<10000x128xf32, #tpu.memory_space<hbm>> -> memref<10000x128xf32, #tpu.memory_space<hbm>>
      tpu.wait_indirect_dma semaphore(%arg11 : memref<!tpu.dma_semaphore, #tpu.memory_space<semaphore_mem>>) src(%dma_wait3A_195 : memref<10000x128xf32, #tpu.memory_space<hbm>>) dst(%arg9 : memref<128x128xf32, #tpu.memory_space<vmem>>)
      %dma_start3A_196 = arith.constant 1 : i32
      %dma_start3A_197 = arith.constant 0 : i32
      %dma_start3A_198 = tpu.memref_slice %arg7[%dma_start3A_196, %dma_start3A_197] : memref<2x128xi32, #tpu.memory_space<vmem>> -> memref<1x128xi32, #tpu.memory_space<vmem>>
      %dma_start3A_199 = tpu.memref_squeeze %dma_start3A_198 : memref<1x128xi32, #tpu.memory_space<vmem>> -> memref<128xi32, #tpu.memory_space<vmem>>
      %dma_start3A_200 = arith.constant 0 : i32
      %dma_start3A_201 = arith.constant 0 : i32
      %dma_start3A_202 = tpu.memref_slice %arg10[%dma_start3A_200, %dma_start3A_201] : memref<10240x128xf32, #tpu.memory_space<vmem_shared>> -> memref<10240x128xf32, #tpu.memory_space<vmem_shared>>
      tpu.enqueue_indirect_dma source(%arg9 : memref<128x128xf32, #tpu.memory_space<vmem>>) target(%dma_start3A_202 : memref<10240x128xf32, #tpu.memory_space<vmem_shared>>) offsets(%dma_start3A_199 : memref<128xi32, #tpu.memory_space<vmem>>) semaphore(%arg12 : memref<!tpu.dma_semaphore, #tpu.memory_space<semaphore_mem>>) {add = true}
      %dma_wait3A_203 = arith.constant 0 : i32
      %dma_wait3A_204 = arith.constant 0 : i32
      %dma_wait3A_205 = tpu.memref_slice %arg7[%dma_wait3A_203, %dma_wait3A_204] : memref<2x128xi32, #tpu.memory_space<vmem>> -> memref<1x128xi32, #tpu.memory_space<vmem>>
      %dma_wait3A_206 = tpu.memref_squeeze %dma_wait3A_205 : memref<1x128xi32, #tpu.memory_space<vmem>> -> memref<128xi32, #tpu.memory_space<vmem>>
      %dma_wait3A_207 = arith.constant 0 : i32
      %dma_wait3A_208 = arith.constant 0 : i32
      %dma_wait3A_209 = tpu.memref_slice %arg10[%dma_wait3A_207, %dma_wait3A_208] : memref<10240x128xf32, #tpu.memory_space<vmem_shared>> -> memref<10240x128xf32, #tpu.memory_space<vmem_shared>>
      tpu.wait_indirect_dma semaphore(%arg12 : memref<!tpu.dma_semaphore, #tpu.memory_space<semaphore_mem>>) src(%arg8 : memref<128x128xf32, #tpu.memory_space<vmem>>) dst(%dma_wait3A_209 : memref<10240x128xf32, #tpu.memory_space<vmem_shared>>)
      %dma_wait3A_210 = arith.constant 1 : i32
      %dma_wait3A_211 = arith.constant 0 : i32
      %dma_wait3A_212 = tpu.memref_slice %arg7[%dma_wait3A_210, %dma_wait3A_211] : memref<2x128xi32, #tpu.memory_space<vmem>> -> memref<1x128xi32, #tpu.memory_space<vmem>>
      %dma_wait3A_213 = tpu.memref_squeeze %dma_wait3A_212 : memref<1x128xi32, #tpu.memory_space<vmem>> -> memref<128xi32, #tpu.memory_space<vmem>>
      %dma_wait3A_214 = arith.constant 0 : i32
      %dma_wait3A_215 = arith.constant 0 : i32
      %dma_wait3A_216 = tpu.memref_slice %arg10[%dma_wait3A_214, %dma_wait3A_215] : memref<10240x128xf32, #tpu.memory_space<vmem_shared>> -> memref<10240x128xf32, #tpu.memory_space<vmem_shared>>
      tpu.wait_indirect_dma semaphore(%arg12 : memref<!tpu.dma_semaphore, #tpu.memory_space<semaphore_mem>>) src(%arg9 : memref<128x128xf32, #tpu.memory_space<vmem>>) dst(%dma_wait3A_216 : memref<10240x128xf32, #tpu.memory_space<vmem_shared>>)
      %scan3A_217 = arith.constant 0 : i32
      scf.yield %scan3A_217 : i32
    }
    %scan3A_25 = arith.constant 80 : i32
    %barrier3A_26 = arith.constant 0 : index
    tpu.barrier barrier_id(%barrier3A_26)
    %add3A_27 = arith.constant 0 : i32
    %add3A_28 = arith.addi %mul3A_1, %add3A_27 : i32
    "tpu.region"() ({
      %run_scoped3A = tpu.sem_alloc : memref<!tpu.dma_semaphore, #tpu.memory_space<semaphore_mem>>
      %dma_start3A = arith.constant 0 : i32
      %dma_start3A_47 = tpu.memref_slice %arg10[%add3A_28, %dma_start3A] : memref<10240x128xf32, #tpu.memory_space<vmem_shared>> -> memref<128x128xf32, #tpu.memory_space<vmem_shared>>
      %dma_start3A_48 = arith.constant 0 : i32
      %dma_start3A_49 = tpu.memref_slice %arg10[%add3A_28, %dma_start3A_48] : memref<10240x128xf32, #tpu.memory_space<vmem_shared>> -> memref<128x128xf32, #tpu.memory_space<vmem_shared>>
      tpu.enqueue_dma source(%dma_start3A_49 : memref<128x128xf32, #tpu.memory_space<vmem_shared>>) target(%arg8 : memref<128x128xf32, #tpu.memory_space<vmem>>) target_semaphore(%run_scoped3A : memref<!tpu.dma_semaphore, #tpu.memory_space<semaphore_mem>>)
      %dma_wait3A = arith.constant 0 : i32
      %dma_wait3A_50 = tpu.memref_slice %arg10[%add3A_28, %dma_wait3A] : memref<10240x128xf32, #tpu.memory_space<vmem_shared>> -> memref<128x128xf32, #tpu.memory_space<vmem_shared>>
      %dma_wait3A_51 = arith.constant 0 : i32
      %dma_wait3A_52 = tpu.memref_slice %arg10[%add3A_28, %dma_wait3A_51] : memref<10240x128xf32, #tpu.memory_space<vmem_shared>> -> memref<128x128xf32, #tpu.memory_space<vmem_shared>>
      tpu.wait_dma2 semaphore(%run_scoped3A : memref<!tpu.dma_semaphore, #tpu.memory_space<semaphore_mem>>) src(%dma_wait3A_52 : memref<128x128xf32, #tpu.memory_space<vmem_shared>>) dst(%arg8 : memref<128x128xf32, #tpu.memory_space<vmem>>)
      tpu.yield
    }) : () -> ()
    %add3A_29 = arith.constant 0 : i32
    %add3A_30 = arith.addi %mul3A_1, %add3A_29 : i32
    "tpu.region"() ({
      %run_scoped3A = tpu.sem_alloc : memref<!tpu.dma_semaphore, #tpu.memory_space<semaphore_mem>>
      %dma_start3A = arith.constant 0 : i32
      %dma_start3A_47 = tpu.memref_slice %arg5[%add3A_30, %dma_start3A] : memref<10240x128xf32, #tpu.memory_space<hbm>> -> memref<128x128xf32, #tpu.memory_space<hbm>>
      %dma_start3A_48 = arith.constant 0 : i32
      %dma_start3A_49 = tpu.memref_slice %arg5[%add3A_30, %dma_start3A_48] : memref<10240x128xf32, #tpu.memory_space<hbm>> -> memref<128x128xf32, #tpu.memory_space<hbm>>
      tpu.enqueue_dma source(%arg8 : memref<128x128xf32, #tpu.memory_space<vmem>>) target(%dma_start3A_49 : memref<128x128xf32, #tpu.memory_space<hbm>>) target_semaphore(%run_scoped3A : memref<!tpu.dma_semaphore, #tpu.memory_space<semaphore_mem>>)
      %dma_wait3A = arith.constant 0 : i32
      %dma_wait3A_50 = tpu.memref_slice %arg5[%add3A_30, %dma_wait3A] : memref<10240x128xf32, #tpu.memory_space<hbm>> -> memref<128x128xf32, #tpu.memory_space<hbm>>
      %dma_wait3A_51 = arith.constant 0 : i32
      %dma_wait3A_52 = tpu.memref_slice %arg5[%add3A_30, %dma_wait3A_51] : memref<10240x128xf32, #tpu.memory_space<hbm>> -> memref<128x128xf32, #tpu.memory_space<hbm>>
      tpu.wait_dma2 semaphore(%run_scoped3A : memref<!tpu.dma_semaphore, #tpu.memory_space<semaphore_mem>>) src(%arg8 : memref<128x128xf32, #tpu.memory_space<vmem>>) dst(%dma_wait3A_52 : memref<128x128xf32, #tpu.memory_space<hbm>>)
      tpu.yield
    }) : () -> ()
    %add3A_31 = arith.constant 128 : i32
    %add3A_32 = arith.addi %mul3A_1, %add3A_31 : i32
    "tpu.region"() ({
      %run_scoped3A = tpu.sem_alloc : memref<!tpu.dma_semaphore, #tpu.memory_space<semaphore_mem>>
      %dma_start3A = arith.constant 0 : i32
      %dma_start3A_47 = tpu.memref_slice %arg10[%add3A_32, %dma_start3A] : memref<10240x128xf32, #tpu.memory_space<vmem_shared>> -> memref<128x128xf32, #tpu.memory_space<vmem_shared>>
      %dma_start3A_48 = arith.constant 0 : i32
      %dma_start3A_49 = tpu.memref_slice %arg10[%add3A_32, %dma_start3A_48] : memref<10240x128xf32, #tpu.memory_space<vmem_shared>> -> memref<128x128xf32, #tpu.memory_space<vmem_shared>>
      tpu.enqueue_dma source(%dma_start3A_49 : memref<128x128xf32, #tpu.memory_space<vmem_shared>>) target(%arg8 : memref<128x128xf32, #tpu.memory_space<vmem>>) target_semaphore(%run_scoped3A : memref<!tpu.dma_semaphore, #tpu.memory_space<semaphore_mem>>)
      %dma_wait3A = arith.constant 0 : i32
      %dma_wait3A_50 = tpu.memref_slice %arg10[%add3A_32, %dma_wait3A] : memref<10240x128xf32, #tpu.memory_space<vmem_shared>> -> memref<128x128xf32, #tpu.memory_space<vmem_shared>>
      %dma_wait3A_51 = arith.constant 0 : i32
      %dma_wait3A_52 = tpu.memref_slice %arg10[%add3A_32, %dma_wait3A_51] : memref<10240x128xf32, #tpu.memory_space<vmem_shared>> -> memref<128x128xf32, #tpu.memory_space<vmem_shared>>
      tpu.wait_dma2 semaphore(%run_scoped3A : memref<!tpu.dma_semaphore, #tpu.memory_space<semaphore_mem>>) src(%dma_wait3A_52 : memref<128x128xf32, #tpu.memory_space<vmem_shared>>) dst(%arg8 : memref<128x128xf32, #tpu.memory_space<vmem>>)
      tpu.yield
    }) : () -> ()
    %add3A_33 = arith.constant 128 : i32
    %add3A_34 = arith.addi %mul3A_1, %add3A_33 : i32
    "tpu.region"() ({
      %run_scoped3A = tpu.sem_alloc : memref<!tpu.dma_semaphore, #tpu.memory_space<semaphore_mem>>
      %dma_start3A = arith.constant 0 : i32
      %dma_start3A_47 = tpu.memref_slice %arg5[%add3A_34, %dma_start3A] : memref<10240x128xf32, #tpu.memory_space<hbm>> -> memref<128x128xf32, #tpu.memory_space<hbm>>
      %dma_start3A_48 = arith.constant 0 : i32
      %dma_start3A_49 = tpu.memref_slice %arg5[%add3A_34, %dma_start3A_48] : memref<10240x128xf32, #tpu.memory_space<hbm>> -> memref<128x128xf32, #tpu.memory_space<hbm>>
      tpu.enqueue_dma source(%arg8 : memref<128x128xf32, #tpu.memory_space<vmem>>) target(%dma_start3A_49 : memref<128x128xf32, #tpu.memory_space<hbm>>) target_semaphore(%run_scoped3A : memref<!tpu.dma_semaphore, #tpu.memory_space<semaphore_mem>>)
      %dma_wait3A = arith.constant 0 : i32
      %dma_wait3A_50 = tpu.memref_slice %arg5[%add3A_34, %dma_wait3A] : memref<10240x128xf32, #tpu.memory_space<hbm>> -> memref<128x128xf32, #tpu.memory_space<hbm>>
      %dma_wait3A_51 = arith.constant 0 : i32
      %dma_wait3A_52 = tpu.memref_slice %arg5[%add3A_34, %dma_wait3A_51] : memref<10240x128xf32, #tpu.memory_space<hbm>> -> memref<128x128xf32, #tpu.memory_space<hbm>>
      tpu.wait_dma2 semaphore(%run_scoped3A : memref<!tpu.dma_semaphore, #tpu.memory_space<semaphore_mem>>) src(%arg8 : memref<128x128xf32, #tpu.memory_space<vmem>>) dst(%dma_wait3A_52 : memref<128x128xf32, #tpu.memory_space<hbm>>)
      tpu.yield
    }) : () -> ()
    %add3A_35 = arith.constant 256 : i32
    %add3A_36 = arith.addi %mul3A_1, %add3A_35 : i32
    "tpu.region"() ({
      %run_scoped3A = tpu.sem_alloc : memref<!tpu.dma_semaphore, #tpu.memory_space<semaphore_mem>>
      %dma_start3A = arith.constant 0 : i32
      %dma_start3A_47 = tpu.memref_slice %arg10[%add3A_36, %dma_start3A] : memref<10240x128xf32, #tpu.memory_space<vmem_shared>> -> memref<128x128xf32, #tpu.memory_space<vmem_shared>>
      %dma_start3A_48 = arith.constant 0 : i32
      %dma_start3A_49 = tpu.memref_slice %arg10[%add3A_36, %dma_start3A_48] : memref<10240x128xf32, #tpu.memory_space<vmem_shared>> -> memref<128x128xf32, #tpu.memory_space<vmem_shared>>
      tpu.enqueue_dma source(%dma_start3A_49 : memref<128x128xf32, #tpu.memory_space<vmem_shared>>) target(%arg8 : memref<128x128xf32, #tpu.memory_space<vmem>>) target_semaphore(%run_scoped3A : memref<!tpu.dma_semaphore, #tpu.memory_space<semaphore_mem>>)
      %dma_wait3A = arith.constant 0 : i32
      %dma_wait3A_50 = tpu.memref_slice %arg10[%add3A_36, %dma_wait3A] : memref<10240x128xf32, #tpu.memory_space<vmem_shared>> -> memref<128x128xf32, #tpu.memory_space<vmem_shared>>
      %dma_wait3A_51 = arith.constant 0 : i32
      %dma_wait3A_52 = tpu.memref_slice %arg10[%add3A_36, %dma_wait3A_51] : memref<10240x128xf32, #tpu.memory_space<vmem_shared>> -> memref<128x128xf32, #tpu.memory_space<vmem_shared>>
      tpu.wait_dma2 semaphore(%run_scoped3A : memref<!tpu.dma_semaphore, #tpu.memory_space<semaphore_mem>>) src(%dma_wait3A_52 : memref<128x128xf32, #tpu.memory_space<vmem_shared>>) dst(%arg8 : memref<128x128xf32, #tpu.memory_space<vmem>>)
      tpu.yield
    }) : () -> ()
    %add3A_37 = arith.constant 256 : i32
    %add3A_38 = arith.addi %mul3A_1, %add3A_37 : i32
    "tpu.region"() ({
      %run_scoped3A = tpu.sem_alloc : memref<!tpu.dma_semaphore, #tpu.memory_space<semaphore_mem>>
      %dma_start3A = arith.constant 0 : i32
      %dma_start3A_47 = tpu.memref_slice %arg5[%add3A_38, %dma_start3A] : memref<10240x128xf32, #tpu.memory_space<hbm>> -> memref<128x128xf32, #tpu.memory_space<hbm>>
      %dma_start3A_48 = arith.constant 0 : i32
      %dma_start3A_49 = tpu.memref_slice %arg5[%add3A_38, %dma_start3A_48] : memref<10240x128xf32, #tpu.memory_space<hbm>> -> memref<128x128xf32, #tpu.memory_space<hbm>>
      tpu.enqueue_dma source(%arg8 : memref<128x128xf32, #tpu.memory_space<vmem>>) target(%dma_start3A_49 : memref<128x128xf32, #tpu.memory_space<hbm>>) target_semaphore(%run_scoped3A : memref<!tpu.dma_semaphore, #tpu.memory_space<semaphore_mem>>)
      %dma_wait3A = arith.constant 0 : i32
      %dma_wait3A_50 = tpu.memref_slice %arg5[%add3A_38, %dma_wait3A] : memref<10240x128xf32, #tpu.memory_space<hbm>> -> memref<128x128xf32, #tpu.memory_space<hbm>>
      %dma_wait3A_51 = arith.constant 0 : i32
      %dma_wait3A_52 = tpu.memref_slice %arg5[%add3A_38, %dma_wait3A_51] : memref<10240x128xf32, #tpu.memory_space<hbm>> -> memref<128x128xf32, #tpu.memory_space<hbm>>
      tpu.wait_dma2 semaphore(%run_scoped3A : memref<!tpu.dma_semaphore, #tpu.memory_space<semaphore_mem>>) src(%arg8 : memref<128x128xf32, #tpu.memory_space<vmem>>) dst(%dma_wait3A_52 : memref<128x128xf32, #tpu.memory_space<hbm>>)
      tpu.yield
    }) : () -> ()
    %add3A_39 = arith.constant 384 : i32
    %add3A_40 = arith.addi %mul3A_1, %add3A_39 : i32
    "tpu.region"() ({
      %run_scoped3A = tpu.sem_alloc : memref<!tpu.dma_semaphore, #tpu.memory_space<semaphore_mem>>
      %dma_start3A = arith.constant 0 : i32
      %dma_start3A_47 = tpu.memref_slice %arg10[%add3A_40, %dma_start3A] : memref<10240x128xf32, #tpu.memory_space<vmem_shared>> -> memref<128x128xf32, #tpu.memory_space<vmem_shared>>
      %dma_start3A_48 = arith.constant 0 : i32
      %dma_start3A_49 = tpu.memref_slice %arg10[%add3A_40, %dma_start3A_48] : memref<10240x128xf32, #tpu.memory_space<vmem_shared>> -> memref<128x128xf32, #tpu.memory_space<vmem_shared>>
      tpu.enqueue_dma source(%dma_start3A_49 : memref<128x128xf32, #tpu.memory_space<vmem_shared>>) target(%arg8 : memref<128x128xf32, #tpu.memory_space<vmem>>) target_semaphore(%run_scoped3A : memref<!tpu.dma_semaphore, #tpu.memory_space<semaphore_mem>>)
      %dma_wait3A = arith.constant 0 : i32
      %dma_wait3A_50 = tpu.memref_slice %arg10[%add3A_40, %dma_wait3A] : memref<10240x128xf32, #tpu.memory_space<vmem_shared>> -> memref<128x128xf32, #tpu.memory_space<vmem_shared>>
      %dma_wait3A_51 = arith.constant 0 : i32
      %dma_wait3A_52 = tpu.memref_slice %arg10[%add3A_40, %dma_wait3A_51] : memref<10240x128xf32, #tpu.memory_space<vmem_shared>> -> memref<128x128xf32, #tpu.memory_space<vmem_shared>>
      tpu.wait_dma2 semaphore(%run_scoped3A : memref<!tpu.dma_semaphore, #tpu.memory_space<semaphore_mem>>) src(%dma_wait3A_52 : memref<128x128xf32, #tpu.memory_space<vmem_shared>>) dst(%arg8 : memref<128x128xf32, #tpu.memory_space<vmem>>)
      tpu.yield
    }) : () -> ()
    %add3A_41 = arith.constant 384 : i32
    %add3A_42 = arith.addi %mul3A_1, %add3A_41 : i32
    "tpu.region"() ({
      %run_scoped3A = tpu.sem_alloc : memref<!tpu.dma_semaphore, #tpu.memory_space<semaphore_mem>>
      %dma_start3A = arith.constant 0 : i32
      %dma_start3A_47 = tpu.memref_slice %arg5[%add3A_42, %dma_start3A] : memref<10240x128xf32, #tpu.memory_space<hbm>> -> memref<128x128xf32, #tpu.memory_space<hbm>>
      %dma_start3A_48 = arith.constant 0 : i32
      %dma_start3A_49 = tpu.memref_slice %arg5[%add3A_42, %dma_start3A_48] : memref<10240x128xf32, #tpu.memory_space<hbm>> -> memref<128x128xf32, #tpu.memory_space<hbm>>
      tpu.enqueue_dma source(%arg8 : memref<128x128xf32, #tpu.memory_space<vmem>>) target(%dma_start3A_49 : memref<128x128xf32, #tpu.memory_space<hbm>>) target_semaphore(%run_scoped3A : memref<!tpu.dma_semaphore, #tpu.memory_space<semaphore_mem>>)
      %dma_wait3A = arith.constant 0 : i32
      %dma_wait3A_50 = tpu.memref_slice %arg5[%add3A_42, %dma_wait3A] : memref<10240x128xf32, #tpu.memory_space<hbm>> -> memref<128x128xf32, #tpu.memory_space<hbm>>
      %dma_wait3A_51 = arith.constant 0 : i32
      %dma_wait3A_52 = tpu.memref_slice %arg5[%add3A_42, %dma_wait3A_51] : memref<10240x128xf32, #tpu.memory_space<hbm>> -> memref<128x128xf32, #tpu.memory_space<hbm>>
      tpu.wait_dma2 semaphore(%run_scoped3A : memref<!tpu.dma_semaphore, #tpu.memory_space<semaphore_mem>>) src(%arg8 : memref<128x128xf32, #tpu.memory_space<vmem>>) dst(%dma_wait3A_52 : memref<128x128xf32, #tpu.memory_space<hbm>>)
      tpu.yield
    }) : () -> ()
    %add3A_43 = arith.constant 512 : i32
    %add3A_44 = arith.addi %mul3A_1, %add3A_43 : i32
    "tpu.region"() ({
      %run_scoped3A = tpu.sem_alloc : memref<!tpu.dma_semaphore, #tpu.memory_space<semaphore_mem>>
      %dma_start3A = arith.constant 0 : i32
      %dma_start3A_47 = tpu.memref_slice %arg10[%add3A_44, %dma_start3A] : memref<10240x128xf32, #tpu.memory_space<vmem_shared>> -> memref<128x128xf32, #tpu.memory_space<vmem_shared>>
      %dma_start3A_48 = arith.constant 0 : i32
      %dma_start3A_49 = tpu.memref_slice %arg10[%add3A_44, %dma_start3A_48] : memref<10240x128xf32, #tpu.memory_space<vmem_shared>> -> memref<128x128xf32, #tpu.memory_space<vmem_shared>>
      tpu.enqueue_dma source(%dma_start3A_49 : memref<128x128xf32, #tpu.memory_space<vmem_shared>>) target(%arg8 : memref<128x128xf32, #tpu.memory_space<vmem>>) target_semaphore(%run_scoped3A : memref<!tpu.dma_semaphore, #tpu.memory_space<semaphore_mem>>)
      %dma_wait3A = arith.constant 0 : i32
      %dma_wait3A_50 = tpu.memref_slice %arg10[%add3A_44, %dma_wait3A] : memref<10240x128xf32, #tpu.memory_space<vmem_shared>> -> memref<128x128xf32, #tpu.memory_space<vmem_shared>>
      %dma_wait3A_51 = arith.constant 0 : i32
      %dma_wait3A_52 = tpu.memref_slice %arg10[%add3A_44, %dma_wait3A_51] : memref<10240x128xf32, #tpu.memory_space<vmem_shared>> -> memref<128x128xf32, #tpu.memory_space<vmem_shared>>
      tpu.wait_dma2 semaphore(%run_scoped3A : memref<!tpu.dma_semaphore, #tpu.memory_space<semaphore_mem>>) src(%dma_wait3A_52 : memref<128x128xf32, #tpu.memory_space<vmem_shared>>) dst(%arg8 : memref<128x128xf32, #tpu.memory_space<vmem>>)
      tpu.yield
    }) : () -> ()
    %add3A_45 = arith.constant 512 : i32
    %add3A_46 = arith.addi %mul3A_1, %add3A_45 : i32
    "tpu.region"() ({
      %run_scoped3A = tpu.sem_alloc : memref<!tpu.dma_semaphore, #tpu.memory_space<semaphore_mem>>
      %dma_start3A = arith.constant 0 : i32
      %dma_start3A_47 = tpu.memref_slice %arg5[%add3A_46, %dma_start3A] : memref<10240x128xf32, #tpu.memory_space<hbm>> -> memref<128x128xf32, #tpu.memory_space<hbm>>
      %dma_start3A_48 = arith.constant 0 : i32
      %dma_start3A_49 = tpu.memref_slice %arg5[%add3A_46, %dma_start3A_48] : memref<10240x128xf32, #tpu.memory_space<hbm>> -> memref<128x128xf32, #tpu.memory_space<hbm>>
      tpu.enqueue_dma source(%arg8 : memref<128x128xf32, #tpu.memory_space<vmem>>) target(%dma_start3A_49 : memref<128x128xf32, #tpu.memory_space<hbm>>) target_semaphore(%run_scoped3A : memref<!tpu.dma_semaphore, #tpu.memory_space<semaphore_mem>>)
      %dma_wait3A = arith.constant 0 : i32
      %dma_wait3A_50 = tpu.memref_slice %arg5[%add3A_46, %dma_wait3A] : memref<10240x128xf32, #tpu.memory_space<hbm>> -> memref<128x128xf32, #tpu.memory_space<hbm>>
      %dma_wait3A_51 = arith.constant 0 : i32
      %dma_wait3A_52 = tpu.memref_slice %arg5[%add3A_46, %dma_wait3A_51] : memref<10240x128xf32, #tpu.memory_space<hbm>> -> memref<128x128xf32, #tpu.memory_space<hbm>>
      tpu.wait_dma2 semaphore(%run_scoped3A : memref<!tpu.dma_semaphore, #tpu.memory_space<semaphore_mem>>) src(%arg8 : memref<128x128xf32, #tpu.memory_space<vmem>>) dst(%dma_wait3A_52 : memref<128x128xf32, #tpu.memory_space<hbm>>)
      tpu.yield
    }) : () -> ()
    return
  }
}

#map = affine_map<(d0, d1) -> (0, 0)>
module attributes {stable_mosaic.version = 14 : i64} {
  func.func @_sc_body(%arg0: i32, %arg1: i32, %arg2: memref<10000x128xf32, #tpu.memory_space<hbm>>, %arg3: memref<2560x128xi32, #tpu.memory_space<hbm>>, %arg4: memref<2560x128xi32, #tpu.memory_space<hbm>>, %arg5: memref<10240x128xf32, #tpu.memory_space<hbm>>, %arg6: memref<2x128xi32, #tpu.memory_space<vmem>>, %arg7: memref<2x128xi32, #tpu.memory_space<vmem>>, %arg8: memref<128x128xf32, #tpu.memory_space<vmem>>, %arg9: memref<128x128xf32, #tpu.memory_space<vmem>>, %arg10: memref<10240x128xf32, #tpu.memory_space<vmem_shared>>, %arg11: memref<!tpu.dma_semaphore, #tpu.memory_space<semaphore_mem>>, %arg12: memref<!tpu.dma_semaphore, #tpu.memory_space<semaphore_mem>>, %arg13: memref<!tpu.dma_semaphore, #tpu.memory_space<semaphore_mem>>) attributes {dimension_semantics = [#tpu.dimension_semantics<core_parallel>, #tpu.dimension_semantics<subcore_parallel>], iteration_bounds = array<i64: 1, 16>, scalar_prefetch = 0 : i64, scratch_operands = 8 : i64, tpu.core_type = #tpu.core_type<sc_vector_subcore>, window_params = [{transform_indices = #map}, {transform_indices = #map}, {transform_indices = #map}, {transform_indices = #map}]} {
    %broadcast_in_dim3A = arith.constant 0.000000e+00 : f32
    %broadcast_in_dim3A_0 = vector.broadcast %broadcast_in_dim3A : f32 to vector<16xf32>
    %mul3A = arith.constant 640 : i32
    %mul3A_1 = arith.muli %arg1, %mul3A : i32
    %mul3A_2 = arith.constant 160 : i32
    %mul3A_3 = arith.muli %arg1, %mul3A_2 : i32
    %scan3A = arith.constant 0 : i32
    %scan3A_4 = arith.constant 0 : i32
    %scan3A_5 = arith.constant 128 : i32
    %scan3A_6 = arith.addi %scan3A_4, %scan3A_5 : i32
    %scan3A_7 = arith.constant 1 : i32
    %scan3A_8 = scf.for %scan3A_47 = %scan3A_4 to %scan3A_6 step %scan3A_7 iter_args(%scan3A_48 = %scan3A) -> (i32)  : i32 {
      %swap3A = arith.index_cast %scan3A_47 : i32 to index
      %swap3A_49 = arith.constant 0 : index
      %swap3A_50 = tpu.vector_load %arg8[%swap3A, %swap3A_49] {strides = array<i32>} : memref<128x128xf32, #tpu.memory_space<vmem>>, vector<1x16xf32>,
      %swap3A_51 = vector.shape_cast %swap3A_50 : vector<1x16xf32> to vector<16xf32>
      %swap3A_52 = vector.shape_cast %broadcast_in_dim3A_0 : vector<16xf32> to vector<1x16xf32>
      tpu.vector_store %arg8[%swap3A, %swap3A_49], %swap3A_52 {strides = array<i32>} : memref<128x128xf32, #tpu.memory_space<vmem>>, vector<1x16xf32>,
      %swap3A_53 = arith.index_cast %scan3A_47 : i32 to index
      %swap3A_54 = arith.constant 16 : index
      %swap3A_55 = tpu.vector_load %arg8[%swap3A_53, %swap3A_54] {strides = array<i32>} : memref<128x128xf32, #tpu.memory_space<vmem>>, vector<1x16xf32>,
      %swap3A_56 = vector.shape_cast %swap3A_55 : vector<1x16xf32> to vector<16xf32>
      %swap3A_57 = vector.shape_cast %broadcast_in_dim3A_0 : vector<16xf32> to vector<1x16xf32>
      tpu.vector_store %arg8[%swap3A_53, %swap3A_54], %swap3A_57 {strides = array<i32>} : memref<128x128xf32, #tpu.memory_space<vmem>>, vector<1x16xf32>,
      %swap3A_58 = arith.index_cast %scan3A_47 : i32 to index
      %swap3A_59 = arith.constant 32 : index
      %swap3A_60 = tpu.vector_load %arg8[%swap3A_58, %swap3A_59] {strides = array<i32>} : memref<128x128xf32, #tpu.memory_space<vmem>>, vector<1x16xf32>,
      %swap3A_61 = vector.shape_cast %swap3A_60 : vector<1x16xf32> to vector<16xf32>
      %swap3A_62 = vector.shape_cast %broadcast_in_dim3A_0 : vector<16xf32> to vector<1x16xf32>
      tpu.vector_store %arg8[%swap3A_58, %swap3A_59], %swap3A_62 {strides = array<i32>} : memref<128x128xf32, #tpu.memory_space<vmem>>, vector<1x16xf32>,
      %swap3A_63 = arith.index_cast %scan3A_47 : i32 to index
      %swap3A_64 = arith.constant 48 : index
      %swap3A_65 = tpu.vector_load %arg8[%swap3A_63, %swap3A_64] {strides = array<i32>} : memref<128x128xf32, #tpu.memory_space<vmem>>, vector<1x16xf32>,
      %swap3A_66 = vector.shape_cast %swap3A_65 : vector<1x16xf32> to vector<16xf32>
      %swap3A_67 = vector.shape_cast %broadcast_in_dim3A_0 : vector<16xf32> to vector<1x16xf32>
      tpu.vector_store %arg8[%swap3A_63, %swap3A_64], %swap3A_67 {strides = array<i32>} : memref<128x128xf32, #tpu.memory_space<vmem>>, vector<1x16xf32>,
      %swap3A_68 = arith.index_cast %scan3A_47 : i32 to index
      %swap3A_69 = arith.constant 64 : index
      %swap3A_70 = tpu.vector_load %arg8[%swap3A_68, %swap3A_69] {strides = array<i32>} : memref<128x128xf32, #tpu.memory_space<vmem>>, vector<1x16xf32>,
      %swap3A_71 = vector.shape_cast %swap3A_70 : vector<1x16xf32> to vector<16xf32>
      %swap3A_72 = vector.shape_cast %broadcast_in_dim3A_0 : vector<16xf32> to vector<1x16xf32>
      tpu.vector_store %arg8[%swap3A_68, %swap3A_69], %swap3A_72 {strides = array<i32>} : memref<128x128xf32, #tpu.memory_space<vmem>>, vector<1x16xf32>,
      %swap3A_73 = arith.index_cast %scan3A_47 : i32 to index
      %swap3A_74 = arith.constant 80 : index
      %swap3A_75 = tpu.vector_load %arg8[%swap3A_73, %swap3A_74] {strides = array<i32>} : memref<128x128xf32, #tpu.memory_space<vmem>>, vector<1x16xf32>,
      %swap3A_76 = vector.shape_cast %swap3A_75 : vector<1x16xf32> to vector<16xf32>
      %swap3A_77 = vector.shape_cast %broadcast_in_dim3A_0 : vector<16xf32> to vector<1x16xf32>
      tpu.vector_store %arg8[%swap3A_73, %swap3A_74], %swap3A_77 {strides = array<i32>} : memref<128x128xf32, #tpu.memory_space<vmem>>, vector<1x16xf32>,
      %swap3A_78 = arith.index_cast %scan3A_47 : i32 to index
      %swap3A_79 = arith.constant 96 : index
      %swap3A_80 = tpu.vector_load %arg8[%swap3A_78, %swap3A_79] {strides = array<i32>} : memref<128x128xf32, #tpu.memory_space<vmem>>, vector<1x16xf32>,
      %swap3A_81 = vector.shape_cast %swap3A_80 : vector<1x16xf32> to vector<16xf32>
      %swap3A_82 = vector.shape_cast %broadcast_in_dim3A_0 : vector<16xf32> to vector<1x16xf32>
      tpu.vector_store %arg8[%swap3A_78, %swap3A_79], %swap3A_82 {strides = array<i32>} : memref<128x128xf32, #tpu.memory_space<vmem>>, vector<1x16xf32>,
      %swap3A_83 = arith.index_cast %scan3A_47 : i32 to index
      %swap3A_84 = arith.constant 112 : index
      %swap3A_85 = tpu.vector_load %arg8[%swap3A_83, %swap3A_84] {strides = array<i32>} : memref<128x128xf32, #tpu.memory_space<vmem>>, vector<1x16xf32>,
      %swap3A_86 = vector.shape_cast %swap3A_85 : vector<1x16xf32> to vector<16xf32>
      %swap3A_87 = vector.shape_cast %broadcast_in_dim3A_0 : vector<16xf32> to vector<1x16xf32>
      tpu.vector_store %arg8[%swap3A_83, %swap3A_84], %swap3A_87 {strides = array<i32>} : memref<128x128xf32, #tpu.memory_space<vmem>>, vector<1x16xf32>,
      %scan3A_88 = arith.constant 0 : i32
      scf.yield %scan3A_88 : i32
    }
    %scan3A_9 = arith.constant 128 : i32
    %add3A = arith.constant 0 : i32
    %add3A_10 = arith.addi %mul3A_1, %add3A : i32
    "tpu.region"() ({
      %run_scoped3A = tpu.sem_alloc : memref<!tpu.dma_semaphore, #tpu.memory_space<semaphore_mem>>
      %dma_start3A = arith.constant 0 : i32
      %dma_start3A_47 = tpu.memref_slice %arg10[%add3A_10, %dma_start3A] : memref<10240x128xf32, #tpu.memory_space<vmem_shared>> -> memref<128x128xf32, #tpu.memory_space<vmem_shared>>
      %dma_start3A_48 = arith.constant 0 : i32
      %dma_start3A_49 = tpu.memref_slice %arg10[%add3A_10, %dma_start3A_48] : memref<10240x128xf32, #tpu.memory_space<vmem_shared>> -> memref<128x128xf32, #tpu.memory_space<vmem_shared>>
      tpu.enqueue_dma source(%arg8 : memref<128x128xf32, #tpu.memory_space<vmem>>) target(%dma_start3A_49 : memref<128x128xf32, #tpu.memory_space<vmem_shared>>) target_semaphore(%run_scoped3A : memref<!tpu.dma_semaphore, #tpu.memory_space<semaphore_mem>>)
      %dma_wait3A = arith.constant 0 : i32
      %dma_wait3A_50 = tpu.memref_slice %arg10[%add3A_10, %dma_wait3A] : memref<10240x128xf32, #tpu.memory_space<vmem_shared>> -> memref<128x128xf32, #tpu.memory_space<vmem_shared>>
      %dma_wait3A_51 = arith.constant 0 : i32
      %dma_wait3A_52 = tpu.memref_slice %arg10[%add3A_10, %dma_wait3A_51] : memref<10240x128xf32, #tpu.memory_space<vmem_shared>> -> memref<128x128xf32, #tpu.memory_space<vmem_shared>>
      tpu.wait_dma2 semaphore(%run_scoped3A : memref<!tpu.dma_semaphore, #tpu.memory_space<semaphore_mem>>) src(%arg8 : memref<128x128xf32, #tpu.memory_space<vmem>>) dst(%dma_wait3A_52 : memref<128x128xf32, #tpu.memory_space<vmem_shared>>)
      tpu.yield
    }) : () -> ()
    %add3A_11 = arith.constant 128 : i32
    %add3A_12 = arith.addi %mul3A_1, %add3A_11 : i32
    "tpu.region"() ({
      %run_scoped3A = tpu.sem_alloc : memref<!tpu.dma_semaphore, #tpu.memory_space<semaphore_mem>>
      %dma_start3A = arith.constant 0 : i32
      %dma_start3A_47 = tpu.memref_slice %arg10[%add3A_12, %dma_start3A] : memref<10240x128xf32, #tpu.memory_space<vmem_shared>> -> memref<128x128xf32, #tpu.memory_space<vmem_shared>>
      %dma_start3A_48 = arith.constant 0 : i32
      %dma_start3A_49 = tpu.memref_slice %arg10[%add3A_12, %dma_start3A_48] : memref<10240x128xf32, #tpu.memory_space<vmem_shared>> -> memref<128x128xf32, #tpu.memory_space<vmem_shared>>
      tpu.enqueue_dma source(%arg8 : memref<128x128xf32, #tpu.memory_space<vmem>>) target(%dma_start3A_49 : memref<128x128xf32, #tpu.memory_space<vmem_shared>>) target_semaphore(%run_scoped3A : memref<!tpu.dma_semaphore, #tpu.memory_space<semaphore_mem>>)
      %dma_wait3A = arith.constant 0 : i32
      %dma_wait3A_50 = tpu.memref_slice %arg10[%add3A_12, %dma_wait3A] : memref<10240x128xf32, #tpu.memory_space<vmem_shared>> -> memref<128x128xf32, #tpu.memory_space<vmem_shared>>
      %dma_wait3A_51 = arith.constant 0 : i32
      %dma_wait3A_52 = tpu.memref_slice %arg10[%add3A_12, %dma_wait3A_51] : memref<10240x128xf32, #tpu.memory_space<vmem_shared>> -> memref<128x128xf32, #tpu.memory_space<vmem_shared>>
      tpu.wait_dma2 semaphore(%run_scoped3A : memref<!tpu.dma_semaphore, #tpu.memory_space<semaphore_mem>>) src(%arg8 : memref<128x128xf32, #tpu.memory_space<vmem>>) dst(%dma_wait3A_52 : memref<128x128xf32, #tpu.memory_space<vmem_shared>>)
      tpu.yield
    }) : () -> ()
    %add3A_13 = arith.constant 256 : i32
    %add3A_14 = arith.addi %mul3A_1, %add3A_13 : i32
    "tpu.region"() ({
      %run_scoped3A = tpu.sem_alloc : memref<!tpu.dma_semaphore, #tpu.memory_space<semaphore_mem>>
      %dma_start3A = arith.constant 0 : i32
      %dma_start3A_47 = tpu.memref_slice %arg10[%add3A_14, %dma_start3A] : memref<10240x128xf32, #tpu.memory_space<vmem_shared>> -> memref<128x128xf32, #tpu.memory_space<vmem_shared>>
      %dma_start3A_48 = arith.constant 0 : i32
      %dma_start3A_49 = tpu.memref_slice %arg10[%add3A_14, %dma_start3A_48] : memref<10240x128xf32, #tpu.memory_space<vmem_shared>> -> memref<128x128xf32, #tpu.memory_space<vmem_shared>>
      tpu.enqueue_dma source(%arg8 : memref<128x128xf32, #tpu.memory_space<vmem>>) target(%dma_start3A_49 : memref<128x128xf32, #tpu.memory_space<vmem_shared>>) target_semaphore(%run_scoped3A : memref<!tpu.dma_semaphore, #tpu.memory_space<semaphore_mem>>)
      %dma_wait3A = arith.constant 0 : i32
      %dma_wait3A_50 = tpu.memref_slice %arg10[%add3A_14, %dma_wait3A] : memref<10240x128xf32, #tpu.memory_space<vmem_shared>> -> memref<128x128xf32, #tpu.memory_space<vmem_shared>>
      %dma_wait3A_51 = arith.constant 0 : i32
      %dma_wait3A_52 = tpu.memref_slice %arg10[%add3A_14, %dma_wait3A_51] : memref<10240x128xf32, #tpu.memory_space<vmem_shared>> -> memref<128x128xf32, #tpu.memory_space<vmem_shared>>
      tpu.wait_dma2 semaphore(%run_scoped3A : memref<!tpu.dma_semaphore, #tpu.memory_space<semaphore_mem>>) src(%arg8 : memref<128x128xf32, #tpu.memory_space<vmem>>) dst(%dma_wait3A_52 : memref<128x128xf32, #tpu.memory_space<vmem_shared>>)
      tpu.yield
    }) : () -> ()
    %add3A_15 = arith.constant 384 : i32
    %add3A_16 = arith.addi %mul3A_1, %add3A_15 : i32
    "tpu.region"() ({
      %run_scoped3A = tpu.sem_alloc : memref<!tpu.dma_semaphore, #tpu.memory_space<semaphore_mem>>
      %dma_start3A = arith.constant 0 : i32
      %dma_start3A_47 = tpu.memref_slice %arg10[%add3A_16, %dma_start3A] : memref<10240x128xf32, #tpu.memory_space<vmem_shared>> -> memref<128x128xf32, #tpu.memory_space<vmem_shared>>
      %dma_start3A_48 = arith.constant 0 : i32
      %dma_start3A_49 = tpu.memref_slice %arg10[%add3A_16, %dma_start3A_48] : memref<10240x128xf32, #tpu.memory_space<vmem_shared>> -> memref<128x128xf32, #tpu.memory_space<vmem_shared>>
      tpu.enqueue_dma source(%arg8 : memref<128x128xf32, #tpu.memory_space<vmem>>) target(%dma_start3A_49 : memref<128x128xf32, #tpu.memory_space<vmem_shared>>) target_semaphore(%run_scoped3A : memref<!tpu.dma_semaphore, #tpu.memory_space<semaphore_mem>>)
      %dma_wait3A = arith.constant 0 : i32
      %dma_wait3A_50 = tpu.memref_slice %arg10[%add3A_16, %dma_wait3A] : memref<10240x128xf32, #tpu.memory_space<vmem_shared>> -> memref<128x128xf32, #tpu.memory_space<vmem_shared>>
      %dma_wait3A_51 = arith.constant 0 : i32
      %dma_wait3A_52 = tpu.memref_slice %arg10[%add3A_16, %dma_wait3A_51] : memref<10240x128xf32, #tpu.memory_space<vmem_shared>> -> memref<128x128xf32, #tpu.memory_space<vmem_shared>>
      tpu.wait_dma2 semaphore(%run_scoped3A : memref<!tpu.dma_semaphore, #tpu.memory_space<semaphore_mem>>) src(%arg8 : memref<128x128xf32, #tpu.memory_space<vmem>>) dst(%dma_wait3A_52 : memref<128x128xf32, #tpu.memory_space<vmem_shared>>)
      tpu.yield
    }) : () -> ()
    %add3A_17 = arith.constant 512 : i32
    %add3A_18 = arith.addi %mul3A_1, %add3A_17 : i32
    "tpu.region"() ({
      %run_scoped3A = tpu.sem_alloc : memref<!tpu.dma_semaphore, #tpu.memory_space<semaphore_mem>>
      %dma_start3A = arith.constant 0 : i32
      %dma_start3A_47 = tpu.memref_slice %arg10[%add3A_18, %dma_start3A] : memref<10240x128xf32, #tpu.memory_space<vmem_shared>> -> memref<128x128xf32, #tpu.memory_space<vmem_shared>>
      %dma_start3A_48 = arith.constant 0 : i32
      %dma_start3A_49 = tpu.memref_slice %arg10[%add3A_18, %dma_start3A_48] : memref<10240x128xf32, #tpu.memory_space<vmem_shared>> -> memref<128x128xf32, #tpu.memory_space<vmem_shared>>
      tpu.enqueue_dma source(%arg8 : memref<128x128xf32, #tpu.memory_space<vmem>>) target(%dma_start3A_49 : memref<128x128xf32, #tpu.memory_space<vmem_shared>>) target_semaphore(%run_scoped3A : memref<!tpu.dma_semaphore, #tpu.memory_space<semaphore_mem>>)
      %dma_wait3A = arith.constant 0 : i32
      %dma_wait3A_50 = tpu.memref_slice %arg10[%add3A_18, %dma_wait3A] : memref<10240x128xf32, #tpu.memory_space<vmem_shared>> -> memref<128x128xf32, #tpu.memory_space<vmem_shared>>
      %dma_wait3A_51 = arith.constant 0 : i32
      %dma_wait3A_52 = tpu.memref_slice %arg10[%add3A_18, %dma_wait3A_51] : memref<10240x128xf32, #tpu.memory_space<vmem_shared>> -> memref<128x128xf32, #tpu.memory_space<vmem_shared>>
      tpu.wait_dma2 semaphore(%run_scoped3A : memref<!tpu.dma_semaphore, #tpu.memory_space<semaphore_mem>>) src(%arg8 : memref<128x128xf32, #tpu.memory_space<vmem>>) dst(%dma_wait3A_52 : memref<128x128xf32, #tpu.memory_space<vmem_shared>>)
      tpu.yield
    }) : () -> ()
    %barrier3A = arith.constant 0 : index
    tpu.barrier barrier_id(%barrier3A)
    %scan3A_19 = arith.constant 0 : i32
    %scan3A_20 = arith.constant 0 : i32
    %scan3A_21 = arith.constant 80 : i32
    %scan3A_22 = arith.addi %scan3A_20, %scan3A_21 : i32
    %scan3A_23 = arith.constant 1 : i32
    %scan3A_24 = scf.for %scan3A_47 = %scan3A_20 to %scan3A_22 step %scan3A_23 iter_args(%scan3A_48 = %scan3A_19) -> (i32)  : i32 {
      %mul3A_49 = arith.constant 2 : i32
      %mul3A_50 = arith.muli %mul3A_49, %scan3A_47 : i32
      %add3A_51 = arith.addi %mul3A_3, %mul3A_50 : i32
      %dma_start3A = arith.constant 0 : i32
      %dma_start3A_52 = arith.constant 0 : i32
      %dma_start3A_53 = tpu.memref_slice %arg6[%dma_start3A, %dma_start3A_52] : memref<2x128xi32, #tpu.memory_space<vmem>> -> memref<1x128xi32, #tpu.memory_space<vmem>>
      %dma_start3A_54 = tpu.memref_squeeze %dma_start3A_53 : memref<1x128xi32, #tpu.memory_space<vmem>> -> memref<128xi32, #tpu.memory_space<vmem>>
      %dma_start3A_55 = arith.constant 0 : i32
      %dma_start3A_56 = tpu.memref_slice %arg3[%add3A_51, %dma_start3A_55] : memref<2560x128xi32, #tpu.memory_space<hbm>> -> memref<1x128xi32, #tpu.memory_space<hbm>>
      %dma_start3A_57 = tpu.memref_squeeze %dma_start3A_56 : memref<1x128xi32, #tpu.memory_space<hbm>> -> memref<128xi32, #tpu.memory_space<hbm>>
      %dma_start3A_58 = arith.constant 0 : i32
      %dma_start3A_59 = tpu.memref_slice %arg6[%dma_start3A, %dma_start3A_58] : memref<2x128xi32, #tpu.memory_space<vmem>> -> memref<1x128xi32, #tpu.memory_space<vmem>>
      %dma_start3A_60 = tpu.memref_squeeze %dma_start3A_59 : memref<1x128xi32, #tpu.memory_space<vmem>> -> memref<128xi32, #tpu.memory_space<vmem>>
      %dma_start3A_61 = arith.constant 0 : i32
      %dma_start3A_62 = tpu.memref_slice %arg3[%add3A_51, %dma_start3A_61] : memref<2560x128xi32, #tpu.memory_space<hbm>> -> memref<1x128xi32, #tpu.memory_space<hbm>>
      %dma_start3A_63 = tpu.memref_squeeze %dma_start3A_62 : memref<1x128xi32, #tpu.memory_space<hbm>> -> memref<128xi32, #tpu.memory_space<hbm>>
      tpu.enqueue_dma source(%dma_start3A_63 : memref<128xi32, #tpu.memory_space<hbm>>) target(%dma_start3A_60 : memref<128xi32, #tpu.memory_space<vmem>>) target_semaphore(%arg13 : memref<!tpu.dma_semaphore, #tpu.memory_space<semaphore_mem>>)
      %add3A_64 = arith.addi %mul3A_3, %mul3A_50 : i32
      %dma_start3A_65 = arith.constant 0 : i32
      %dma_start3A_66 = arith.constant 0 : i32
      %dma_start3A_67 = tpu.memref_slice %arg7[%dma_start3A_65, %dma_start3A_66] : memref<2x128xi32, #tpu.memory_space<vmem>> -> memref<1x128xi32, #tpu.memory_space<vmem>>
      %dma_start3A_68 = tpu.memref_squeeze %dma_start3A_67 : memref<1x128xi32, #tpu.memory_space<vmem>> -> memref<128xi32, #tpu.memory_space<vmem>>
      %dma_start3A_69 = arith.constant 0 : i32
      %dma_start3A_70 = tpu.memref_slice %arg4[%add3A_64, %dma_start3A_69] : memref<2560x128xi32, #tpu.memory_space<hbm>> -> memref<1x128xi32, #tpu.memory_space<hbm>>
      %dma_start3A_71 = tpu.memref_squeeze %dma_start3A_70 : memref<1x128xi32, #tpu.memory_space<hbm>> -> memref<128xi32, #tpu.memory_space<hbm>>
      %dma_start3A_72 = arith.constant 0 : i32
      %dma_start3A_73 = tpu.memref_slice %arg7[%dma_start3A_65, %dma_start3A_72] : memref<2x128xi32, #tpu.memory_space<vmem>> -> memref<1x128xi32, #tpu.memory_space<vmem>>
      %dma_start3A_74 = tpu.memref_squeeze %dma_start3A_73 : memref<1x128xi32, #tpu.memory_space<vmem>> -> memref<128xi32, #tpu.memory_space<vmem>>
      %dma_start3A_75 = arith.constant 0 : i32
      %dma_start3A_76 = tpu.memref_slice %arg4[%add3A_64, %dma_start3A_75] : memref<2560x128xi32, #tpu.memory_space<hbm>> -> memref<1x128xi32, #tpu.memory_space<hbm>>
      %dma_start3A_77 = tpu.memref_squeeze %dma_start3A_76 : memref<1x128xi32, #tpu.memory_space<hbm>> -> memref<128xi32, #tpu.memory_space<hbm>>
      tpu.enqueue_dma source(%dma_start3A_77 : memref<128xi32, #tpu.memory_space<hbm>>) target(%dma_start3A_74 : memref<128xi32, #tpu.memory_space<vmem>>) target_semaphore(%arg13 : memref<!tpu.dma_semaphore, #tpu.memory_space<semaphore_mem>>)
      %add3A_78 = arith.addi %mul3A_3, %mul3A_50 : i32
      %add3A_79 = arith.constant 1 : i32
      %add3A_80 = arith.addi %add3A_78, %add3A_79 : i32
      %dma_start3A_81 = arith.constant 1 : i32
      %dma_start3A_82 = arith.constant 0 : i32
      %dma_start3A_83 = tpu.memref_slice %arg6[%dma_start3A_81, %dma_start3A_82] : memref<2x128xi32, #tpu.memory_space<vmem>> -> memref<1x128xi32, #tpu.memory_space<vmem>>
      %dma_start3A_84 = tpu.memref_squeeze %dma_start3A_83 : memref<1x128xi32, #tpu.memory_space<vmem>> -> memref<128xi32, #tpu.memory_space<vmem>>
      %dma_start3A_85 = arith.constant 0 : i32
      %dma_start3A_86 = tpu.memref_slice %arg3[%add3A_80, %dma_start3A_85] : memref<2560x128xi32, #tpu.memory_space<hbm>> -> memref<1x128xi32, #tpu.memory_space<hbm>>
      %dma_start3A_87 = tpu.memref_squeeze %dma_start3A_86 : memref<1x128xi32, #tpu.memory_space<hbm>> -> memref<128xi32, #tpu.memory_space<hbm>>
      %dma_start3A_88 = arith.constant 0 : i32
      %dma_start3A_89 = tpu.memref_slice %arg6[%dma_start3A_81, %dma_start3A_88] : memref<2x128xi32, #tpu.memory_space<vmem>> -> memref<1x128xi32, #tpu.memory_space<vmem>>
      %dma_start3A_90 = tpu.memref_squeeze %dma_start3A_89 : memref<1x128xi32, #tpu.memory_space<vmem>> -> memref<128xi32, #tpu.memory_space<vmem>>
      %dma_start3A_91 = arith.constant 0 : i32
      %dma_start3A_92 = tpu.memref_slice %arg3[%add3A_80, %dma_start3A_91] : memref<2560x128xi32, #tpu.memory_space<hbm>> -> memref<1x128xi32, #tpu.memory_space<hbm>>
      %dma_start3A_93 = tpu.memref_squeeze %dma_start3A_92 : memref<1x128xi32, #tpu.memory_space<hbm>> -> memref<128xi32, #tpu.memory_space<hbm>>
      tpu.enqueue_dma source(%dma_start3A_93 : memref<128xi32, #tpu.memory_space<hbm>>) target(%dma_start3A_90 : memref<128xi32, #tpu.memory_space<vmem>>) target_semaphore(%arg13 : memref<!tpu.dma_semaphore, #tpu.memory_space<semaphore_mem>>)
      %add3A_94 = arith.addi %mul3A_3, %mul3A_50 : i32
      %add3A_95 = arith.constant 1 : i32
      %add3A_96 = arith.addi %add3A_94, %add3A_95 : i32
      %dma_start3A_97 = arith.constant 1 : i32
      %dma_start3A_98 = arith.constant 0 : i32
      %dma_start3A_99 = tpu.memref_slice %arg7[%dma_start3A_97, %dma_start3A_98] : memref<2x128xi32, #tpu.memory_space<vmem>> -> memref<1x128xi32, #tpu.memory_space<vmem>>
      %dma_start3A_100 = tpu.memref_squeeze %dma_start3A_99 : memref<1x128xi32, #tpu.memory_space<vmem>> -> memref<128xi32, #tpu.memory_space<vmem>>
      %dma_start3A_101 = arith.constant 0 : i32
      %dma_start3A_102 = tpu.memref_slice %arg4[%add3A_96, %dma_start3A_101] : memref<2560x128xi32, #tpu.memory_space<hbm>> -> memref<1x128xi32, #tpu.memory_space<hbm>>
      %dma_start3A_103 = tpu.memref_squeeze %dma_start3A_102 : memref<1x128xi32, #tpu.memory_space<hbm>> -> memref<128xi32, #tpu.memory_space<hbm>>
      %dma_start3A_104 = arith.constant 0 : i32
      %dma_start3A_105 = tpu.memref_slice %arg7[%dma_start3A_97, %dma_start3A_104] : memref<2x128xi32, #tpu.memory_space<vmem>> -> memref<1x128xi32, #tpu.memory_space<vmem>>
      %dma_start3A_106 = tpu.memref_squeeze %dma_start3A_105 : memref<1x128xi32, #tpu.memory_space<vmem>> -> memref<128xi32, #tpu.memory_space<vmem>>
      %dma_start3A_107 = arith.constant 0 : i32
      %dma_start3A_108 = tpu.memref_slice %arg4[%add3A_96, %dma_start3A_107] : memref<2560x128xi32, #tpu.memory_space<hbm>> -> memref<1x128xi32, #tpu.memory_space<hbm>>
      %dma_start3A_109 = tpu.memref_squeeze %dma_start3A_108 : memref<1x128xi32, #tpu.memory_space<hbm>> -> memref<128xi32, #tpu.memory_space<hbm>>
      tpu.enqueue_dma source(%dma_start3A_109 : memref<128xi32, #tpu.memory_space<hbm>>) target(%dma_start3A_106 : memref<128xi32, #tpu.memory_space<vmem>>) target_semaphore(%arg13 : memref<!tpu.dma_semaphore, #tpu.memory_space<semaphore_mem>>)
      %dma_wait3A = arith.constant 0 : i32
      %dma_wait3A_110 = arith.constant 0 : i32
      %dma_wait3A_111 = tpu.memref_slice %arg6[%dma_wait3A, %dma_wait3A_110] : memref<2x128xi32, #tpu.memory_space<vmem>> -> memref<1x128xi32, #tpu.memory_space<vmem>>
      %dma_wait3A_112 = tpu.memref_squeeze %dma_wait3A_111 : memref<1x128xi32, #tpu.memory_space<vmem>> -> memref<128xi32, #tpu.memory_space<vmem>>
      %dma_wait3A_113 = arith.constant 0 : i32
      %dma_wait3A_114 = tpu.memref_slice %arg3[%add3A_51, %dma_wait3A_113] : memref<2560x128xi32, #tpu.memory_space<hbm>> -> memref<1x128xi32, #tpu.memory_space<hbm>>
      %dma_wait3A_115 = tpu.memref_squeeze %dma_wait3A_114 : memref<1x128xi32, #tpu.memory_space<hbm>> -> memref<128xi32, #tpu.memory_space<hbm>>
      %dma_wait3A_116 = arith.constant 0 : i32
      %dma_wait3A_117 = tpu.memref_slice %arg6[%dma_wait3A, %dma_wait3A_116] : memref<2x128xi32, #tpu.memory_space<vmem>> -> memref<1x128xi32, #tpu.memory_space<vmem>>
      %dma_wait3A_118 = tpu.memref_squeeze %dma_wait3A_117 : memref<1x128xi32, #tpu.memory_space<vmem>> -> memref<128xi32, #tpu.memory_space<vmem>>
      %dma_wait3A_119 = arith.constant 0 : i32
      %dma_wait3A_120 = tpu.memref_slice %arg3[%add3A_51, %dma_wait3A_119] : memref<2560x128xi32, #tpu.memory_space<hbm>> -> memref<1x128xi32, #tpu.memory_space<hbm>>
      %dma_wait3A_121 = tpu.memref_squeeze %dma_wait3A_120 : memref<1x128xi32, #tpu.memory_space<hbm>> -> memref<128xi32, #tpu.memory_space<hbm>>
      tpu.wait_dma2 semaphore(%arg13 : memref<!tpu.dma_semaphore, #tpu.memory_space<semaphore_mem>>) src(%dma_wait3A_121 : memref<128xi32, #tpu.memory_space<hbm>>) dst(%dma_wait3A_118 : memref<128xi32, #tpu.memory_space<vmem>>)
      %dma_start3A_122 = arith.constant 0 : i32
      %dma_start3A_123 = arith.constant 0 : i32
      %dma_start3A_124 = tpu.memref_slice %arg6[%dma_start3A_122, %dma_start3A_123] : memref<2x128xi32, #tpu.memory_space<vmem>> -> memref<1x128xi32, #tpu.memory_space<vmem>>
      %dma_start3A_125 = tpu.memref_squeeze %dma_start3A_124 : memref<1x128xi32, #tpu.memory_space<vmem>> -> memref<128xi32, #tpu.memory_space<vmem>>
      %dma_start3A_126 = arith.constant 0 : i32
      %dma_start3A_127 = arith.constant 0 : i32
      %dma_start3A_128 = tpu.memref_slice %arg2[%dma_start3A_126, %dma_start3A_127] : memref<10000x128xf32, #tpu.memory_space<hbm>> -> memref<10000x128xf32, #tpu.memory_space<hbm>>
      tpu.enqueue_indirect_dma source(%dma_start3A_128 : memref<10000x128xf32, #tpu.memory_space<hbm>>) target(%arg8 : memref<128x128xf32, #tpu.memory_space<vmem>>) offsets(%dma_start3A_125 : memref<128xi32, #tpu.memory_space<vmem>>) semaphore(%arg11 : memref<!tpu.dma_semaphore, #tpu.memory_space<semaphore_mem>>)
      %dma_wait3A_129 = arith.constant 1 : i32
      %dma_wait3A_130 = arith.constant 0 : i32
      %dma_wait3A_131 = tpu.memref_slice %arg6[%dma_wait3A_129, %dma_wait3A_130] : memref<2x128xi32, #tpu.memory_space<vmem>> -> memref<1x128xi32, #tpu.memory_space<vmem>>
      %dma_wait3A_132 = tpu.memref_squeeze %dma_wait3A_131 : memref<1x128xi32, #tpu.memory_space<vmem>> -> memref<128xi32, #tpu.memory_space<vmem>>
      %dma_wait3A_133 = arith.constant 0 : i32
      %dma_wait3A_134 = tpu.memref_slice %arg3[%add3A_80, %dma_wait3A_133] : memref<2560x128xi32, #tpu.memory_space<hbm>> -> memref<1x128xi32, #tpu.memory_space<hbm>>
      %dma_wait3A_135 = tpu.memref_squeeze %dma_wait3A_134 : memref<1x128xi32, #tpu.memory_space<hbm>> -> memref<128xi32, #tpu.memory_space<hbm>>
      %dma_wait3A_136 = arith.constant 0 : i32
      %dma_wait3A_137 = tpu.memref_slice %arg6[%dma_wait3A_129, %dma_wait3A_136] : memref<2x128xi32, #tpu.memory_space<vmem>> -> memref<1x128xi32, #tpu.memory_space<vmem>>
      %dma_wait3A_138 = tpu.memref_squeeze %dma_wait3A_137 : memref<1x128xi32, #tpu.memory_space<vmem>> -> memref<128xi32, #tpu.memory_space<vmem>>
      %dma_wait3A_139 = arith.constant 0 : i32
      %dma_wait3A_140 = tpu.memref_slice %arg3[%add3A_80, %dma_wait3A_139] : memref<2560x128xi32, #tpu.memory_space<hbm>> -> memref<1x128xi32, #tpu.memory_space<hbm>>
      %dma_wait3A_141 = tpu.memref_squeeze %dma_wait3A_140 : memref<1x128xi32, #tpu.memory_space<hbm>> -> memref<128xi32, #tpu.memory_space<hbm>>
      tpu.wait_dma2 semaphore(%arg13 : memref<!tpu.dma_semaphore, #tpu.memory_space<semaphore_mem>>) src(%dma_wait3A_141 : memref<128xi32, #tpu.memory_space<hbm>>) dst(%dma_wait3A_138 : memref<128xi32, #tpu.memory_space<vmem>>)
      %dma_start3A_142 = arith.constant 1 : i32
      %dma_start3A_143 = arith.constant 0 : i32
      %dma_start3A_144 = tpu.memref_slice %arg6[%dma_start3A_142, %dma_start3A_143] : memref<2x128xi32, #tpu.memory_space<vmem>> -> memref<1x128xi32, #tpu.memory_space<vmem>>
      %dma_start3A_145 = tpu.memref_squeeze %dma_start3A_144 : memref<1x128xi32, #tpu.memory_space<vmem>> -> memref<128xi32, #tpu.memory_space<vmem>>
      %dma_start3A_146 = arith.constant 0 : i32
      %dma_start3A_147 = arith.constant 0 : i32
      %dma_start3A_148 = tpu.memref_slice %arg2[%dma_start3A_146, %dma_start3A_147] : memref<10000x128xf32, #tpu.memory_space<hbm>> -> memref<10000x128xf32, #tpu.memory_space<hbm>>
      tpu.enqueue_indirect_dma source(%dma_start3A_148 : memref<10000x128xf32, #tpu.memory_space<hbm>>) target(%arg9 : memref<128x128xf32, #tpu.memory_space<vmem>>) offsets(%dma_start3A_145 : memref<128xi32, #tpu.memory_space<vmem>>) semaphore(%arg11 : memref<!tpu.dma_semaphore, #tpu.memory_space<semaphore_mem>>)
      %dma_wait3A_149 = arith.constant 0 : i32
      %dma_wait3A_150 = arith.constant 0 : i32
      %dma_wait3A_151 = tpu.memref_slice %arg7[%dma_wait3A_149, %dma_wait3A_150] : memref<2x128xi32, #tpu.memory_space<vmem>> -> memref<1x128xi32, #tpu.memory_space<vmem>>
      %dma_wait3A_152 = tpu.memref_squeeze %dma_wait3A_151 : memref<1x128xi32, #tpu.memory_space<vmem>> -> memref<128xi32, #tpu.memory_space<vmem>>
      %dma_wait3A_153 = arith.constant 0 : i32
      %dma_wait3A_154 = tpu.memref_slice %arg4[%add3A_64, %dma_wait3A_153] : memref<2560x128xi32, #tpu.memory_space<hbm>> -> memref<1x128xi32, #tpu.memory_space<hbm>>
      %dma_wait3A_155 = tpu.memref_squeeze %dma_wait3A_154 : memref<1x128xi32, #tpu.memory_space<hbm>> -> memref<128xi32, #tpu.memory_space<hbm>>
      %dma_wait3A_156 = arith.constant 0 : i32
      %dma_wait3A_157 = tpu.memref_slice %arg7[%dma_wait3A_149, %dma_wait3A_156] : memref<2x128xi32, #tpu.memory_space<vmem>> -> memref<1x128xi32, #tpu.memory_space<vmem>>
      %dma_wait3A_158 = tpu.memref_squeeze %dma_wait3A_157 : memref<1x128xi32, #tpu.memory_space<vmem>> -> memref<128xi32, #tpu.memory_space<vmem>>
      %dma_wait3A_159 = arith.constant 0 : i32
      %dma_wait3A_160 = tpu.memref_slice %arg4[%add3A_64, %dma_wait3A_159] : memref<2560x128xi32, #tpu.memory_space<hbm>> -> memref<1x128xi32, #tpu.memory_space<hbm>>
      %dma_wait3A_161 = tpu.memref_squeeze %dma_wait3A_160 : memref<1x128xi32, #tpu.memory_space<hbm>> -> memref<128xi32, #tpu.memory_space<hbm>>
      tpu.wait_dma2 semaphore(%arg13 : memref<!tpu.dma_semaphore, #tpu.memory_space<semaphore_mem>>) src(%dma_wait3A_161 : memref<128xi32, #tpu.memory_space<hbm>>) dst(%dma_wait3A_158 : memref<128xi32, #tpu.memory_space<vmem>>)
      %dma_wait3A_162 = arith.constant 1 : i32
      %dma_wait3A_163 = arith.constant 0 : i32
      %dma_wait3A_164 = tpu.memref_slice %arg7[%dma_wait3A_162, %dma_wait3A_163] : memref<2x128xi32, #tpu.memory_space<vmem>> -> memref<1x128xi32, #tpu.memory_space<vmem>>
      %dma_wait3A_165 = tpu.memref_squeeze %dma_wait3A_164 : memref<1x128xi32, #tpu.memory_space<vmem>> -> memref<128xi32, #tpu.memory_space<vmem>>
      %dma_wait3A_166 = arith.constant 0 : i32
      %dma_wait3A_167 = tpu.memref_slice %arg4[%add3A_96, %dma_wait3A_166] : memref<2560x128xi32, #tpu.memory_space<hbm>> -> memref<1x128xi32, #tpu.memory_space<hbm>>
      %dma_wait3A_168 = tpu.memref_squeeze %dma_wait3A_167 : memref<1x128xi32, #tpu.memory_space<hbm>> -> memref<128xi32, #tpu.memory_space<hbm>>
      %dma_wait3A_169 = arith.constant 0 : i32
      %dma_wait3A_170 = tpu.memref_slice %arg7[%dma_wait3A_162, %dma_wait3A_169] : memref<2x128xi32, #tpu.memory_space<vmem>> -> memref<1x128xi32, #tpu.memory_space<vmem>>
      %dma_wait3A_171 = tpu.memref_squeeze %dma_wait3A_170 : memref<1x128xi32, #tpu.memory_space<vmem>> -> memref<128xi32, #tpu.memory_space<vmem>>
      %dma_wait3A_172 = arith.constant 0 : i32
      %dma_wait3A_173 = tpu.memref_slice %arg4[%add3A_96, %dma_wait3A_172] : memref<2560x128xi32, #tpu.memory_space<hbm>> -> memref<1x128xi32, #tpu.memory_space<hbm>>
      %dma_wait3A_174 = tpu.memref_squeeze %dma_wait3A_173 : memref<1x128xi32, #tpu.memory_space<hbm>> -> memref<128xi32, #tpu.memory_space<hbm>>
      tpu.wait_dma2 semaphore(%arg13 : memref<!tpu.dma_semaphore, #tpu.memory_space<semaphore_mem>>) src(%dma_wait3A_174 : memref<128xi32, #tpu.memory_space<hbm>>) dst(%dma_wait3A_171 : memref<128xi32, #tpu.memory_space<vmem>>)
      %dma_wait3A_175 = arith.constant 0 : i32
      %dma_wait3A_176 = arith.constant 0 : i32
      %dma_wait3A_177 = tpu.memref_slice %arg6[%dma_wait3A_175, %dma_wait3A_176] : memref<2x128xi32, #tpu.memory_space<vmem>> -> memref<1x128xi32, #tpu.memory_space<vmem>>
      %dma_wait3A_178 = tpu.memref_squeeze %dma_wait3A_177 : memref<1x128xi32, #tpu.memory_space<vmem>> -> memref<128xi32, #tpu.memory_space<vmem>>
      %dma_wait3A_179 = arith.constant 0 : i32
      %dma_wait3A_180 = arith.constant 0 : i32
      %dma_wait3A_181 = tpu.memref_slice %arg2[%dma_wait3A_179, %dma_wait3A_180] : memref<10000x128xf32, #tpu.memory_space<hbm>> -> memref<10000x128xf32, #tpu.memory_space<hbm>>
      tpu.wait_indirect_dma semaphore(%arg11 : memref<!tpu.dma_semaphore, #tpu.memory_space<semaphore_mem>>) src(%dma_wait3A_181 : memref<10000x128xf32, #tpu.memory_space<hbm>>) dst(%arg8 : memref<128x128xf32, #tpu.memory_space<vmem>>)
      %dma_start3A_182 = arith.constant 0 : i32
      %dma_start3A_183 = arith.constant 0 : i32
      %dma_start3A_184 = tpu.memref_slice %arg7[%dma_start3A_182, %dma_start3A_183] : memref<2x128xi32, #tpu.memory_space<vmem>> -> memref<1x128xi32, #tpu.memory_space<vmem>>
      %dma_start3A_185 = tpu.memref_squeeze %dma_start3A_184 : memref<1x128xi32, #tpu.memory_space<vmem>> -> memref<128xi32, #tpu.memory_space<vmem>>
      %dma_start3A_186 = arith.constant 0 : i32
      %dma_start3A_187 = arith.constant 0 : i32
      %dma_start3A_188 = tpu.memref_slice %arg10[%dma_start3A_186, %dma_start3A_187] : memref<10240x128xf32, #tpu.memory_space<vmem_shared>> -> memref<10240x128xf32, #tpu.memory_space<vmem_shared>>
      tpu.enqueue_indirect_dma source(%arg8 : memref<128x128xf32, #tpu.memory_space<vmem>>) target(%dma_start3A_188 : memref<10240x128xf32, #tpu.memory_space<vmem_shared>>) offsets(%dma_start3A_185 : memref<128xi32, #tpu.memory_space<vmem>>) semaphore(%arg12 : memref<!tpu.dma_semaphore, #tpu.memory_space<semaphore_mem>>) {add = true}
      %dma_wait3A_189 = arith.constant 1 : i32
      %dma_wait3A_190 = arith.constant 0 : i32
      %dma_wait3A_191 = tpu.memref_slice %arg6[%dma_wait3A_189, %dma_wait3A_190] : memref<2x128xi32, #tpu.memory_space<vmem>> -> memref<1x128xi32, #tpu.memory_space<vmem>>
      %dma_wait3A_192 = tpu.memref_squeeze %dma_wait3A_191 : memref<1x128xi32, #tpu.memory_space<vmem>> -> memref<128xi32, #tpu.memory_space<vmem>>
      %dma_wait3A_193 = arith.constant 0 : i32
      %dma_wait3A_194 = arith.constant 0 : i32
      %dma_wait3A_195 = tpu.memref_slice %arg2[%dma_wait3A_193, %dma_wait3A_194] : memref<10000x128xf32, #tpu.memory_space<hbm>> -> memref<10000x128xf32, #tpu.memory_space<hbm>>
      tpu.wait_indirect_dma semaphore(%arg11 : memref<!tpu.dma_semaphore, #tpu.memory_space<semaphore_mem>>) src(%dma_wait3A_195 : memref<10000x128xf32, #tpu.memory_space<hbm>>) dst(%arg9 : memref<128x128xf32, #tpu.memory_space<vmem>>)
      %dma_start3A_196 = arith.constant 1 : i32
      %dma_start3A_197 = arith.constant 0 : i32
      %dma_start3A_198 = tpu.memref_slice %arg7[%dma_start3A_196, %dma_start3A_197] : memref<2x128xi32, #tpu.memory_space<vmem>> -> memref<1x128xi32, #tpu.memory_space<vmem>>
      %dma_start3A_199 = tpu.memref_squeeze %dma_start3A_198 : memref<1x128xi32, #tpu.memory_space<vmem>> -> memref<128xi32, #tpu.memory_space<vmem>>
      %dma_start3A_200 = arith.constant 0 : i32
      %dma_start3A_201 = arith.constant 0 : i32
      %dma_start3A_202 = tpu.memref_slice %arg10[%dma_start3A_200, %dma_start3A_201] : memref<10240x128xf32, #tpu.memory_space<vmem_shared>> -> memref<10240x128xf32, #tpu.memory_space<vmem_shared>>
      tpu.enqueue_indirect_dma source(%arg9 : memref<128x128xf32, #tpu.memory_space<vmem>>) target(%dma_start3A_202 : memref<10240x128xf32, #tpu.memory_space<vmem_shared>>) offsets(%dma_start3A_199 : memref<128xi32, #tpu.memory_space<vmem>>) semaphore(%arg12 : memref<!tpu.dma_semaphore, #tpu.memory_space<semaphore_mem>>) {add = true}
      %dma_wait3A_203 = arith.constant 0 : i32
      %dma_wait3A_204 = arith.constant 0 : i32
      %dma_wait3A_205 = tpu.memref_slice %arg7[%dma_wait3A_203, %dma_wait3A_204] : memref<2x128xi32, #tpu.memory_space<vmem>> -> memref<1x128xi32, #tpu.memory_space<vmem>>
      %dma_wait3A_206 = tpu.memref_squeeze %dma_wait3A_205 : memref<1x128xi32, #tpu.memory_space<vmem>> -> memref<128xi32, #tpu.memory_space<vmem>>
      %dma_wait3A_207 = arith.constant 0 : i32
      %dma_wait3A_208 = arith.constant 0 : i32
      %dma_wait3A_209 = tpu.memref_slice %arg10[%dma_wait3A_207, %dma_wait3A_208] : memref<10240x128xf32, #tpu.memory_space<vmem_shared>> -> memref<10240x128xf32, #tpu.memory_space<vmem_shared>>
      tpu.wait_indirect_dma semaphore(%arg12 : memref<!tpu.dma_semaphore, #tpu.memory_space<semaphore_mem>>) src(%arg8 : memref<128x128xf32, #tpu.memory_space<vmem>>) dst(%dma_wait3A_209 : memref<10240x128xf32, #tpu.memory_space<vmem_shared>>)
      %dma_wait3A_210 = arith.constant 1 : i32
      %dma_wait3A_211 = arith.constant 0 : i32
      %dma_wait3A_212 = tpu.memref_slice %arg7[%dma_wait3A_210, %dma_wait3A_211] : memref<2x128xi32, #tpu.memory_space<vmem>> -> memref<1x128xi32, #tpu.memory_space<vmem>>
      %dma_wait3A_213 = tpu.memref_squeeze %dma_wait3A_212 : memref<1x128xi32, #tpu.memory_space<vmem>> -> memref<128xi32, #tpu.memory_space<vmem>>
      %dma_wait3A_214 = arith.constant 0 : i32
      %dma_wait3A_215 = arith.constant 0 : i32
      %dma_wait3A_216 = tpu.memref_slice %arg10[%dma_wait3A_214, %dma_wait3A_215] : memref<10240x128xf32, #tpu.memory_space<vmem_shared>> -> memref<10240x128xf32, #tpu.memory_space<vmem_shared>>
      tpu.wait_indirect_dma semaphore(%arg12 : memref<!tpu.dma_semaphore, #tpu.memory_space<semaphore_mem>>) src(%arg9 : memref<128x128xf32, #tpu.memory_space<vmem>>) dst(%dma_wait3A_216 : memref<10240x128xf32, #tpu.memory_space<vmem_shared>>)
      %scan3A_217 = arith.constant 0 : i32
      scf.yield %scan3A_217 : i32
    }
    %scan3A_25 = arith.constant 80 : i32
    %barrier3A_26 = arith.constant 0 : index
    tpu.barrier barrier_id(%barrier3A_26)
    %add3A_27 = arith.constant 0 : i32
    %add3A_28 = arith.addi %mul3A_1, %add3A_27 : i32
    "tpu.region"() ({
      %run_scoped3A = tpu.sem_alloc : memref<!tpu.dma_semaphore, #tpu.memory_space<semaphore_mem>>
      %dma_start3A = arith.constant 0 : i32
      %dma_start3A_47 = tpu.memref_slice %arg10[%add3A_28, %dma_start3A] : memref<10240x128xf32, #tpu.memory_space<vmem_shared>> -> memref<128x128xf32, #tpu.memory_space<vmem_shared>>
      %dma_start3A_48 = arith.constant 0 : i32
      %dma_start3A_49 = tpu.memref_slice %arg10[%add3A_28, %dma_start3A_48] : memref<10240x128xf32, #tpu.memory_space<vmem_shared>> -> memref<128x128xf32, #tpu.memory_space<vmem_shared>>
      tpu.enqueue_dma source(%dma_start3A_49 : memref<128x128xf32, #tpu.memory_space<vmem_shared>>) target(%arg8 : memref<128x128xf32, #tpu.memory_space<vmem>>) target_semaphore(%run_scoped3A : memref<!tpu.dma_semaphore, #tpu.memory_space<semaphore_mem>>)
      %dma_wait3A = arith.constant 0 : i32
      %dma_wait3A_50 = tpu.memref_slice %arg10[%add3A_28, %dma_wait3A] : memref<10240x128xf32, #tpu.memory_space<vmem_shared>> -> memref<128x128xf32, #tpu.memory_space<vmem_shared>>
      %dma_wait3A_51 = arith.constant 0 : i32
      %dma_wait3A_52 = tpu.memref_slice %arg10[%add3A_28, %dma_wait3A_51] : memref<10240x128xf32, #tpu.memory_space<vmem_shared>> -> memref<128x128xf32, #tpu.memory_space<vmem_shared>>
      tpu.wait_dma2 semaphore(%run_scoped3A : memref<!tpu.dma_semaphore, #tpu.memory_space<semaphore_mem>>) src(%dma_wait3A_52 : memref<128x128xf32, #tpu.memory_space<vmem_shared>>) dst(%arg8 : memref<128x128xf32, #tpu.memory_space<vmem>>)
      tpu.yield
    }) : () -> ()
    %add3A_29 = arith.constant 0 : i32
    %add3A_30 = arith.addi %mul3A_1, %add3A_29 : i32
    "tpu.region"() ({
      %run_scoped3A = tpu.sem_alloc : memref<!tpu.dma_semaphore, #tpu.memory_space<semaphore_mem>>
      %dma_start3A = arith.constant 0 : i32
      %dma_start3A_47 = tpu.memref_slice %arg5[%add3A_30, %dma_start3A] : memref<10240x128xf32, #tpu.memory_space<hbm>> -> memref<128x128xf32, #tpu.memory_space<hbm>>
      %dma_start3A_48 = arith.constant 0 : i32
      %dma_start3A_49 = tpu.memref_slice %arg5[%add3A_30, %dma_start3A_48] : memref<10240x128xf32, #tpu.memory_space<hbm>> -> memref<128x128xf32, #tpu.memory_space<hbm>>
      tpu.enqueue_dma source(%arg8 : memref<128x128xf32, #tpu.memory_space<vmem>>) target(%dma_start3A_49 : memref<128x128xf32, #tpu.memory_space<hbm>>) target_semaphore(%run_scoped3A : memref<!tpu.dma_semaphore, #tpu.memory_space<semaphore_mem>>)
      %dma_wait3A = arith.constant 0 : i32
      %dma_wait3A_50 = tpu.memref_slice %arg5[%add3A_30, %dma_wait3A] : memref<10240x128xf32, #tpu.memory_space<hbm>> -> memref<128x128xf32, #tpu.memory_space<hbm>>
      %dma_wait3A_51 = arith.constant 0 : i32
      %dma_wait3A_52 = tpu.memref_slice %arg5[%add3A_30, %dma_wait3A_51] : memref<10240x128xf32, #tpu.memory_space<hbm>> -> memref<128x128xf32, #tpu.memory_space<hbm>>
      tpu.wait_dma2 semaphore(%run_scoped3A : memref<!tpu.dma_semaphore, #tpu.memory_space<semaphore_mem>>) src(%arg8 : memref<128x128xf32, #tpu.memory_space<vmem>>) dst(%dma_wait3A_52 : memref<128x128xf32, #tpu.memory_space<hbm>>)
      tpu.yield
    }) : () -> ()
    %add3A_31 = arith.constant 128 : i32
    %add3A_32 = arith.addi %mul3A_1, %add3A_31 : i32
    "tpu.region"() ({
      %run_scoped3A = tpu.sem_alloc : memref<!tpu.dma_semaphore, #tpu.memory_space<semaphore_mem>>
      %dma_start3A = arith.constant 0 : i32
      %dma_start3A_47 = tpu.memref_slice %arg10[%add3A_32, %dma_start3A] : memref<10240x128xf32, #tpu.memory_space<vmem_shared>> -> memref<128x128xf32, #tpu.memory_space<vmem_shared>>
      %dma_start3A_48 = arith.constant 0 : i32
      %dma_start3A_49 = tpu.memref_slice %arg10[%add3A_32, %dma_start3A_48] : memref<10240x128xf32, #tpu.memory_space<vmem_shared>> -> memref<128x128xf32, #tpu.memory_space<vmem_shared>>
      tpu.enqueue_dma source(%dma_start3A_49 : memref<128x128xf32, #tpu.memory_space<vmem_shared>>) target(%arg8 : memref<128x128xf32, #tpu.memory_space<vmem>>) target_semaphore(%run_scoped3A : memref<!tpu.dma_semaphore, #tpu.memory_space<semaphore_mem>>)
      %dma_wait3A = arith.constant 0 : i32
      %dma_wait3A_50 = tpu.memref_slice %arg10[%add3A_32, %dma_wait3A] : memref<10240x128xf32, #tpu.memory_space<vmem_shared>> -> memref<128x128xf32, #tpu.memory_space<vmem_shared>>
      %dma_wait3A_51 = arith.constant 0 : i32
      %dma_wait3A_52 = tpu.memref_slice %arg10[%add3A_32, %dma_wait3A_51] : memref<10240x128xf32, #tpu.memory_space<vmem_shared>> -> memref<128x128xf32, #tpu.memory_space<vmem_shared>>
      tpu.wait_dma2 semaphore(%run_scoped3A : memref<!tpu.dma_semaphore, #tpu.memory_space<semaphore_mem>>) src(%dma_wait3A_52 : memref<128x128xf32, #tpu.memory_space<vmem_shared>>) dst(%arg8 : memref<128x128xf32, #tpu.memory_space<vmem>>)
      tpu.yield
    }) : () -> ()
    %add3A_33 = arith.constant 128 : i32
    %add3A_34 = arith.addi %mul3A_1, %add3A_33 : i32
    "tpu.region"() ({
      %run_scoped3A = tpu.sem_alloc : memref<!tpu.dma_semaphore, #tpu.memory_space<semaphore_mem>>
      %dma_start3A = arith.constant 0 : i32
      %dma_start3A_47 = tpu.memref_slice %arg5[%add3A_34, %dma_start3A] : memref<10240x128xf32, #tpu.memory_space<hbm>> -> memref<128x128xf32, #tpu.memory_space<hbm>>
      %dma_start3A_48 = arith.constant 0 : i32
      %dma_start3A_49 = tpu.memref_slice %arg5[%add3A_34, %dma_start3A_48] : memref<10240x128xf32, #tpu.memory_space<hbm>> -> memref<128x128xf32, #tpu.memory_space<hbm>>
      tpu.enqueue_dma source(%arg8 : memref<128x128xf32, #tpu.memory_space<vmem>>) target(%dma_start3A_49 : memref<128x128xf32, #tpu.memory_space<hbm>>) target_semaphore(%run_scoped3A : memref<!tpu.dma_semaphore, #tpu.memory_space<semaphore_mem>>)
      %dma_wait3A = arith.constant 0 : i32
      %dma_wait3A_50 = tpu.memref_slice %arg5[%add3A_34, %dma_wait3A] : memref<10240x128xf32, #tpu.memory_space<hbm>> -> memref<128x128xf32, #tpu.memory_space<hbm>>
      %dma_wait3A_51 = arith.constant 0 : i32
      %dma_wait3A_52 = tpu.memref_slice %arg5[%add3A_34, %dma_wait3A_51] : memref<10240x128xf32, #tpu.memory_space<hbm>> -> memref<128x128xf32, #tpu.memory_space<hbm>>
      tpu.wait_dma2 semaphore(%run_scoped3A : memref<!tpu.dma_semaphore, #tpu.memory_space<semaphore_mem>>) src(%arg8 : memref<128x128xf32, #tpu.memory_space<vmem>>) dst(%dma_wait3A_52 : memref<128x128xf32, #tpu.memory_space<hbm>>)
      tpu.yield
    }) : () -> ()
    %add3A_35 = arith.constant 256 : i32
    %add3A_36 = arith.addi %mul3A_1, %add3A_35 : i32
    "tpu.region"() ({
      %run_scoped3A = tpu.sem_alloc : memref<!tpu.dma_semaphore, #tpu.memory_space<semaphore_mem>>
      %dma_start3A = arith.constant 0 : i32
      %dma_start3A_47 = tpu.memref_slice %arg10[%add3A_36, %dma_start3A] : memref<10240x128xf32, #tpu.memory_space<vmem_shared>> -> memref<128x128xf32, #tpu.memory_space<vmem_shared>>
      %dma_start3A_48 = arith.constant 0 : i32
      %dma_start3A_49 = tpu.memref_slice %arg10[%add3A_36, %dma_start3A_48] : memref<10240x128xf32, #tpu.memory_space<vmem_shared>> -> memref<128x128xf32, #tpu.memory_space<vmem_shared>>
      tpu.enqueue_dma source(%dma_start3A_49 : memref<128x128xf32, #tpu.memory_space<vmem_shared>>) target(%arg8 : memref<128x128xf32, #tpu.memory_space<vmem>>) target_semaphore(%run_scoped3A : memref<!tpu.dma_semaphore, #tpu.memory_space<semaphore_mem>>)
      %dma_wait3A = arith.constant 0 : i32
      %dma_wait3A_50 = tpu.memref_slice %arg10[%add3A_36, %dma_wait3A] : memref<10240x128xf32, #tpu.memory_space<vmem_shared>> -> memref<128x128xf32, #tpu.memory_space<vmem_shared>>
      %dma_wait3A_51 = arith.constant 0 : i32
      %dma_wait3A_52 = tpu.memref_slice %arg10[%add3A_36, %dma_wait3A_51] : memref<10240x128xf32, #tpu.memory_space<vmem_shared>> -> memref<128x128xf32, #tpu.memory_space<vmem_shared>>
      tpu.wait_dma2 semaphore(%run_scoped3A : memref<!tpu.dma_semaphore, #tpu.memory_space<semaphore_mem>>) src(%dma_wait3A_52 : memref<128x128xf32, #tpu.memory_space<vmem_shared>>) dst(%arg8 : memref<128x128xf32, #tpu.memory_space<vmem>>)
      tpu.yield
    }) : () -> ()
    %add3A_37 = arith.constant 256 : i32
    %add3A_38 = arith.addi %mul3A_1, %add3A_37 : i32
    "tpu.region"() ({
      %run_scoped3A = tpu.sem_alloc : memref<!tpu.dma_semaphore, #tpu.memory_space<semaphore_mem>>
      %dma_start3A = arith.constant 0 : i32
      %dma_start3A_47 = tpu.memref_slice %arg5[%add3A_38, %dma_start3A] : memref<10240x128xf32, #tpu.memory_space<hbm>> -> memref<128x128xf32, #tpu.memory_space<hbm>>
      %dma_start3A_48 = arith.constant 0 : i32
      %dma_start3A_49 = tpu.memref_slice %arg5[%add3A_38, %dma_start3A_48] : memref<10240x128xf32, #tpu.memory_space<hbm>> -> memref<128x128xf32, #tpu.memory_space<hbm>>
      tpu.enqueue_dma source(%arg8 : memref<128x128xf32, #tpu.memory_space<vmem>>) target(%dma_start3A_49 : memref<128x128xf32, #tpu.memory_space<hbm>>) target_semaphore(%run_scoped3A : memref<!tpu.dma_semaphore, #tpu.memory_space<semaphore_mem>>)
      %dma_wait3A = arith.constant 0 : i32
      %dma_wait3A_50 = tpu.memref_slice %arg5[%add3A_38, %dma_wait3A] : memref<10240x128xf32, #tpu.memory_space<hbm>> -> memref<128x128xf32, #tpu.memory_space<hbm>>
      %dma_wait3A_51 = arith.constant 0 : i32
      %dma_wait3A_52 = tpu.memref_slice %arg5[%add3A_38, %dma_wait3A_51] : memref<10240x128xf32, #tpu.memory_space<hbm>> -> memref<128x128xf32, #tpu.memory_space<hbm>>
      tpu.wait_dma2 semaphore(%run_scoped3A : memref<!tpu.dma_semaphore, #tpu.memory_space<semaphore_mem>>) src(%arg8 : memref<128x128xf32, #tpu.memory_space<vmem>>) dst(%dma_wait3A_52 : memref<128x128xf32, #tpu.memory_space<hbm>>)
      tpu.yield
    }) : () -> ()
    %add3A_39 = arith.constant 384 : i32
    %add3A_40 = arith.addi %mul3A_1, %add3A_39 : i32
    "tpu.region"() ({
      %run_scoped3A = tpu.sem_alloc : memref<!tpu.dma_semaphore, #tpu.memory_space<semaphore_mem>>
      %dma_start3A = arith.constant 0 : i32
      %dma_start3A_47 = tpu.memref_slice %arg10[%add3A_40, %dma_start3A] : memref<10240x128xf32, #tpu.memory_space<vmem_shared>> -> memref<128x128xf32, #tpu.memory_space<vmem_shared>>
      %dma_start3A_48 = arith.constant 0 : i32
      %dma_start3A_49 = tpu.memref_slice %arg10[%add3A_40, %dma_start3A_48] : memref<10240x128xf32, #tpu.memory_space<vmem_shared>> -> memref<128x128xf32, #tpu.memory_space<vmem_shared>>
      tpu.enqueue_dma source(%dma_start3A_49 : memref<128x128xf32, #tpu.memory_space<vmem_shared>>) target(%arg8 : memref<128x128xf32, #tpu.memory_space<vmem>>) target_semaphore(%run_scoped3A : memref<!tpu.dma_semaphore, #tpu.memory_space<semaphore_mem>>)
      %dma_wait3A = arith.constant 0 : i32
      %dma_wait3A_50 = tpu.memref_slice %arg10[%add3A_40, %dma_wait3A] : memref<10240x128xf32, #tpu.memory_space<vmem_shared>> -> memref<128x128xf32, #tpu.memory_space<vmem_shared>>
      %dma_wait3A_51 = arith.constant 0 : i32
      %dma_wait3A_52 = tpu.memref_slice %arg10[%add3A_40, %dma_wait3A_51] : memref<10240x128xf32, #tpu.memory_space<vmem_shared>> -> memref<128x128xf32, #tpu.memory_space<vmem_shared>>
      tpu.wait_dma2 semaphore(%run_scoped3A : memref<!tpu.dma_semaphore, #tpu.memory_space<semaphore_mem>>) src(%dma_wait3A_52 : memref<128x128xf32, #tpu.memory_space<vmem_shared>>) dst(%arg8 : memref<128x128xf32, #tpu.memory_space<vmem>>)
      tpu.yield
    }) : () -> ()
    %add3A_41 = arith.constant 384 : i32
    %add3A_42 = arith.addi %mul3A_1, %add3A_41 : i32
    "tpu.region"() ({
      %run_scoped3A = tpu.sem_alloc : memref<!tpu.dma_semaphore, #tpu.memory_space<semaphore_mem>>
      %dma_start3A = arith.constant 0 : i32
      %dma_start3A_47 = tpu.memref_slice %arg5[%add3A_42, %dma_start3A] : memref<10240x128xf32, #tpu.memory_space<hbm>> -> memref<128x128xf32, #tpu.memory_space<hbm>>
      %dma_start3A_48 = arith.constant 0 : i32
      %dma_start3A_49 = tpu.memref_slice %arg5[%add3A_42, %dma_start3A_48] : memref<10240x128xf32, #tpu.memory_space<hbm>> -> memref<128x128xf32, #tpu.memory_space<hbm>>
      tpu.enqueue_dma source(%arg8 : memref<128x128xf32, #tpu.memory_space<vmem>>) target(%dma_start3A_49 : memref<128x128xf32, #tpu.memory_space<hbm>>) target_semaphore(%run_scoped3A : memref<!tpu.dma_semaphore, #tpu.memory_space<semaphore_mem>>)
      %dma_wait3A = arith.constant 0 : i32
      %dma_wait3A_50 = tpu.memref_slice %arg5[%add3A_42, %dma_wait3A] : memref<10240x128xf32, #tpu.memory_space<hbm>> -> memref<128x128xf32, #tpu.memory_space<hbm>>
      %dma_wait3A_51 = arith.constant 0 : i32
      %dma_wait3A_52 = tpu.memref_slice %arg5[%add3A_42, %dma_wait3A_51] : memref<10240x128xf32, #tpu.memory_space<hbm>> -> memref<128x128xf32, #tpu.memory_space<hbm>>
      tpu.wait_dma2 semaphore(%run_scoped3A : memref<!tpu.dma_semaphore, #tpu.memory_space<semaphore_mem>>) src(%arg8 : memref<128x128xf32, #tpu.memory_space<vmem>>) dst(%dma_wait3A_52 : memref<128x128xf32, #tpu.memory_space<hbm>>)
      tpu.yield
    }) : () -> ()
    %add3A_43 = arith.constant 512 : i32
    %add3A_44 = arith.addi %mul3A_1, %add3A_43 : i32
    "tpu.region"() ({
      %run_scoped3A = tpu.sem_alloc : memref<!tpu.dma_semaphore, #tpu.memory_space<semaphore_mem>>
      %dma_start3A = arith.constant 0 : i32
      %dma_start3A_47 = tpu.memref_slice %arg10[%add3A_44, %dma_start3A] : memref<10240x128xf32, #tpu.memory_space<vmem_shared>> -> memref<128x128xf32, #tpu.memory_space<vmem_shared>>
      %dma_start3A_48 = arith.constant 0 : i32
      %dma_start3A_49 = tpu.memref_slice %arg10[%add3A_44, %dma_start3A_48] : memref<10240x128xf32, #tpu.memory_space<vmem_shared>> -> memref<128x128xf32, #tpu.memory_space<vmem_shared>>
      tpu.enqueue_dma source(%dma_start3A_49 : memref<128x128xf32, #tpu.memory_space<vmem_shared>>) target(%arg8 : memref<128x128xf32, #tpu.memory_space<vmem>>) target_semaphore(%run_scoped3A : memref<!tpu.dma_semaphore, #tpu.memory_space<semaphore_mem>>)
      %dma_wait3A = arith.constant 0 : i32
      %dma_wait3A_50 = tpu.memref_slice %arg10[%add3A_44, %dma_wait3A] : memref<10240x128xf32, #tpu.memory_space<vmem_shared>> -> memref<128x128xf32, #tpu.memory_space<vmem_shared>>
      %dma_wait3A_51 = arith.constant 0 : i32
      %dma_wait3A_52 = tpu.memref_slice %arg10[%add3A_44, %dma_wait3A_51] : memref<10240x128xf32, #tpu.memory_space<vmem_shared>> -> memref<128x128xf32, #tpu.memory_space<vmem_shared>>
      tpu.wait_dma2 semaphore(%run_scoped3A : memref<!tpu.dma_semaphore, #tpu.memory_space<semaphore_mem>>) src(%dma_wait3A_52 : memref<128x128xf32, #tpu.memory_space<vmem_shared>>) dst(%arg8 : memref<128x128xf32, #tpu.memory_space<vmem>>)
      tpu.yield
    }) : () -> ()
    %add3A_45 = arith.constant 512 : i32
    %add3A_46 = arith.addi %mul3A_1, %add3A_45 : i32
    "tpu.region"() ({
      %run_scoped3A = tpu.sem_alloc : memref<!tpu.dma_semaphore, #tpu.memory_space<semaphore_mem>>
      %dma_start3A = arith.constant 0 : i32
      %dma_start3A_47 = tpu.memref_slice %arg5[%add3A_46, %dma_start3A] : memref<10240x128xf32, #tpu.memory_space<hbm>> -> memref<128x128xf32, #tpu.memory_space<hbm>>
      %dma_start3A_48 = arith.constant 0 : i32
      %dma_start3A_49 = tpu.memref_slice %arg5[%add3A_46, %dma_start3A_48] : memref<10240x128xf32, #tpu.memory_space<hbm>> -> memref<128x128xf32, #tpu.memory_space<hbm>>
      tpu.enqueue_dma source(%arg8 : memref<128x128xf32, #tpu.memory_space<vmem>>) target(%dma_start3A_49 : memref<128x128xf32, #tpu.memory_space<hbm>>) target_semaphore(%run_scoped3A : memref<!tpu.dma_semaphore, #tpu.memory_space<semaphore_mem>>)
      %dma_wait3A = arith.constant 0 : i32
      %dma_wait3A_50 = tpu.memref_slice %arg5[%add3A_46, %dma_wait3A] : memref<10240x128xf32, #tpu.memory_space<hbm>> -> memref<128x128xf32, #tpu.memory_space<hbm>>
      %dma_wait3A_51 = arith.constant 0 : i32
      %dma_wait3A_52 = tpu.memref_slice %arg5[%add3A_46, %dma_wait3A_51] : memref<10240x128xf32, #tpu.memory_space<hbm>> -> memref<128x128xf32, #tpu.memory_space<hbm>>
      tpu.wait_dma2 semaphore(%run_scoped3A : memref<!tpu.dma_semaphore, #tpu.memory_space<semaphore_mem>>) src(%arg8 : memref<128x128xf32, #tpu.memory_space<vmem>>) dst(%dma_wait3A_52 : memref<128x128xf32, #tpu.memory_space<hbm>>)
      tpu.yield
    }) : () -> ()
    return
  }
}

module attributes {stable_mosaic.version = 14 : i64} {
  func.func @_tc1_body(%arg0: i32, %arg1: memref<1000x128xf32, #tpu.memory_space<vmem>>, %arg2: memref<1000x128xf32, #tpu.memory_space<vmem>>, %arg3: memref<1000x128xf32, #tpu.memory_space<vmem>>, %arg4: memref<128x128xf32, #tpu.memory_space<vmem>>, %arg5: memref<128x128xf32, #tpu.memory_space<vmem>>, %arg6: memref<128x128xf32, #tpu.memory_space<vmem>>, %arg7: memref<1x128xf32, #tpu.memory_space<vmem>>, %arg8: memref<1x128xf32, #tpu.memory_space<vmem>>, %arg9: memref<1x128xf32, #tpu.memory_space<vmem>>, %arg10: memref<1000x128xf32, #tpu.memory_space<vmem>>, %arg11: memref<1000x128xf32, #tpu.memory_space<vmem>>) attributes {dimension_semantics = [#tpu.dimension_semantics<arbitrary>], iteration_bounds = array<i64: 10>, scalar_prefetch = 0 : i64, scratch_operands = 0 : i64, tpu.core_type = #tpu.core_type<tc>, window_params = [{transform_indices = @transform_0, window_bounds = array<i64: 1000, 128>}, {transform_indices = @transform_1, window_bounds = array<i64: 1000, 128>}, {transform_indices = @transform_2, window_bounds = array<i64: 1000, 128>}, {pipeline_mode = #tpu.pipeline_mode<synchronous>, transform_indices = @transform_3, window_bounds = array<i64: 128, 128>}, {pipeline_mode = #tpu.pipeline_mode<synchronous>, transform_indices = @transform_4, window_bounds = array<i64: 128, 128>}, {pipeline_mode = #tpu.pipeline_mode<synchronous>, transform_indices = @transform_5, window_bounds = array<i64: 128, 128>}, {pipeline_mode = #tpu.pipeline_mode<synchronous>, transform_indices = @transform_6, window_bounds = array<i64: 1, 128>}, {pipeline_mode = #tpu.pipeline_mode<synchronous>, transform_indices = @transform_7, window_bounds = array<i64: 1, 128>}, {pipeline_mode = #tpu.pipeline_mode<synchronous>, transform_indices = @transform_8, window_bounds = array<i64: 1, 128>}, {transform_indices = @transform_9, window_bounds = array<i64: 1000, 128>}, {transform_indices = @transform_10, window_bounds = array<i64: 1000, 128>}]} {
    %get3A = arith.constant 0 : index
    %get3A_0 = arith.constant 0 : index
    %get3A_1 = vector.load %arg2[%get3A, %get3A_0] : memref<1000x128xf32, #tpu.memory_space<vmem>>, vector<1000x1xf32>
    %get3A_2 = arith.constant 0 : index
    %get3A_3 = arith.constant 0 : index
    %get3A_4 = vector.load %arg1[%get3A_2, %get3A_3] : memref<1000x128xf32, #tpu.memory_space<vmem>>, vector<1000x128xf32>
    %max3A = arith.constant 1.000000e+00 : f32
    %max3A_5 = vector.broadcast %max3A : f32 to vector<1000x1xf32>
    %max3A_6 = arith.maximumf %get3A_1, %max3A_5 : vector<1000x1xf32>
    %div3A = vector.broadcast %max3A_6 : vector<1000x1xf32> to vector<1000x128xf32>
    %div3A_7 = arith.divf %get3A_4, %div3A : vector<1000x128xf32>
    %get3A_8 = arith.constant 0 : index
    %get3A_9 = arith.constant 0 : index
    %get3A_10 = vector.load %arg3[%get3A_8, %get3A_9] : memref<1000x128xf32, #tpu.memory_space<vmem>>, vector<1000x128xf32>
    %get3A_11 = arith.constant 0 : index
    %get3A_12 = arith.constant 0 : index
    %get3A_13 = vector.load %arg4[%get3A_11, %get3A_12] : memref<128x128xf32, #tpu.memory_space<vmem>>, vector<128x128xf32>
    %dot_general3A = arith.constant dense<0.000000e+00> : vector<1000x128xf32>
    %dot_general3A_14 = tpu.matmul %div3A_7, %get3A_13, %dot_general3A {dimension_numbers = #tpu.dot_dimension_numbers<[1], [0], [0], [1], [0, 0, 1, 1], [], []>, transpose_lhs_hint = false} : vector<1000x128xf32>, vector<128x128xf32>, vector<1000x128xf32> -> vector<1000x128xf32>
    %get3A_15 = arith.constant 0 : index
    %get3A_16 = arith.constant 0 : index
    %get3A_17 = vector.load %arg5[%get3A_15, %get3A_16] : memref<128x128xf32, #tpu.memory_space<vmem>>, vector<128x128xf32>
    %dot_general3A_18 = arith.constant dense<0.000000e+00> : vector<1000x128xf32>
    %dot_general3A_19 = tpu.matmul %get3A_10, %get3A_17, %dot_general3A_18 {dimension_numbers = #tpu.dot_dimension_numbers<[1], [0], [0], [1], [0, 0, 1, 1], [], []>, transpose_lhs_hint = false} : vector<1000x128xf32>, vector<128x128xf32>, vector<1000x128xf32> -> vector<1000x128xf32>
    %add3A = arith.addf %dot_general3A_14, %dot_general3A_19 : vector<1000x128xf32>
    %get3A_20 = arith.constant 0 : index
    %get3A_21 = arith.constant 0 : index
    %get3A_22 = vector.load %arg7[%get3A_20, %get3A_21] : memref<1x128xf32, #tpu.memory_space<vmem>>, vector<1x128xf32>
    %mul3A = arith.constant 0.999994993 : f32
    %mul3A_23 = vector.broadcast %mul3A : f32 to vector<1000x128xf32>
    %mul3A_24 = arith.mulf %add3A, %mul3A_23 : vector<1000x128xf32>
    %mul3A_25 = vector.broadcast %get3A_22 : vector<1x128xf32> to vector<1000x128xf32>
    %mul3A_26 = arith.mulf %mul3A_25, %mul3A_24 : vector<1000x128xf32>
    %get3A_27 = arith.constant 0 : index
    %get3A_28 = arith.constant 0 : index
    %get3A_29 = vector.load %arg8[%get3A_27, %get3A_28] : memref<1x128xf32, #tpu.memory_space<vmem>>, vector<1x128xf32>
    %add3A_30 = vector.broadcast %get3A_29 : vector<1x128xf32> to vector<1000x128xf32>
    %add3A_31 = arith.addf %mul3A_26, %add3A_30 : vector<1000x128xf32>
    %max3A_32 = arith.constant 0.000000e+00 : f32
    %max3A_33 = vector.broadcast %max3A_32 : f32 to vector<1000x128xf32>
    %max3A_34 = arith.maximumf %add3A_31, %max3A_33 : vector<1000x128xf32>
    %swap3A = arith.constant 0 : index
    %swap3A_35 = arith.constant 0 : index
    %swap3A_36 = vector.load %arg10[%swap3A, %swap3A_35] : memref<1000x128xf32, #tpu.memory_space<vmem>>, vector<1000x128xf32>
    tpu.vector_store %arg10[%swap3A, %swap3A_35], %max3A_34 {strides = array<i32>} : memref<1000x128xf32, #tpu.memory_space<vmem>>, vector<1000x128xf32>,
    %get3A_37 = arith.constant 0 : index
    %get3A_38 = arith.constant 0 : index
    %get3A_39 = vector.load %arg6[%get3A_37, %get3A_38] : memref<128x128xf32, #tpu.memory_space<vmem>>, vector<128x128xf32>
    %dot_general3A_40 = arith.constant dense<0.000000e+00> : vector<1000x128xf32>
    %dot_general3A_41 = tpu.matmul %get3A_10, %get3A_39, %dot_general3A_40 {dimension_numbers = #tpu.dot_dimension_numbers<[1], [0], [0], [1], [0, 0, 1, 1], [], []>, transpose_lhs_hint = false} : vector<1000x128xf32>, vector<128x128xf32>, vector<1000x128xf32> -> vector<1000x128xf32>
    %add3A_42 = arith.addf %max3A_34, %dot_general3A_41 : vector<1000x128xf32>
    %get3A_43 = arith.constant 0 : index
    %get3A_44 = arith.constant 0 : index
    %get3A_45 = vector.load %arg9[%get3A_43, %get3A_44] : memref<1x128xf32, #tpu.memory_space<vmem>>, vector<1x128xf32>
    %add3A_46 = vector.broadcast %get3A_45 : vector<1x128xf32> to vector<1000x128xf32>
    %add3A_47 = arith.addf %add3A_42, %add3A_46 : vector<1000x128xf32>
    %swap3A_48 = arith.constant 0 : index
    %swap3A_49 = arith.constant 0 : index
    %swap3A_50 = vector.load %arg11[%swap3A_48, %swap3A_49] : memref<1000x128xf32, #tpu.memory_space<vmem>>, vector<1000x128xf32>
    tpu.vector_store %arg11[%swap3A_48, %swap3A_49], %add3A_47 {strides = array<i32>} : memref<1000x128xf32, #tpu.memory_space<vmem>>, vector<1000x128xf32>,
    return
  }
  func.func @transform_0(%arg0: i32) -> (i32, i32) {
    %c0_i32 = arith.constant 0 : i32
    %c0_i32_0 = arith.constant 0 : i32
    return %arg0, %c0_i32 : i32, i32
  }
  func.func @transform_1(%arg0: i32) -> (i32, i32) {
    %c0_i32 = arith.constant 0 : i32
    %c0_i32_0 = arith.constant 0 : i32
    return %arg0, %c0_i32 : i32, i32
  }
  func.func @transform_2(%arg0: i32) -> (i32, i32) {
    %c0_i32 = arith.constant 0 : i32
    %c0_i32_0 = arith.constant 0 : i32
    return %arg0, %c0_i32 : i32, i32
  }
  func.func @transform_3(%arg0: i32) -> (i32, i32) {
    %c0_i32 = arith.constant 0 : i32
    %c0_i32_0 = arith.constant 0 : i32
    %c0_i32_1 = arith.constant 0 : i32
    return %c0_i32, %c0_i32_0 : i32, i32
  }
  func.func @transform_4(%arg0: i32) -> (i32, i32) {
    %c0_i32 = arith.constant 0 : i32
    %c0_i32_0 = arith.constant 0 : i32
    %c0_i32_1 = arith.constant 0 : i32
    return %c0_i32, %c0_i32_0 : i32, i32
  }
  func.func @transform_5(%arg0: i32) -> (i32, i32) {
    %c0_i32 = arith.constant 0 : i32
    %c0_i32_0 = arith.constant 0 : i32
    %c0_i32_1 = arith.constant 0 : i32
    return %c0_i32, %c0_i32_0 : i32, i32
  }
  func.func @transform_6(%arg0: i32) -> (i32, i32) {
    %c0_i32 = arith.constant 0 : i32
    %c0_i32_0 = arith.constant 0 : i32
    %c0_i32_1 = arith.constant 0 : i32
    return %c0_i32, %c0_i32_0 : i32, i32
  }
  func.func @transform_7(%arg0: i32) -> (i32, i32) {
    %c0_i32 = arith.constant 0 : i32
    %c0_i32_0 = arith.constant 0 : i32
    %c0_i32_1 = arith.constant 0 : i32
    return %c0_i32, %c0_i32_0 : i32, i32
  }
  func.func @transform_8(%arg0: i32) -> (i32, i32) {
    %c0_i32 = arith.constant 0 : i32
    %c0_i32_0 = arith.constant 0 : i32
    %c0_i32_1 = arith.constant 0 : i32
    return %c0_i32, %c0_i32_0 : i32, i32
  }
  func.func @transform_9(%arg0: i32) -> (i32, i32) {
    %c0_i32 = arith.constant 0 : i32
    %c0_i32_0 = arith.constant 0 : i32
    return %arg0, %c0_i32 : i32, i32
  }
  func.func @transform_10(%arg0: i32) -> (i32, i32) {
    %c0_i32 = arith.constant 0 : i32
    %c0_i32_0 = arith.constant 0 : i32
    return %arg0, %c0_i32 : i32, i32
  }
}

module attributes {stable_mosaic.version = 14 : i64} {
  func.func @_tc2_body(%arg0: i32, %arg1: memref<1000x128xf32, #tpu.memory_space<vmem>>, %arg2: memref<1000x128xf32, #tpu.memory_space<vmem>>, %arg3: memref<1000x128xf32, #tpu.memory_space<vmem>>, %arg4: memref<1000x128xf32, #tpu.memory_space<vmem>>, %arg5: memref<1000x128xf32, #tpu.memory_space<vmem>>, %arg6: memref<128x128xf32, #tpu.memory_space<vmem>>, %arg7: memref<128x128xf32, #tpu.memory_space<vmem>>, %arg8: memref<1x128xf32, #tpu.memory_space<vmem>>, %arg9: memref<1x128xf32, #tpu.memory_space<vmem>>, %arg10: memref<128x80xf32, #tpu.memory_space<vmem>>, %arg11: memref<128x80xf32, #tpu.memory_space<vmem>>, %arg12: memref<128x80xf32, #tpu.memory_space<vmem>>, %arg13: memref<1x80xf32, #tpu.memory_space<vmem>>, %arg14: memref<1x80xf32, #tpu.memory_space<vmem>>, %arg15: memref<1x80xf32, #tpu.memory_space<vmem>>, %arg16: memref<80x40xf32, #tpu.memory_space<vmem>>, %arg17: memref<1x40xf32, #tpu.memory_space<vmem>>, %arg18: memref<1000x40xf32, #tpu.memory_space<vmem>>) attributes {dimension_semantics = [#tpu.dimension_semantics<arbitrary>], iteration_bounds = array<i64: 10>, scalar_prefetch = 0 : i64, scratch_operands = 0 : i64, tpu.core_type = #tpu.core_type<tc>, window_params = [{transform_indices = @transform_0, window_bounds = array<i64: 1000, 128>}, {transform_indices = @transform_1, window_bounds = array<i64: 1000, 128>}, {transform_indices = @transform_2, window_bounds = array<i64: 1000, 128>}, {transform_indices = @transform_3, window_bounds = array<i64: 1000, 128>}, {transform_indices = @transform_4, window_bounds = array<i64: 1000, 128>}, {pipeline_mode = #tpu.pipeline_mode<synchronous>, transform_indices = @transform_5, window_bounds = array<i64: 128, 128>}, {pipeline_mode = #tpu.pipeline_mode<synchronous>, transform_indices = @transform_6, window_bounds = array<i64: 128, 128>}, {pipeline_mode = #tpu.pipeline_mode<synchronous>, transform_indices = @transform_7, window_bounds = array<i64: 1, 128>}, {pipeline_mode = #tpu.pipeline_mode<synchronous>, transform_indices = @transform_8, window_bounds = array<i64: 1, 128>}, {pipeline_mode = #tpu.pipeline_mode<synchronous>, transform_indices = @transform_9, window_bounds = array<i64: 128, 80>}, {pipeline_mode = #tpu.pipeline_mode<synchronous>, transform_indices = @transform_10, window_bounds = array<i64: 128, 80>}, {pipeline_mode = #tpu.pipeline_mode<synchronous>, transform_indices = @transform_11, window_bounds = array<i64: 128, 80>}, {pipeline_mode = #tpu.pipeline_mode<synchronous>, transform_indices = @transform_12, window_bounds = array<i64: 1, 80>}, {pipeline_mode = #tpu.pipeline_mode<synchronous>, transform_indices = @transform_13, window_bounds = array<i64: 1, 80>}, {pipeline_mode = #tpu.pipeline_mode<synchronous>, transform_indices = @transform_14, window_bounds = array<i64: 1, 80>}, {pipeline_mode = #tpu.pipeline_mode<synchronous>, transform_indices = @transform_15, window_bounds = array<i64: 80, 40>}, {pipeline_mode = #tpu.pipeline_mode<synchronous>, transform_indices = @transform_16, window_bounds = array<i64: 1, 40>}, {transform_indices = @transform_17, window_bounds = array<i64: 1000, 40>}]} {
    %get3A = arith.constant 0 : index
    %get3A_0 = arith.constant 0 : index
    %get3A_1 = vector.load %arg2[%get3A, %get3A_0] : memref<1000x128xf32, #tpu.memory_space<vmem>>, vector<1000x1xf32>
    %get3A_2 = arith.constant 0 : index
    %get3A_3 = arith.constant 0 : index
    %get3A_4 = vector.load %arg1[%get3A_2, %get3A_3] : memref<1000x128xf32, #tpu.memory_space<vmem>>, vector<1000x128xf32>
    %max3A = arith.constant 1.000000e+00 : f32
    %max3A_5 = vector.broadcast %max3A : f32 to vector<1000x1xf32>
    %max3A_6 = arith.maximumf %get3A_1, %max3A_5 : vector<1000x1xf32>
    %div3A = vector.broadcast %max3A_6 : vector<1000x1xf32> to vector<1000x128xf32>
    %div3A_7 = arith.divf %get3A_4, %div3A : vector<1000x128xf32>
    %get3A_8 = arith.constant 0 : index
    %get3A_9 = arith.constant 0 : index
    %get3A_10 = vector.load %arg4[%get3A_8, %get3A_9] : memref<1000x128xf32, #tpu.memory_space<vmem>>, vector<1000x128xf32>
    %get3A_11 = arith.constant 0 : index
    %get3A_12 = arith.constant 0 : index
    %get3A_13 = vector.load %arg6[%get3A_11, %get3A_12] : memref<128x128xf32, #tpu.memory_space<vmem>>, vector<128x128xf32>
    %dot_general3A = arith.constant dense<0.000000e+00> : vector<1000x128xf32>
    %dot_general3A_14 = tpu.matmul %div3A_7, %get3A_13, %dot_general3A {dimension_numbers = #tpu.dot_dimension_numbers<[1], [0], [0], [1], [0, 0, 1, 1], [], []>, transpose_lhs_hint = false} : vector<1000x128xf32>, vector<128x128xf32>, vector<1000x128xf32> -> vector<1000x128xf32>
    %get3A_15 = arith.constant 0 : index
    %get3A_16 = arith.constant 0 : index
    %get3A_17 = vector.load %arg7[%get3A_15, %get3A_16] : memref<128x128xf32, #tpu.memory_space<vmem>>, vector<128x128xf32>
    %dot_general3A_18 = arith.constant dense<0.000000e+00> : vector<1000x128xf32>
    %dot_general3A_19 = tpu.matmul %get3A_10, %get3A_17, %dot_general3A_18 {dimension_numbers = #tpu.dot_dimension_numbers<[1], [0], [0], [1], [0, 0, 1, 1], [], []>, transpose_lhs_hint = false} : vector<1000x128xf32>, vector<128x128xf32>, vector<1000x128xf32> -> vector<1000x128xf32>
    %add3A = arith.addf %dot_general3A_14, %dot_general3A_19 : vector<1000x128xf32>
    %get3A_20 = arith.constant 0 : index
    %get3A_21 = arith.constant 0 : index
    %get3A_22 = vector.load %arg8[%get3A_20, %get3A_21] : memref<1x128xf32, #tpu.memory_space<vmem>>, vector<1x128xf32>
    %mul3A = arith.constant 0.999994993 : f32
    %mul3A_23 = vector.broadcast %mul3A : f32 to vector<1000x128xf32>
    %mul3A_24 = arith.mulf %add3A, %mul3A_23 : vector<1000x128xf32>
    %mul3A_25 = vector.broadcast %get3A_22 : vector<1x128xf32> to vector<1000x128xf32>
    %mul3A_26 = arith.mulf %mul3A_25, %mul3A_24 : vector<1000x128xf32>
    %get3A_27 = arith.constant 0 : index
    %get3A_28 = arith.constant 0 : index
    %get3A_29 = vector.load %arg9[%get3A_27, %get3A_28] : memref<1x128xf32, #tpu.memory_space<vmem>>, vector<1x128xf32>
    %add3A_30 = vector.broadcast %get3A_29 : vector<1x128xf32> to vector<1000x128xf32>
    %add3A_31 = arith.addf %mul3A_26, %add3A_30 : vector<1000x128xf32>
    %max3A_32 = arith.constant 0.000000e+00 : f32
    %max3A_33 = vector.broadcast %max3A_32 : f32 to vector<1000x128xf32>
    %max3A_34 = arith.maximumf %add3A_31, %max3A_33 : vector<1000x128xf32>
    %get3A_35 = arith.constant 0 : index
    %get3A_36 = arith.constant 0 : index
    %get3A_37 = vector.load %arg3[%get3A_35, %get3A_36] : memref<1000x128xf32, #tpu.memory_space<vmem>>, vector<1000x128xf32>
    %get3A_38 = arith.constant 0 : index
    %get3A_39 = arith.constant 0 : index
    %get3A_40 = vector.load %arg10[%get3A_38, %get3A_39] : memref<128x80xf32, #tpu.memory_space<vmem>>, vector<128x80xf32>
    %dot_general3A_41 = arith.constant dense<0.000000e+00> : vector<1000x80xf32>
    %dot_general3A_42 = tpu.matmul %get3A_37, %get3A_40, %dot_general3A_41 {dimension_numbers = #tpu.dot_dimension_numbers<[1], [0], [0], [1], [0, 0, 1, 1], [], []>, transpose_lhs_hint = false} : vector<1000x128xf32>, vector<128x80xf32>, vector<1000x80xf32> -> vector<1000x80xf32>
    %get3A_43 = arith.constant 0 : index
    %get3A_44 = arith.constant 0 : index
    %get3A_45 = vector.load %arg5[%get3A_43, %get3A_44] : memref<1000x128xf32, #tpu.memory_space<vmem>>, vector<1000x128xf32>
    %get3A_46 = arith.constant 0 : index
    %get3A_47 = arith.constant 0 : index
    %get3A_48 = vector.load %arg11[%get3A_46, %get3A_47] : memref<128x80xf32, #tpu.memory_space<vmem>>, vector<128x80xf32>
    %dot_general3A_49 = arith.constant dense<0.000000e+00> : vector<1000x80xf32>
    %dot_general3A_50 = tpu.matmul %get3A_45, %get3A_48, %dot_general3A_49 {dimension_numbers = #tpu.dot_dimension_numbers<[1], [0], [0], [1], [0, 0, 1, 1], [], []>, transpose_lhs_hint = false} : vector<1000x128xf32>, vector<128x80xf32>, vector<1000x80xf32> -> vector<1000x80xf32>
    %add3A_51 = arith.addf %dot_general3A_42, %dot_general3A_50 : vector<1000x80xf32>
    %get3A_52 = arith.constant 0 : index
    %get3A_53 = arith.constant 0 : index
    %get3A_54 = vector.load %arg12[%get3A_52, %get3A_53] : memref<128x80xf32, #tpu.memory_space<vmem>>, vector<128x80xf32>
    %dot_general3A_55 = arith.constant dense<0.000000e+00> : vector<1000x80xf32>
    %dot_general3A_56 = tpu.matmul %max3A_34, %get3A_54, %dot_general3A_55 {dimension_numbers = #tpu.dot_dimension_numbers<[1], [0], [0], [1], [0, 0, 1, 1], [], []>, transpose_lhs_hint = false} : vector<1000x128xf32>, vector<128x80xf32>, vector<1000x80xf32> -> vector<1000x80xf32>
    %add3A_57 = arith.addf %add3A_51, %dot_general3A_56 : vector<1000x80xf32>
    %get3A_58 = arith.constant 0 : index
    %get3A_59 = arith.constant 0 : index
    %get3A_60 = vector.load %arg13[%get3A_58, %get3A_59] : memref<1x80xf32, #tpu.memory_space<vmem>>, vector<1x80xf32>
    %add3A_61 = vector.broadcast %get3A_60 : vector<1x80xf32> to vector<1000x80xf32>
    %add3A_62 = arith.addf %add3A_57, %add3A_61 : vector<1000x80xf32>
    %get3A_63 = arith.constant 0 : index
    %get3A_64 = arith.constant 0 : index
    %get3A_65 = vector.load %arg14[%get3A_63, %get3A_64] : memref<1x80xf32, #tpu.memory_space<vmem>>, vector<1x80xf32>
    %mul3A_66 = arith.constant 0.999994993 : f32
    %mul3A_67 = vector.broadcast %mul3A_66 : f32 to vector<1000x80xf32>
    %mul3A_68 = arith.mulf %add3A_62, %mul3A_67 : vector<1000x80xf32>
    %mul3A_69 = vector.broadcast %get3A_65 : vector<1x80xf32> to vector<1000x80xf32>
    %mul3A_70 = arith.mulf %mul3A_69, %mul3A_68 : vector<1000x80xf32>
    %get3A_71 = arith.constant 0 : index
    %get3A_72 = arith.constant 0 : index
    %get3A_73 = vector.load %arg15[%get3A_71, %get3A_72] : memref<1x80xf32, #tpu.memory_space<vmem>>, vector<1x80xf32>
    %add3A_74 = vector.broadcast %get3A_73 : vector<1x80xf32> to vector<1000x80xf32>
    %add3A_75 = arith.addf %mul3A_70, %add3A_74 : vector<1000x80xf32>
    %max3A_76 = arith.constant 0.000000e+00 : f32
    %max3A_77 = vector.broadcast %max3A_76 : f32 to vector<1000x80xf32>
    %max3A_78 = arith.maximumf %add3A_75, %max3A_77 : vector<1000x80xf32>
    %get3A_79 = arith.constant 0 : index
    %get3A_80 = arith.constant 0 : index
    %get3A_81 = vector.load %arg16[%get3A_79, %get3A_80] : memref<80x40xf32, #tpu.memory_space<vmem>>, vector<80x40xf32>
    %dot_general3A_82 = arith.constant dense<0.000000e+00> : vector<1000x40xf32>
    %dot_general3A_83 = tpu.matmul %max3A_78, %get3A_81, %dot_general3A_82 {dimension_numbers = #tpu.dot_dimension_numbers<[1], [0], [0], [1], [0, 0, 1, 1], [], []>, transpose_lhs_hint = false} : vector<1000x80xf32>, vector<80x40xf32>, vector<1000x40xf32> -> vector<1000x40xf32>
    %get3A_84 = arith.constant 0 : index
    %get3A_85 = arith.constant 0 : index
    %get3A_86 = vector.load %arg17[%get3A_84, %get3A_85] : memref<1x40xf32, #tpu.memory_space<vmem>>, vector<1x40xf32>
    %add3A_87 = vector.broadcast %get3A_86 : vector<1x40xf32> to vector<1000x40xf32>
    %add3A_88 = arith.addf %dot_general3A_83, %add3A_87 : vector<1000x40xf32>
    %swap3A = arith.constant 0 : index
    %swap3A_89 = arith.constant 0 : index
    %swap3A_90 = vector.load %arg18[%swap3A, %swap3A_89] : memref<1000x40xf32, #tpu.memory_space<vmem>>, vector<1000x40xf32>
    tpu.vector_store %arg18[%swap3A, %swap3A_89], %add3A_88 {strides = array<i32>} : memref<1000x40xf32, #tpu.memory_space<vmem>>, vector<1000x40xf32>,
    return
  }
  func.func @transform_0(%arg0: i32) -> (i32, i32) {
    %c0_i32 = arith.constant 0 : i32
    %c0_i32_0 = arith.constant 0 : i32
    return %arg0, %c0_i32 : i32, i32
  }
  func.func @transform_1(%arg0: i32) -> (i32, i32) {
    %c0_i32 = arith.constant 0 : i32
    %c0_i32_0 = arith.constant 0 : i32
    return %arg0, %c0_i32 : i32, i32
  }
  func.func @transform_2(%arg0: i32) -> (i32, i32) {
    %c0_i32 = arith.constant 0 : i32
    %c0_i32_0 = arith.constant 0 : i32
    return %arg0, %c0_i32 : i32, i32
  }
  func.func @transform_3(%arg0: i32) -> (i32, i32) {
    %c0_i32 = arith.constant 0 : i32
    %c0_i32_0 = arith.constant 0 : i32
    return %arg0, %c0_i32 : i32, i32
  }
  func.func @transform_4(%arg0: i32) -> (i32, i32) {
    %c0_i32 = arith.constant 0 : i32
    %c0_i32_0 = arith.constant 0 : i32
    return %arg0, %c0_i32 : i32, i32
  }
  func.func @transform_5(%arg0: i32) -> (i32, i32) {
    %c0_i32 = arith.constant 0 : i32
    %c0_i32_0 = arith.constant 0 : i32
    %c0_i32_1 = arith.constant 0 : i32
    return %c0_i32, %c0_i32_0 : i32, i32
  }
  func.func @transform_6(%arg0: i32) -> (i32, i32) {
    %c0_i32 = arith.constant 0 : i32
    %c0_i32_0 = arith.constant 0 : i32
    %c0_i32_1 = arith.constant 0 : i32
    return %c0_i32, %c0_i32_0 : i32, i32
  }
  func.func @transform_7(%arg0: i32) -> (i32, i32) {
    %c0_i32 = arith.constant 0 : i32
    %c0_i32_0 = arith.constant 0 : i32
    %c0_i32_1 = arith.constant 0 : i32
    return %c0_i32, %c0_i32_0 : i32, i32
  }
  func.func @transform_8(%arg0: i32) -> (i32, i32) {
    %c0_i32 = arith.constant 0 : i32
    %c0_i32_0 = arith.constant 0 : i32
    %c0_i32_1 = arith.constant 0 : i32
    return %c0_i32, %c0_i32_0 : i32, i32
  }
  func.func @transform_9(%arg0: i32) -> (i32, i32) {
    %c0_i32 = arith.constant 0 : i32
    %c0_i32_0 = arith.constant 0 : i32
    %c0_i32_1 = arith.constant 0 : i32
    return %c0_i32, %c0_i32_0 : i32, i32
  }
  func.func @transform_10(%arg0: i32) -> (i32, i32) {
    %c0_i32 = arith.constant 0 : i32
    %c0_i32_0 = arith.constant 0 : i32
    %c0_i32_1 = arith.constant 0 : i32
    return %c0_i32, %c0_i32_0 : i32, i32
  }
  func.func @transform_11(%arg0: i32) -> (i32, i32) {
    %c0_i32 = arith.constant 0 : i32
    %c0_i32_0 = arith.constant 0 : i32
    %c0_i32_1 = arith.constant 0 : i32
    return %c0_i32, %c0_i32_0 : i32, i32
  }
  func.func @transform_12(%arg0: i32) -> (i32, i32) {
    %c0_i32 = arith.constant 0 : i32
    %c0_i32_0 = arith.constant 0 : i32
    %c0_i32_1 = arith.constant 0 : i32
    return %c0_i32, %c0_i32_0 : i32, i32
  }
  func.func @transform_13(%arg0: i32) -> (i32, i32) {
    %c0_i32 = arith.constant 0 : i32
    %c0_i32_0 = arith.constant 0 : i32
    %c0_i32_1 = arith.constant 0 : i32
    return %c0_i32, %c0_i32_0 : i32, i32
  }
  func.func @transform_14(%arg0: i32) -> (i32, i32) {
    %c0_i32 = arith.constant 0 : i32
    %c0_i32_0 = arith.constant 0 : i32
    %c0_i32_1 = arith.constant 0 : i32
    return %c0_i32, %c0_i32_0 : i32, i32
  }
  func.func @transform_15(%arg0: i32) -> (i32, i32) {
    %c0_i32 = arith.constant 0 : i32
    %c0_i32_0 = arith.constant 0 : i32
    %c0_i32_1 = arith.constant 0 : i32
    return %c0_i32, %c0_i32_0 : i32, i32
  }
  func.func @transform_16(%arg0: i32) -> (i32, i32) {
    %c0_i32 = arith.constant 0 : i32
    %c0_i32_0 = arith.constant 0 : i32
    %c0_i32_1 = arith.constant 0 : i32
    return %c0_i32, %c0_i32_0 : i32, i32
  }
  func.func @transform_17(%arg0: i32) -> (i32, i32) {
    %c0_i32 = arith.constant 0 : i32
    %c0_i32_0 = arith.constant 0 : i32
    return %arg0, %c0_i32 : i32, i32
  }
}

</mosaic_0001>

<sc_bundles>
// kernel: kernel.10.cloned.1.call-start
scs
__scs_entry_jumppad:
0x0: {  	(pc) =	sbr.rel $0x88, $3  }
0x1: {  	(tag) =	ssettag $0x0;
	lr =	simm.s32 $0x1  }
0x2: {  	[smem:$0x3F8F] =	sst lr;
	_ =	strace $0xD0000000  }
0x3: {  	_ = 	snop  }
0x4: {  	_ = 	snop  }
0x5: {  	_ = 	snop  }
0x6: {  	_ = 	snop  }
0x7: {  	_ = 	snop  }
__scs_overlays_trampoline_lowered:
0x8: {  	[smem:$0x3F9E] =	sst s0  }
0x9: {  	[smem:$0x3F9F] =	sst s1  }
0xa: {  	[smem:$0x3FA0] =	sst s2  }
0xb: {  	[smem:$0x3FA1] =	sst s3  }
0xc: {  	[smem:$0x3FA2] =	sst s4  }
0xd: {  	[smem:$0x3FA3] =	sst s5  }
0xe: {  	[smem:$0x3FA4] =	sst s6  }
0xf: {  	[smem:$0x3FA5] =	sst s7  }
0x10: {  	[smem:$0x3FA6] =	sst s8  }
0x11: {  	[smem:$0x3FA7] =	sst s9;
	s0 =	simm.s32 @!p0 $0x0  }
0x12: {  	s1 =	sld [smem:$0x3F8D];
	s0 =	simm.s32 @p0 $0x1  }
0x13: {  	[smem:$0x3FA8] =	sst s0;
	s0 =	simm.s32 @!p1 $0x0  }
0x14: {  	s2 =	sld [smem:$0x3F8C];
	s0 =	simm.s32 @p1 $0x1  }
0x15: {  	[smem:$0x3FA9] =	sst s0;
	s0 =	simm.s32 @!p2 $0x0  }
0x16: {  	s3 =	sld [smem:$0x3FDB];
	s0 =	simm.s32 @p2 $0x1  }
0x17: {  	s4 =	simm.s32 $0x1BF5;
	[smem:$0x3FAB] =	sst s0  }
0x18: {  	s0 =	sld [smem:$0x3F8E];
	_ =	swait.ge [sflag:s4], $0x0  }
0x19: {  	s7 =	sld [smem:$0x3F8F]  }
0x1a: {  	s8 =	sadd.s32 $0xFFFFE003, lr  }
0x1b: {  	s9 =	sadd.s32 $0xFFFFFEF7, lr;
	s5 =	simm.s32 $0xFFFFFFFF;
	p2 =	slt.u32 s8, $0xFFFFF086  }
0x1c: {  	p1 =	slt.u32 s9, $0xF7A;
	s5 =	simm.s32 @!p2 $0x0  }
0x1d: {  	s5 =	simm.s32 @p1 $0x1;
	p0 =	seq.s32 s7, s2  }
0x1e: {  	s7 =	smul.u32 @!p0 $0xF7A, s2;
	p2 =	seq.s32 @!p0 s5, $0x0  }
0x1f: {  	s9 =	smul.u32 $0xF7A, s1;
	s8 =	simm.s32 @!p0 $0x1BF5;
	p2 =	por !p2, p0  }
0x20: {  	[sflag:s8] =	ssyncset.s32 @!p0 $0xFFFFF086;
	s6 =	sadd.s32 @!p0 s3, s7;
	s7 =	simm.s32 @!p0 $0x108  }
0x21: {  	s3 =	sadd.s32 s3, s9;
	s6 =	sadd.s32 @!p0 $0x88, s6;
	s7 =	simm.s32 @p2 $0x1082  }
0x22: {  	[simem:s7], [sflag:s8] =	dma.local @!p0 [hbm:s6], $0xF7A  }
0x23: {  	s9 =	sor.u32 $0xD0000000, s2;
	s6 =	simm.s32 $0x108;
	_ =	swait.ge @!p0 [sflag:s8], $0x0  }
0x24: {  	s3 =	sadd.s32 $0x88, s3;
	s6 =	simm.s32 @!p1 $0x1082;
	[sflag:s4] =	ssyncset.s32 $0xFFFFF086  }
0x25: {  	[simem:s6], [sflag:s4] =	dma.local [hbm:s3], $0xF7A  }
0x26: {  	[smem:$0x3F8F] =	sst s1;
	(tag) =	ssettag s2;
	_ =	strace s9  }
0x27: {  	s1 =	sld [smem:$0x3F9F]  }
0x28: {  	s2 =	sld [smem:$0x3FA0]  }
0x29: {  	s4 =	sld [smem:$0x3FA2]  }
0x2a: {  	p0 =	seq.s32 s5, $0x0;
	s5 =	sld [smem:$0x3FA3]  }
0x2b: {  	s6 =	sld [smem:$0x3FA4]  }
0x2c: {  	s7 =	sld [smem:$0x3FA5]  }
0x2d: {  	s3 =	simm.s32 $0x108;
	s8 =	sld [smem:$0x3FA6]  }
0x2e: {  	s3 =	simm.s32 @!p0 $0x1082;
	s9 =	sld [smem:$0x3FA7]  }
0x2f: {  	lr =	sadd.s32 s0, s3;
	s0 =	sld [smem:$0x3F9E]  }
0x30: {  	s3 =	sld [smem:$0x3FA1]  }
0x31: {  	[smem:$0x3FAA] =	sst s10  }
0x32: {  	s10 =	sld [smem:$0x3FA8];
	_ =	sdelay $0x3  }
0x33: {  	p0 =	seq.s32 s10, $0x1;
	s10 =	sld [smem:$0x3FAA];
	_ =	sdelay $0x3  }
0x34: {  	[smem:$0x3FAA] =	sst s10  }
0x35: {  	s10 =	sld [smem:$0x3FA9];
	_ =	sdelay $0x3  }
0x36: {  	p1 =	seq.s32 s10, $0x1;
	s10 =	sld [smem:$0x3FAA];
	_ =	sdelay $0x3  }
0x37: {  	[smem:$0x3FAA] =	sst s10  }
0x38: {  	s10 =	sld [smem:$0x3FAB]  }
0x39: {  	_ = 	snop;
	(pc) =	sbr.ind lr, $3  }
0x3a: {  	_ = 	snop  }
0x3b: {  	_ = 	snop  }
0x3c: {  	p2 =	seq.s32 s10, $0x1;
	s10 =	sld [smem:$0x3FAA]  }
0x3d: {  	_ =	shalt  }
0x3e: {  	_ =	shalt  }
0x3f: {  	_ =	shalt  }
0x40: {  	_ =	shalt  }
0x41: {  	_ =	shalt  }
0x42: {  	_ =	shalt  }
0x43: {  	_ =	shalt  }
0x44: {  	_ =	shalt  }
0x45: {  	_ =	shalt  }
0x46: {  	_ =	shalt  }
0x47: {  	_ =	shalt  }
0x48: {  	_ =	shalt  }
0x49: {  	_ =	shalt  }
0x4a: {  	_ =	shalt  }
0x4b: {  	_ =	shalt  }
0x4c: {  	_ =	shalt  }
0x4d: {  	_ =	shalt  }
0x4e: {  	_ =	shalt  }
0x4f: {  	_ =	shalt  }
0x50: {  	_ =	shalt  }
0x51: {  	_ =	shalt  }
0x52: {  	_ =	shalt  }
0x53: {  	_ =	shalt  }
0x54: {  	_ =	shalt  }
0x55: {  	_ =	shalt  }
0x56: {  	_ =	shalt  }
0x57: {  	_ =	shalt  }
0x58: {  	_ =	shalt  }
0x59: {  	_ =	shalt  }
0x5a: {  	_ =	shalt  }
0x5b: {  	_ =	shalt  }
0x5c: {  	_ =	shalt  }
0x5d: {  	_ =	shalt  }
0x5e: {  	_ =	shalt  }
0x5f: {  	_ =	shalt  }
0x60: {  	_ =	shalt  }
0x61: {  	_ =	shalt  }
0x62: {  	_ =	shalt  }
0x63: {  	_ =	shalt  }
0x64: {  	_ =	shalt  }
0x65: {  	_ =	shalt  }
0x66: {  	_ =	shalt  }
0x67: {  	_ =	shalt  }
0x68: {  	_ =	shalt  }
0x69: {  	_ =	shalt  }
0x6a: {  	_ =	shalt  }
0x6b: {  	_ =	shalt  }
0x6c: {  	_ =	shalt  }
0x6d: {  	_ =	shalt  }
0x6e: {  	_ =	shalt  }
0x6f: {  	_ =	shalt  }
0x70: {  	_ =	shalt  }
0x71: {  	_ =	shalt  }
0x72: {  	_ =	shalt  }
0x73: {  	_ =	shalt  }
0x74: {  	_ =	shalt  }
0x75: {  	_ =	shalt  }
0x76: {  	_ =	shalt  }
0x77: {  	_ =	shalt  }
0x78: {  	_ =	shalt  }
0x79: {  	_ =	shalt  }
0x7a: {  	_ =	shalt  }
0x7b: {  	_ =	shalt  }
0x7c: {  	_ =	shalt  }
0x7d: {  	_ =	shalt  }
0x7e: {  	_ =	shalt  }
0x7f: {  	_ =	shalt  }
0x80: {  	_ =	shalt  }
0x81: {  	_ =	shalt  }
0x82: {  	_ =	shalt  }
0x83: {  	_ =	shalt  }
0x84: {  	_ =	shalt  }
0x85: {  	_ =	shalt  }
0x86: {  	_ =	shalt  }
0x87: {  	_ =	shalt  }
.Lfunc_end0:
.L_simem_size_0:
called_computation.1_lowered:
.L_overlay_start_0:
0x88: {  	s0 =	sld [smem:$0x3FD9]  }
0x89: {  	s1 =	sld [smem:$0x3FFE];
	_ =	sdelay $0x3  }
0x8a: {  	s0 =	sadd.s32 s1, s0  }
0x8b: {  	[smem:$0x3FB6] =	sst s0  }
0x8c: {  	_ = 	snop  }
0x8d: {  	s0 =	sld [smem:$0x3FC9]  }
0x8e: {  	s16 =	sld [smem:$0x3FD0];
	(tm) =	ssettm $0x1  }
0x8f: {  	s2 =	sld [smem:$0x3FFB];
	_ =	sdelay $0x3  }
0x90: {  	_ =	strace s2  }
0x91: {  	s2 =	sld [smem:$0x3FFC];
	_ =	sdelay $0x3  }
0x92: {  	_ =	strace s2  }
0x93: {  	s2 =	sld [smem:$0x3FFD];
	_ =	sdelay $0x3  }
0x94: {  	_ =	strace s2  }
0x95: {  	_ =	strace $0x8FFFFFFF  }
0x96: {  	s17 =	sld [smem:$0x3FDB];
	_ =	sdelay $0x1  }
0x97: {  	s3 =	simm.s32 $_scs_section_size  }
0x98: {  	s4 =	simm.s32 $_size__tile_overlayer_lowered;
	s5 =	simm.s32 $_tile_overlayer_lowered  }
0x99: {  	s20 =	simm.s32 $0x1BFF;
	s19 =	sshll.u32 s5, $0x1;
	s2 =	sadd.s32 s3, s17  }
0x9a: {  	s6 =	simm.s32 $0x0;
	s18 =	sshll.u32 s4, $0x1;
	s4 =	sadd.s32 s19, s2  }
0x9b: {  	[timem:s6], [sflag:s20] =	dma.local [hbm:s4], s18  }
0x9c: {  	_ =	swait.ge [sflag:s20], s18  }
0x9d: {  	s3 =	ssub.s32 $0x0, s18;
	[sflag:s20] =	ssyncset.done $0x0  }
0x9e: {  	[sflag:s20] =	ssyncadd.s32 s3;
	_ =	sdelay $0x1  }
0x9f: {  	s21 =	simm.s32 $0x1B8B  }
0xa0: {  	_ =	swait.ge [sflag:s21], $0x1  }
0xa1: {  	[sflag:s21] =	ssyncset.done $0x0  }
0xa2: {  	s23 =	simm.s32 $0x1B8E;
	s22 =	sld [smem:$0x3FFE];
	[sflag:s21] =	ssyncadd.s32 $0xFFFFFFFF  }
0xa3: {  	s24 =	simm.s32 $execute0_lowered;
	[smem:$0x3FD2] =	sst s23  }
0xa4: {  	s4 =	sshll.u32 s24, $0x1;
	_ =	strace $0x80000049;
	[dreg:$0x1] =	wrdreg $0xFFFFFFFF  }
0xa5: {  	s25 =	simm.s32 $_size_execute0_lowered;
	s2 =	sadd.s32 s2, s4;
	[dreg:$0x0] =	wrdreg $0x0  }
0xa6: {  	s4 =	sshll.u32 s25, $0x1;
	[dreg:$0x2] =	wrdreg s2  }
0xa7: {  	[dreg:$0x3] =	wrdreg s4  }
0xa8: {  	[dreg:$0x4] =	wrdreg $0xC0  }
0xa9: {  	_ =	task [dreg:s6], $0x5FFFF  }
0xaa: {  	[dreg:$0x1] =	wrdreg $0xFFFFFFFF  }
0xab: {  	[dreg:$0x0] =	wrdreg $0x60  }
0xac: {  	[dreg:$0x2] =	wrdreg s0  }
0xad: {  	[dreg:$0x3] =	wrdreg s22  }
0xae: {  	[dreg:$0x4] =	wrdreg s16  }
0xaf: {  	[dreg:$0x5] =	wrdreg $0x82000  }
0xb0: {  	[dreg:$0x6] =	wrdreg $0xA  }
0xb1: {  	_ =	task.clear_ibuf [dreg:s6], $0x7FFFF;
	_ =	strace $0x90000049  }
0xb2: {  	s26 =	simm.s32 $0xA;
	_ =	strace $0x8000004B  }
0xb3: {  	_ =	swait.ge [sflag:s26], $0x1  }
0xb4: {  	[sflag:s26] =	ssyncadd.s32 $0xFFFFFFFF  }
0xb5: {  	_ =	strace $0x9000004B  }
0xb6: {  	_ =	sfence  }
0xb7: {  	s28 =	sld [smem:$0x0];
	_ =	sdelay $0x1  }
0xb8: {  	s29 =	srdreg.scid  }
0xb9: {  	s30 =	sshll.u32 s29, $0xD;
	s31 =	sshrl.u32 s29, $0x2  }
0xba: {  	s1 =	sand.u32 $0x1, s29;
	s2 =	sand.u32 $0x4000, s30;
	s0 =	sadd.s32 s31, s28  }
0xbb: {  	s1 =	sor.u32 s2, s1;
	s0 =	sshll.u32 s0, $0x11  }
0xbc: {  	s0 =	sor.u32 s0, s1  }
0xbd: {  	s0 =	sadd.s32 $0x8F2B, s0  }
0xbe: {  	[sflag:s0] =	ssyncadd.remote.s32 $0x1  }
0xbf: {  	_ =	sfence.sel $0xFFFF  }
0xc0: {  	[dreg:$0x0] =	wrdreg $0xFFFFFFFF;
	(pc) =	sbr.abs _section_cstart, $3  }
0xc1: {  	[dreg:$0x1] =	wrdreg $0xFFFFFFFF  }
0xc2: {  	_ =	task.clear_ibuf [dreg:s6], $0x2FFFF;
	_ =	strace $0x9FFFFFFF  }
0xc3: {  	(tm) =	ssettm $0x7FFFFFFF  }
tec
execute0_lowered:
.L_overlay_start_1:
0x0: {  	(tag) =	ssettag $0x1  }
0x1: {  	s4 =	rddreg [dreg:$0x0]  }
0x2: {  	s1 =	rddreg [dreg:$0x1]  }
0x3: {  	s7 =	rddreg [dreg:$0x2]  }
0x4: {  	s3 =	rddreg [dreg:$0x3]  }
0x5: {  	s0 =	rddreg [dreg:$0x4];
	s2 =	simm.s32 $0x0;
	s5 =	simm.s32 $0x0  }
0x6: {  	s6 =	simm.s32 $0x200;
	[smem:$0x7FF] =	sst s2;
	s13 =	sadd.s32 $0x3600, s1  }
0x7: {  	v0 =	vimm.f32 $0.0e+00;
	s2 =	sadd.s32 $0x5C800, s1;
	s1 =	stileid.u32;
	_ =	strace $0x8000004A  }
.LBB2_1:
0x8: {  	p0 =	sne.s32 s6, $0xFE00;
	[tilespmem:s5+$0x270] =	vst v0  }
0x9: {  	[tilespmem:s5+$0x200] =	vst v0  }
0xa: {  	[tilespmem:s5+$0x210] =	vst v0  }
.Ltmp0:
0xb: {  	[tilespmem:s5+$0x220] =	vst v0;
	(pc) =	sbr.rel @p0 .LBB2_1-.Ltmp0, $4  }
0xc: {  	[tilespmem:s5+$0x230] =	vst v0  }
0xd: {  	[tilespmem:s5+$0x240] =	vst v0  }
0xe: {  	[tilespmem:s5+$0x250] =	vst v0  }
0xf: {  	[tilespmem:s5+$0x260] =	vst v0;
	s5 =	sshra.s32 s6, $0x2;
	s6 =	sadd.s32 $0x200, s6  }
0x10: {  	[tilespmem:s5+$0x270] =	vst v0  }
0x11: {  	[tilespmem:s5+$0x200] =	vst v0  }
0x12: {  	[tilespmem:s5+$0x210] =	vst v0  }
0x13: {  	[tilespmem:s5+$0x220] =	vst v0  }
0x14: {  	[tilespmem:s5+$0x230] =	vst v0;
	s6 =	smul.u32 $0x50000, s1  }
0x15: {  	[tilespmem:s5+$0x240] =	vst v0  }
0x16: {  	[tilespmem:s5+$0x250] =	vst v0;
	s23 =	smul.u32 $0x280, s1;
	s6 =	sshrl.u32 s6, $0x2  }
0x17: {  	[tilespmem:s5+$0x260] =	vst v0;
	s16 =	simm.s32 $0x200;
	s17 =	simm.s32 $0x4;
	s15 =	sadd.s32 s6, s3  }
0x18: {  	[spmem:s15] =	stream.linear.scatter [tilespmem:s16], [sflag:$0x4], $0x4000, $0x38;
	[tilespmem:$0x1C200] =	vst v63  }
0x19: {  	s10 =	sadd.s32 $0x80, s23;
	_ =	swait.ge [sflag:s17], $0x4000  }
0x1a: {  	s24 =	sshll.u32 s10, $0x7;
	[sflag:s17] =	ssyncset.done $0x0  }
0x1b: {  	s14 =	sadd.s32 s24, s3;
	[sflag:s17] =	ssyncadd.s32 $0xFFFFC000  }
0x1c: {  	[spmem:s14] =	stream.linear.scatter [tilespmem:s16], [sflag:$0x4], $0x4000, $0x38;
	[tilespmem:$0x1C200] =	vst v63  }
0x1d: {  	s8 =	sadd.s32 $0x100, s23;
	_ =	swait.ge [sflag:s17], $0x4000  }
0x1e: {  	s25 =	sshll.u32 s8, $0x7;
	[sflag:s17] =	ssyncset.done $0x0  }
0x1f: {  	s12 =	sadd.s32 s25, s3;
	[sflag:s17] =	ssyncadd.s32 $0xFFFFC000  }
0x20: {  	[spmem:s12] =	stream.linear.scatter [tilespmem:s16], [sflag:$0x4], $0x4000, $0x38;
	[tilespmem:$0x1C200] =	vst v63  }
0x21: {  	s6 =	sadd.s32 $0x180, s23;
	_ =	swait.ge [sflag:s17], $0x4000  }
0x22: {  	s9 =	sshll.u32 s6, $0x7;
	[sflag:s17] =	ssyncset.done $0x0  }
0x23: {  	s11 =	sadd.s32 s9, s3;
	[sflag:s17] =	ssyncadd.s32 $0xFFFFC000  }
0x24: {  	[spmem:s11] =	stream.linear.scatter [tilespmem:s16], [sflag:$0x4], $0x4000, $0x38;
	[tilespmem:$0x1C200] =	vst v63  }
0x25: {  	s5 =	sadd.s32 $0x200, s23;
	_ =	swait.ge [sflag:s17], $0x4000  }
0x26: {  	s26 =	sshll.u32 s5, $0x7;
	[sflag:s17] =	ssyncset.done $0x0  }
0x27: {  	s23 =	smul.u32 $0xA00, s1;
	s9 =	sadd.s32 s26, s3;
	[sflag:s17] =	ssyncadd.s32 $0xFFFFC000  }
0x28: {  	[spmem:s9] =	stream.linear.scatter [tilespmem:s16], [sflag:$0x4], $0x4000, $0x38;
	[tilespmem:$0x1C200] =	vst v63  }
0x29: {  	s20 =	simm.s32 $0x0;
	s18 =	sadd.s32 $0x0, s23;
	_ =	swait.ge [sflag:s17], $0x4000  }
0x2a: {  	s19 =	sand.u32 $0x60, s20;
	s18 =	sand.u32 $0x1FF80, s18;
	[sflag:s17] =	ssyncset.done $0x0  }
0x2b: {  	s18 =	sor.u32 s19, s18;
	[sflag:s17] =	ssyncadd.s32 $0xFFFFC000  }
0x2c: {  	s28 =	sadd.s32 s13, s18;
	[bflag:$0x0] =	sbarrier.arrive $0xFFFF  }
0x2d: {  	[tilespmem:s20], [sflag:$0x3] =	stream.linear.gather [hbm4b:s28+s20], $0x80, $0x38;
	[tilespmem:$0x1C200] =	vst v63  }
0x2e: {  	s19 =	sadd.s32 s7, s18;
	s22 =	sor.u32 $0x10, s18;
	s17 =	simm.s32 $0x100  }
0x2f: {  	[tilespmem:s17], [sflag:$0x3] =	stream.linear.gather [hbm4b:s19+s20], $0x80, $0x38;
	[tilespmem:$0x1C200] =	vst v63  }
0x30: {  	s18 =	simm.s32 $0x80;
	s31 =	sadd.s32 s13, s22  }
0x31: {  	[tilespmem:s18], [sflag:$0x3] =	stream.linear.gather [hbm4b:s31+s20], $0x80, $0x38;
	[tilespmem:$0x1C200] =	vst v63  }
0x32: {  	s21 =	simm.s32 $0x3;
	s22 =	sadd.s32 s7, s22;
	s19 =	simm.s32 $0x180  }
0x33: {  	[tilespmem:s19], [sflag:$0x3] =	stream.linear.gather [hbm4b:s22+s20], $0x80, $0x38;
	[tilespmem:$0x1C200] =	vst v63  }
0x34: {  	_ =	swait.ge [sflag:s21], $0x80  }
0x35: {  	[sflag:s21] =	ssyncset.done $0x0  }
0x36: {  	[sflag:s21] =	ssyncadd.s32 $0xFFFFFF80  }
0x37: {  	[tilespmem:s16], [sflag:$0x1] =	stream.indirect.gather [hbm4b:s4+s18], $0x80, s20, s18, $0xb8;
	[tilespmem:$0x1C200] =	vst v63  }
0x38: {  	_ =	swait.ge [sflag:s21], $0x80  }
0x39: {  	[sflag:s21] =	ssyncset.done $0x0  }
0x3a: {  	s22 =	simm.s32 $0x4200;
	[sflag:s21] =	ssyncadd.s32 $0xFFFFFF80  }
0x3b: {  	[tilespmem:s22], [sflag:$0x1] =	stream.indirect.gather [hbm4b:s4+s18], $0x80, s18, s18, $0xb8;
	[tilespmem:$0x1C200] =	vst v63  }
0x3c: {  	_ =	swait.ge [sflag:s21], $0x80  }
0x3d: {  	[sflag:s21] =	ssyncset.done $0x0  }
0x3e: {  	[sflag:s21] =	ssyncadd.s32 $0xFFFFFF80  }
0x3f: {  	_ =	swait.ge [sflag:s21], $0x80  }
0x40: {  	[sflag:s21] =	ssyncset.done $0x0  }
0x41: {  	s24 =	simm.s32 $0x1;
	[sflag:s21] =	ssyncadd.s32 $0xFFFFFF80  }
0x42: {  	_ =	swait.ge [sflag:s24], $0x4000  }
0x43: {  	[sflag:s24] =	ssyncset.done $0x0  }
0x44: {  	[sflag:s24] =	ssyncadd.s32 $0xFFFFC000  }
0x45: {  	[spmem:s3] =	stream.indirect.scatter.add.f32 [tilespmem:s16], [sflag:$0x2], $0x80, s17, s18, $0xb8;
	[tilespmem:$0x1C200] =	vst v63  }
0x46: {  	_ =	swait.ge [sflag:s24], $0x4000  }
0x47: {  	[sflag:s24] =	ssyncset.done $0x0  }
0x48: {  	s25 =	simm.s32 $0x2;
	[sflag:s24] =	ssyncadd.s32 $0xFFFFC000  }
0x49: {  	[spmem:s3] =	stream.indirect.scatter.add.f32 [tilespmem:s22], [sflag:$0x2], $0x80, s19, s18, $0xb8;
	[tilespmem:$0x1C200] =	vst v63  }
0x4a: {  	_ =	swait.ge [sflag:s25], $0x4000  }
0x4b: {  	[sflag:s25] =	ssyncset.done $0x0  }
0x4c: {  	s26 =	simm.s32 $0x20;
	s28 =	sadd.s32 $0x20, s23;
	[sflag:s25] =	ssyncadd.s32 $0xFFFFC000  }
0x4d: {  	s26 =	sand.u32 $0x60, s26;
	s28 =	sand.u32 $0x1FF80, s28;
	_ =	swait.ge [sflag:s25], $0x4000  }
0x4e: {  	s30 =	simm.s32 $0x40;
	s29 =	sor.u32 s26, s28;
	[sflag:s25] =	ssyncset.done $0x0  }
.LBB2_3:
0x4f: {  	s31 =	sadd.s32 s13, s29  }
0x50: {  	[sflag:s25] =	ssyncadd.s32 $0xFFFFC000;
	s28 =	smov.u32 s30;
	s26 =	sadd.s32 $0x20, s30  }
0x51: {  	[tilespmem:s20], [sflag:$0x3] =	stream.linear.gather [hbm4b:s31+s20], $0x80, $0x38;
	[tilespmem:$0x1C200] =	vst v63  }
0x52: {  	p0 =	sne.s32 s30, $0x9E0;
	s30 =	sadd.s32 s7, s29;
	s29 =	sor.u32 $0x10, s29  }
0x53: {  	[tilespmem:s17], [sflag:$0x3] =	stream.linear.gather [hbm4b:s30+s20], $0x80, $0x38;
	[tilespmem:$0x1C200] =	vst v63  }
0x54: {  	s30 =	sadd.s32 s13, s29  }
0x55: {  	[tilespmem:s18], [sflag:$0x3] =	stream.linear.gather [hbm4b:s30+s20], $0x80, $0x38;
	[tilespmem:$0x1C200] =	vst v63  }
0x56: {  	s29 =	sadd.s32 s7, s29  }
0x57: {  	[tilespmem:s19], [sflag:$0x3] =	stream.linear.gather [hbm4b:s29+s20], $0x80, $0x38;
	[tilespmem:$0x1C200] =	vst v63  }
0x58: {  	_ =	swait.ge [sflag:s21], $0x80  }
0x59: {  	[sflag:s21] =	ssyncset.done $0x0  }
0x5a: {  	[sflag:s21] =	ssyncadd.s32 $0xFFFFFF80  }
0x5b: {  	[tilespmem:s16], [sflag:$0x1] =	stream.indirect.gather [hbm4b:s4+s18], $0x80, s20, s18, $0xb8;
	[tilespmem:$0x1C200] =	vst v63  }
0x5c: {  	_ =	swait.ge [sflag:s21], $0x80  }
0x5d: {  	[sflag:s21] =	ssyncset.done $0x0  }
0x5e: {  	[sflag:s21] =	ssyncadd.s32 $0xFFFFFF80  }
0x5f: {  	[tilespmem:s22], [sflag:$0x1] =	stream.indirect.gather [hbm4b:s4+s18], $0x80, s18, s18, $0xb8;
	[tilespmem:$0x1C200] =	vst v63  }
0x60: {  	_ =	swait.ge [sflag:s21], $0x80  }
0x61: {  	[sflag:s21] =	ssyncset.done $0x0  }
0x62: {  	[sflag:s21] =	ssyncadd.s32 $0xFFFFFF80  }
0x63: {  	_ =	swait.ge [sflag:s21], $0x80  }
0x64: {  	[sflag:s21] =	ssyncset.done $0x0  }
0x65: {  	[sflag:s21] =	ssyncadd.s32 $0xFFFFFF80  }
0x66: {  	_ =	swait.ge [sflag:s24], $0x4000  }
0x67: {  	[sflag:s24] =	ssyncset.done $0x0  }
0x68: {  	[sflag:s24] =	ssyncadd.s32 $0xFFFFC000  }
0x69: {  	[spmem:s3] =	stream.indirect.scatter.add.f32 [tilespmem:s16], [sflag:$0x2], $0x80, s17, s18, $0xb8;
	[tilespmem:$0x1C200] =	vst v63  }
0x6a: {  	_ =	swait.ge [sflag:s24], $0x4000  }
0x6b: {  	[sflag:s24] =	ssyncset.done $0x0  }
0x6c: {  	[sflag:s24] =	ssyncadd.s32 $0xFFFFC000  }
0x6d: {  	[spmem:s3] =	stream.indirect.scatter.add.f32 [tilespmem:s22], [sflag:$0x2], $0x80, s19, s18, $0xb8;
	[tilespmem:$0x1C200] =	vst v63  }
.Ltmp1:
0x6e: {  	_ =	swait.ge [sflag:s25], $0x4000;
	(pc) =	sbr.rel @p0 .LBB2_3-.Ltmp1, $4  }
0x6f: {  	[sflag:s25] =	ssyncset.done $0x0  }
0x70: {  	s29 =	sadd.s32 s28, s23;
	[sflag:s25] =	ssyncadd.s32 $0xFFFFC000  }
0x71: {  	s28 =	sand.u32 $0x60, s28;
	s29 =	sand.u32 $0x1FF80, s29;
	_ =	swait.ge [sflag:s25], $0x4000  }
0x72: {  	s30 =	smov.u32 s26;
	s29 =	sor.u32 s28, s29;
	[sflag:s25] =	ssyncset.done $0x0  }
0x73: {  	[sflag:s25] =	ssyncadd.s32 $0xFFFFC000;
	s23 =	sadd.s32 s13, s29  }
0x74: {  	[tilespmem:s20], [sflag:$0x3] =	stream.linear.gather [hbm4b:s23+s20], $0x80, $0x38;
	[tilespmem:$0x1C200] =	vst v63  }
0x75: {  	s28 =	sadd.s32 s7, s29;
	s30 =	sor.u32 $0x10, s29  }
0x76: {  	[tilespmem:s17], [sflag:$0x3] =	stream.linear.gather [hbm4b:s28+s20], $0x80, $0x38;
	[tilespmem:$0x1C200] =	vst v63  }
0x77: {  	s31 =	sadd.s32 s13, s30  }
0x78: {  	[tilespmem:s18], [sflag:$0x3] =	stream.linear.gather [hbm4b:s31+s20], $0x80, $0x38;
	[tilespmem:$0x1C200] =	vst v63  }
0x79: {  	s23 =	sadd.s32 s7, s30  }
0x7a: {  	[tilespmem:s19], [sflag:$0x3] =	stream.linear.gather [hbm4b:s23+s20], $0x80, $0x38;
	[tilespmem:$0x1C200] =	vst v63  }
0x7b: {  	_ =	swait.ge [sflag:s21], $0x80  }
0x7c: {  	[sflag:s21] =	ssyncset.done $0x0  }
0x7d: {  	[sflag:s21] =	ssyncadd.s32 $0xFFFFFF80  }
0x7e: {  	[tilespmem:s16], [sflag:$0x1] =	stream.indirect.gather [hbm4b:s4+s18], $0x80, s20, s18, $0xb8;
	[tilespmem:$0x1C200] =	vst v63  }
0x7f: {  	_ =	swait.ge [sflag:s21], $0x80  }
0x80: {  	[sflag:s21] =	ssyncset.done $0x0  }
0x81: {  	[sflag:s21] =	ssyncadd.s32 $0xFFFFFF80  }
0x82: {  	[tilespmem:s22], [sflag:$0x1] =	stream.indirect.gather [hbm4b:s4+s18], $0x80, s18, s18, $0xb8;
	[tilespmem:$0x1C200] =	vst v63  }
0x83: {  	_ =	swait.ge [sflag:s21], $0x80  }
0x84: {  	[sflag:s21] =	ssyncset.done $0x0  }
0x85: {  	[sflag:s21] =	ssyncadd.s32 $0xFFFFFF80  }
0x86: {  	_ =	swait.ge [sflag:s21], $0x80  }
0x87: {  	[sflag:s21] =	ssyncset.done $0x0  }
0x88: {  	[sflag:s21] =	ssyncadd.s32 $0xFFFFFF80  }
0x89: {  	_ =	swait.ge [sflag:s24], $0x4000  }
0x8a: {  	[sflag:s24] =	ssyncset.done $0x0  }
0x8b: {  	[sflag:s24] =	ssyncadd.s32 $0xFFFFC000  }
0x8c: {  	[spmem:s3] =	stream.indirect.scatter.add.f32 [tilespmem:s16], [sflag:$0x2], $0x80, s17, s18, $0xb8;
	[tilespmem:$0x1C200] =	vst v63  }
0x8d: {  	_ =	swait.ge [sflag:s24], $0x4000  }
0x8e: {  	[sflag:s24] =	ssyncset.done $0x0  }
0x8f: {  	[sflag:s24] =	ssyncadd.s32 $0xFFFFC000  }
0x90: {  	[spmem:s3] =	stream.indirect.scatter.add.f32 [tilespmem:s22], [sflag:$0x2], $0x80, s19, s18, $0xb8;
	[tilespmem:$0x1C200] =	vst v63  }
0x91: {  	_ =	swait.ge [sflag:s25], $0x4000  }
0x92: {  	[sflag:s25] =	ssyncset.done $0x0  }
0x93: {  	[sflag:s25] =	ssyncadd.s32 $0xFFFFC000  }
0x94: {  	_ =	swait.ge [sflag:s25], $0x4000  }
0x95: {  	[sflag:s25] =	ssyncset.done $0x0  }
0x96: {  	[sflag:s25] =	ssyncadd.s32 $0xFFFFC000  }
0x97: {  	s24 =	simm.s32 $0x200;
	s25 =	simm.s32 $0x4;
	[bflag:$0x0] =	sbarrier.arrive $0xFFFF  }
0x98: {  	[tilespmem:s24], [sflag:$0x4] =	stream.linear.gather [spmem:s15], $0x4000, $0x38;
	[tilespmem:$0x1C200] =	vst v63  }
0x99: {  	s26 =	smul.u32 $0x2800, s1;
	_ =	swait.ge [sflag:s25], $0x4000  }
0x9a: {  	[sflag:s25] =	ssyncset.done $0x0  }
0x9b: {  	s7 =	sadd.s32 s2, s26;
	s28 =	simm.s32 $0x0;
	[sflag:s25] =	ssyncadd.s32 $0xFFFFC000  }
0x9c: {  	[hbm4b:s7+s28] =	stream.linear.scatter [tilespmem:s24], [sflag:$0x4], $0x4000, $0x38;
	[tilespmem:$0x1C200] =	vst v63  }
0x9d: {  	_ =	swait.ge [sflag:s25], $0x4000  }
0x9e: {  	[sflag:s25] =	ssyncset.done $0x0  }
0x9f: {  	[sflag:s25] =	ssyncadd.s32 $0xFFFFC000  }
0xa0: {  	[tilespmem:s24], [sflag:$0x4] =	stream.linear.gather [spmem:s14], $0x4000, $0x38;
	[tilespmem:$0x1C200] =	vst v63  }
0xa1: {  	_ =	swait.ge [sflag:s25], $0x4000  }
0xa2: {  	s29 =	sshll.u32 s10, $0x4;
	[sflag:s25] =	ssyncset.done $0x0  }
0xa3: {  	s7 =	sadd.s32 s2, s29;
	[sflag:s25] =	ssyncadd.s32 $0xFFFFC000  }
0xa4: {  	[hbm4b:s7+s28] =	stream.linear.scatter [tilespmem:s24], [sflag:$0x4], $0x4000, $0x38;
	[tilespmem:$0x1C200] =	vst v63  }
0xa5: {  	_ =	swait.ge [sflag:s25], $0x4000  }
0xa6: {  	[sflag:s25] =	ssyncset.done $0x0  }
0xa7: {  	[sflag:s25] =	ssyncadd.s32 $0xFFFFC000  }
0xa8: {  	[tilespmem:s24], [sflag:$0x4] =	stream.linear.gather [spmem:s12], $0x4000, $0x38;
	[tilespmem:$0x1C200] =	vst v63  }
0xa9: {  	_ =	swait.ge [sflag:s25], $0x4000  }
0xaa: {  	s30 =	sshll.u32 s8, $0x4;
	[sflag:s25] =	ssyncset.done $0x0  }
0xab: {  	s7 =	sadd.s32 s2, s30;
	[sflag:s25] =	ssyncadd.s32 $0xFFFFC000  }
0xac: {  	[hbm4b:s7+s28] =	stream.linear.scatter [tilespmem:s24], [sflag:$0x4], $0x4000, $0x38;
	[tilespmem:$0x1C200] =	vst v63  }
0xad: {  	_ =	swait.ge [sflag:s25], $0x4000  }
0xae: {  	[sflag:s25] =	ssyncset.done $0x0  }
0xaf: {  	[sflag:s25] =	ssyncadd.s32 $0xFFFFC000  }
0xb0: {  	[tilespmem:s24], [sflag:$0x4] =	stream.linear.gather [spmem:s11], $0x4000, $0x38;
	[tilespmem:$0x1C200] =	vst v63  }
0xb1: {  	_ =	swait.ge [sflag:s25], $0x4000  }
0xb2: {  	s6 =	sshll.u32 s6, $0x4;
	[sflag:s25] =	ssyncset.done $0x0  }
0xb3: {  	s6 =	sadd.s32 s2, s6;
	[sflag:s25] =	ssyncadd.s32 $0xFFFFC000  }
0xb4: {  	[hbm4b:s6+s28] =	stream.linear.scatter [tilespmem:s24], [sflag:$0x4], $0x4000, $0x38;
	[tilespmem:$0x1C200] =	vst v63  }
0xb5: {  	_ =	swait.ge [sflag:s25], $0x4000  }
0xb6: {  	[sflag:s25] =	ssyncset.done $0x0  }
0xb7: {  	[sflag:s25] =	ssyncadd.s32 $0xFFFFC000  }
0xb8: {  	[tilespmem:s24], [sflag:$0x4] =	stream.linear.gather [spmem:s9], $0x4000, $0x38;
	[tilespmem:$0x1C200] =	vst v63  }
0xb9: {  	_ =	swait.ge [sflag:s25], $0x4000  }
0xba: {  	s5 =	sshll.u32 s5, $0x4;
	[sflag:s25] =	ssyncset.done $0x0  }
0xbb: {  	s31 =	sadd.s32 s2, s5;
	[sflag:s25] =	ssyncadd.s32 $0xFFFFC000  }
0xbc: {  	[hbm4b:s31+s28] =	stream.linear.scatter [tilespmem:s24], [sflag:$0x4], $0x4000, $0x38;
	[tilespmem:$0x1C200] =	vst v63  }
0xbd: {  	_ =	swait.ge [sflag:s25], $0x4000  }
0xbe: {  	[sflag:s25] =	ssyncset.done $0x0  }
0xbf: {  	[sflag:s25] =	ssyncadd.s32 $0xFFFFC000  }
0xc0: {  	_ =	sfence.sel $0x180000  }
0xc1: {  	[bflag:$0x0] =	sbarrier.arrive $0xFFFF  }
0xc2: {  	p0 =	sne.s32 s1, $0x0;
	_ =	strace $0x9000004A  }
0xc3: {  	s0 =	sadd.s32 @!p0 $0x100000, s0;
	[bflag:$0x2] =	sbarrier.arrive $0xFFFF  }
0xc4: {  	[sflag:s0] =	ssyncadd.tile.s32 @!p0 $0x1;
	_ =	shalt  }
.Lfunc_end2:
_tile_overlayer_lowered:
.L_overlay_start_2:
0xc5: {  	(tag) =	ssettag $0x2  }
0xc6: {  	s0 =	rddreg [dreg:$0x0];
	s2 =	stileid.u32  }
0xc7: {  	s1 =	rddreg [dreg:$0x1];
	p0 =	sne.s32 s2, $0x0  }
0xc8: {  	s3 =	rddreg [dreg:$0x2];
	[bflag:$0x3] =	sbarrier.arrive $0xFFFF;
	s2 =	simm.s32 @!p0 $0x1C04  }
0xc9: {  	[timem:s3], [sflag:s2] =	dma.local @!p0 [hbm:s0], s1  }
0xca: {  	s0 =	simm.s32 @!p0 $0x4  }
0xcb: {  	_ =	swait.ge @!p0 [sflag:s0], s1  }
0xcc: {  	s1 =	ssub.s32 @!p0 $0x0, s1;
	[sflag:s0] =	ssyncset.done @!p0 $0x0  }
0xcd: {  	[sflag:s0] =	ssyncadd.s32 @!p0 s1  }
0xce: {  	[bflag:$0x3] =	sbarrier.arrive $0xFFFF  }
0xcf: {  	_ =	shalt  }

// kernel: kernel.13.cloned.1.call-start
scs
__scs_entry_jumppad:
0x0: {  	(pc) =	sbr.rel $0x88, $3  }
0x1: {  	(tag) =	ssettag $0x0;
	lr =	simm.s32 $0x1  }
0x2: {  	[smem:$0x3F8F] =	sst lr;
	_ =	strace $0xD0000000  }
0x3: {  	_ = 	snop  }
0x4: {  	_ = 	snop  }
0x5: {  	_ = 	snop  }
0x6: {  	_ = 	snop  }
0x7: {  	_ = 	snop  }
__scs_overlays_trampoline_lowered:
0x8: {  	[smem:$0x3F9E] =	sst s0  }
0x9: {  	[smem:$0x3F9F] =	sst s1  }
0xa: {  	[smem:$0x3FA0] =	sst s2  }
0xb: {  	[smem:$0x3FA1] =	sst s3  }
0xc: {  	[smem:$0x3FA2] =	sst s4  }
0xd: {  	[smem:$0x3FA3] =	sst s5  }
0xe: {  	[smem:$0x3FA4] =	sst s6  }
0xf: {  	[smem:$0x3FA5] =	sst s7  }
0x10: {  	[smem:$0x3FA6] =	sst s8  }
0x11: {  	[smem:$0x3FA7] =	sst s9;
	s0 =	simm.s32 @!p0 $0x0  }
0x12: {  	s1 =	sld [smem:$0x3F8D];
	s0 =	simm.s32 @p0 $0x1  }
0x13: {  	[smem:$0x3FA8] =	sst s0;
	s0 =	simm.s32 @!p1 $0x0  }
0x14: {  	s2 =	sld [smem:$0x3F8C];
	s0 =	simm.s32 @p1 $0x1  }
0x15: {  	[smem:$0x3FA9] =	sst s0;
	s0 =	simm.s32 @!p2 $0x0  }
0x16: {  	s3 =	sld [smem:$0x3FDB];
	s0 =	simm.s32 @p2 $0x1  }
0x17: {  	s4 =	simm.s32 $0x1BF5;
	[smem:$0x3FAB] =	sst s0  }
0x18: {  	s0 =	sld [smem:$0x3F8E];
	_ =	swait.ge [sflag:s4], $0x0  }
0x19: {  	s7 =	sld [smem:$0x3F8F]  }
0x1a: {  	s8 =	sadd.s32 $0xFFFFE003, lr  }
0x1b: {  	s9 =	sadd.s32 $0xFFFFFEF7, lr;
	s5 =	simm.s32 $0xFFFFFFFF;
	p2 =	slt.u32 s8, $0xFFFFF086  }
0x1c: {  	p1 =	slt.u32 s9, $0xF7A;
	s5 =	simm.s32 @!p2 $0x0  }
0x1d: {  	s5 =	simm.s32 @p1 $0x1;
	p0 =	seq.s32 s7, s2  }
0x1e: {  	s7 =	smul.u32 @!p0 $0xF7A, s2;
	p2 =	seq.s32 @!p0 s5, $0x0  }
0x1f: {  	s9 =	smul.u32 $0xF7A, s1;
	s8 =	simm.s32 @!p0 $0x1BF5;
	p2 =	por !p2, p0  }
0x20: {  	[sflag:s8] =	ssyncset.s32 @!p0 $0xFFFFF086;
	s6 =	sadd.s32 @!p0 s3, s7;
	s7 =	simm.s32 @!p0 $0x108  }
0x21: {  	s3 =	sadd.s32 s3, s9;
	s6 =	sadd.s32 @!p0 $0x88, s6;
	s7 =	simm.s32 @p2 $0x1082  }
0x22: {  	[simem:s7], [sflag:s8] =	dma.local @!p0 [hbm:s6], $0xF7A  }
0x23: {  	s9 =	sor.u32 $0xD0000000, s2;
	s6 =	simm.s32 $0x108;
	_ =	swait.ge @!p0 [sflag:s8], $0x0  }
0x24: {  	s3 =	sadd.s32 $0x88, s3;
	s6 =	simm.s32 @!p1 $0x1082;
	[sflag:s4] =	ssyncset.s32 $0xFFFFF086  }
0x25: {  	[simem:s6], [sflag:s4] =	dma.local [hbm:s3], $0xF7A  }
0x26: {  	[smem:$0x3F8F] =	sst s1;
	(tag) =	ssettag s2;
	_ =	strace s9  }
0x27: {  	s1 =	sld [smem:$0x3F9F]  }
0x28: {  	s2 =	sld [smem:$0x3FA0]  }
0x29: {  	s4 =	sld [smem:$0x3FA2]  }
0x2a: {  	p0 =	seq.s32 s5, $0x0;
	s5 =	sld [smem:$0x3FA3]  }
0x2b: {  	s6 =	sld [smem:$0x3FA4]  }
0x2c: {  	s7 =	sld [smem:$0x3FA5]  }
0x2d: {  	s3 =	simm.s32 $0x108;
	s8 =	sld [smem:$0x3FA6]  }
0x2e: {  	s3 =	simm.s32 @!p0 $0x1082;
	s9 =	sld [smem:$0x3FA7]  }
0x2f: {  	lr =	sadd.s32 s0, s3;
	s0 =	sld [smem:$0x3F9E]  }
0x30: {  	s3 =	sld [smem:$0x3FA1]  }
0x31: {  	[smem:$0x3FAA] =	sst s10  }
0x32: {  	s10 =	sld [smem:$0x3FA8];
	_ =	sdelay $0x3  }
0x33: {  	p0 =	seq.s32 s10, $0x1;
	s10 =	sld [smem:$0x3FAA];
	_ =	sdelay $0x3  }
0x34: {  	[smem:$0x3FAA] =	sst s10  }
0x35: {  	s10 =	sld [smem:$0x3FA9];
	_ =	sdelay $0x3  }
0x36: {  	p1 =	seq.s32 s10, $0x1;
	s10 =	sld [smem:$0x3FAA];
	_ =	sdelay $0x3  }
0x37: {  	[smem:$0x3FAA] =	sst s10  }
0x38: {  	s10 =	sld [smem:$0x3FAB]  }
0x39: {  	_ = 	snop;
	(pc) =	sbr.ind lr, $3  }
0x3a: {  	_ = 	snop  }
0x3b: {  	_ = 	snop  }
0x3c: {  	p2 =	seq.s32 s10, $0x1;
	s10 =	sld [smem:$0x3FAA]  }
0x3d: {  	_ =	shalt  }
0x3e: {  	_ =	shalt  }
0x3f: {  	_ =	shalt  }
0x40: {  	_ =	shalt  }
0x41: {  	_ =	shalt  }
0x42: {  	_ =	shalt  }
0x43: {  	_ =	shalt  }
0x44: {  	_ =	shalt  }
0x45: {  	_ =	shalt  }
0x46: {  	_ =	shalt  }
0x47: {  	_ =	shalt  }
0x48: {  	_ =	shalt  }
0x49: {  	_ =	shalt  }
0x4a: {  	_ =	shalt  }
0x4b: {  	_ =	shalt  }
0x4c: {  	_ =	shalt  }
0x4d: {  	_ =	shalt  }
0x4e: {  	_ =	shalt  }
0x4f: {  	_ =	shalt  }
0x50: {  	_ =	shalt  }
0x51: {  	_ =	shalt  }
0x52: {  	_ =	shalt  }
0x53: {  	_ =	shalt  }
0x54: {  	_ =	shalt  }
0x55: {  	_ =	shalt  }
0x56: {  	_ =	shalt  }
0x57: {  	_ =	shalt  }
0x58: {  	_ =	shalt  }
0x59: {  	_ =	shalt  }
0x5a: {  	_ =	shalt  }
0x5b: {  	_ =	shalt  }
0x5c: {  	_ =	shalt  }
0x5d: {  	_ =	shalt  }
0x5e: {  	_ =	shalt  }
0x5f: {  	_ =	shalt  }
0x60: {  	_ =	shalt  }
0x61: {  	_ =	shalt  }
0x62: {  	_ =	shalt  }
0x63: {  	_ =	shalt  }
0x64: {  	_ =	shalt  }
0x65: {  	_ =	shalt  }
0x66: {  	_ =	shalt  }
0x67: {  	_ =	shalt  }
0x68: {  	_ =	shalt  }
0x69: {  	_ =	shalt  }
0x6a: {  	_ =	shalt  }
0x6b: {  	_ =	shalt  }
0x6c: {  	_ =	shalt  }
0x6d: {  	_ =	shalt  }
0x6e: {  	_ =	shalt  }
0x6f: {  	_ =	shalt  }
0x70: {  	_ =	shalt  }
0x71: {  	_ =	shalt  }
0x72: {  	_ =	shalt  }
0x73: {  	_ =	shalt  }
0x74: {  	_ =	shalt  }
0x75: {  	_ =	shalt  }
0x76: {  	_ =	shalt  }
0x77: {  	_ =	shalt  }
0x78: {  	_ =	shalt  }
0x79: {  	_ =	shalt  }
0x7a: {  	_ =	shalt  }
0x7b: {  	_ =	shalt  }
0x7c: {  	_ =	shalt  }
0x7d: {  	_ =	shalt  }
0x7e: {  	_ =	shalt  }
0x7f: {  	_ =	shalt  }
0x80: {  	_ =	shalt  }
0x81: {  	_ =	shalt  }
0x82: {  	_ =	shalt  }
0x83: {  	_ =	shalt  }
0x84: {  	_ =	shalt  }
0x85: {  	_ =	shalt  }
0x86: {  	_ =	shalt  }
0x87: {  	_ =	shalt  }
.Lfunc_end0:
.L_simem_size_0:
called_computation.2_lowered:
.L_overlay_start_0:
0x88: {  	s0 =	sld [smem:$0x3FD9]  }
0x89: {  	s1 =	sld [smem:$0x3FFE];
	_ =	sdelay $0x3  }
0x8a: {  	s0 =	sadd.s32 s1, s0  }
0x8b: {  	[smem:$0x3FB6] =	sst s0  }
0x8c: {  	_ = 	snop  }
0x8d: {  	s0 =	sld [smem:$0x3FD0];
	(tm) =	ssettm $0x1  }
0x8e: {  	s16 =	sld [smem:$0x3FFB];
	_ =	sdelay $0x3  }
0x8f: {  	_ =	strace s16  }
0x90: {  	s1 =	sld [smem:$0x3FFC];
	_ =	sdelay $0x3  }
0x91: {  	_ =	strace s1  }
0x92: {  	s1 =	sld [smem:$0x3FFD];
	_ =	sdelay $0x3  }
0x93: {  	_ =	strace s1  }
0x94: {  	_ =	strace $0x8FFFFFFF  }
0x95: {  	s17 =	sld [smem:$0x3FDB];
	_ =	sdelay $0x1  }
0x96: {  	s2 =	simm.s32 $_scs_section_size  }
0x97: {  	s3 =	simm.s32 $_size__tile_overlayer_lowered;
	s4 =	simm.s32 $_tile_overlayer_lowered  }
0x98: {  	s20 =	simm.s32 $0x1BFF;
	s19 =	sshll.u32 s4, $0x1;
	s1 =	sadd.s32 s2, s17  }
0x99: {  	s5 =	simm.s32 $0x0;
	s18 =	sshll.u32 s3, $0x1;
	s3 =	sadd.s32 s19, s1  }
0x9a: {  	[timem:s5], [sflag:s20] =	dma.local [hbm:s3], s18  }
0x9b: {  	_ =	swait.ge [sflag:s20], s18  }
0x9c: {  	s2 =	ssub.s32 $0x0, s18;
	[sflag:s20] =	ssyncset.done $0x0  }
0x9d: {  	[sflag:s20] =	ssyncadd.s32 s2;
	_ =	sdelay $0x1  }
0x9e: {  	s21 =	simm.s32 $0x1B8B  }
0x9f: {  	_ =	swait.ge [sflag:s21], $0x1  }
0xa0: {  	[sflag:s21] =	ssyncset.done $0x0  }
0xa1: {  	s23 =	simm.s32 $0x1B8E;
	s22 =	sld [smem:$0x3FFE];
	[sflag:s21] =	ssyncadd.s32 $0xFFFFFFFF  }
0xa2: {  	s24 =	simm.s32 $execute0_lowered;
	[smem:$0x3FD2] =	sst s23  }
0xa3: {  	s3 =	sshll.u32 s24, $0x1;
	_ =	strace $0x8000004C;
	[dreg:$0x1] =	wrdreg $0xFFFFFFFF  }
0xa4: {  	s25 =	simm.s32 $_size_execute0_lowered;
	s1 =	sadd.s32 s1, s3;
	[dreg:$0x0] =	wrdreg $0x0  }
0xa5: {  	s3 =	sshll.u32 s25, $0x1;
	[dreg:$0x2] =	wrdreg s1  }
0xa6: {  	[dreg:$0x3] =	wrdreg s3  }
0xa7: {  	[dreg:$0x4] =	wrdreg $0xC0  }
0xa8: {  	_ =	task [dreg:s5], $0x5FFFF  }
0xa9: {  	[dreg:$0x1] =	wrdreg $0xFFFFFFFF  }
0xaa: {  	[dreg:$0x0] =	wrdreg $0x60  }
0xab: {  	[dreg:$0x2] =	wrdreg s22  }
0xac: {  	[dreg:$0x3] =	wrdreg s0  }
0xad: {  	[dreg:$0x4] =	wrdreg $0x82000  }
0xae: {  	[dreg:$0x5] =	wrdreg $0x9  }
0xaf: {  	_ =	task.clear_ibuf [dreg:s5], $0x6FFFF;
	_ =	strace $0x9000004C  }
0xb0: {  	s26 =	simm.s32 $0x9;
	_ =	strace $0x8000004E  }
0xb1: {  	_ =	swait.ge [sflag:s26], $0x1  }
0xb2: {  	[sflag:s26] =	ssyncadd.s32 $0xFFFFFFFF  }
0xb3: {  	_ =	strace $0x9000004E  }
0xb4: {  	_ =	sfence  }
0xb5: {  	s28 =	sld [smem:$0x0];
	_ =	sdelay $0x1  }
0xb6: {  	s29 =	srdreg.scid  }
0xb7: {  	s30 =	sshll.u32 s29, $0xD;
	s31 =	sshrl.u32 s29, $0x2  }
0xb8: {  	s2 =	sand.u32 $0x4000, s30;
	s1 =	sand.u32 $0x1, s29;
	s0 =	sadd.s32 s31, s28  }
0xb9: {  	s1 =	sor.u32 s2, s1;
	s0 =	sshll.u32 s0, $0x11  }
0xba: {  	s0 =	sor.u32 s0, s1  }
0xbb: {  	s0 =	sadd.s32 $0x8F2B, s0  }
0xbc: {  	[sflag:s0] =	ssyncadd.remote.s32 $0x1  }
0xbd: {  	_ =	sfence.sel $0xFFFF  }
0xbe: {  	[dreg:$0x0] =	wrdreg $0xFFFFFFFF;
	(pc) =	sbr.abs _section_cstart, $3  }
0xbf: {  	[dreg:$0x1] =	wrdreg $0xFFFFFFFF  }
0xc0: {  	_ =	task.clear_ibuf [dreg:s5], $0x2FFFF;
	_ =	strace $0x9FFFFFFF  }
0xc1: {  	(tm) =	ssettm $0x7FFFFFFF  }
tec
execute0_lowered:
.L_overlay_start_1:
0x0: {  	(tag) =	ssettag $0x1  }
0x1: {  	s1 =	rddreg [dreg:$0x0]  }
0x2: {  	s7 =	rddreg [dreg:$0x1]  }
0x3: {  	s3 =	rddreg [dreg:$0x2]  }
0x4: {  	s0 =	rddreg [dreg:$0x3]  }
0x5: {  	s2 =	simm.s32 $0x0;
	s4 =	simm.s32 $0x0;
	s6 =	simm.s32 $0x200  }
0x6: {  	[smem:$0x7FF] =	sst s2;
	s5 =	sadd.s32 $0xD600, s1;
	s13 =	sadd.s32 $0x3600, s1  }
0x7: {  	v0 =	vimm.f32 $0.0e+00;
	s2 =	sadd.s32 $0x5BA00, s1;
	s1 =	stileid.u32;
	_ =	strace $0x8000004D  }
.LBB2_1:
0x8: {  	p0 =	sne.s32 s6, $0xFE00;
	[tilespmem:s4+$0x270] =	vst v0  }
0x9: {  	[tilespmem:s4+$0x200] =	vst v0  }
0xa: {  	[tilespmem:s4+$0x210] =	vst v0  }
.Ltmp0:
0xb: {  	[tilespmem:s4+$0x220] =	vst v0;
	(pc) =	sbr.rel @p0 .LBB2_1-.Ltmp0, $4  }
0xc: {  	[tilespmem:s4+$0x230] =	vst v0  }
0xd: {  	[tilespmem:s4+$0x240] =	vst v0  }
0xe: {  	[tilespmem:s4+$0x250] =	vst v0  }
0xf: {  	[tilespmem:s4+$0x260] =	vst v0;
	s4 =	sshra.s32 s6, $0x2;
	s6 =	sadd.s32 $0x200, s6  }
0x10: {  	[tilespmem:s4+$0x270] =	vst v0  }
0x11: {  	[tilespmem:s4+$0x200] =	vst v0  }
0x12: {  	[tilespmem:s4+$0x210] =	vst v0  }
0x13: {  	[tilespmem:s4+$0x220] =	vst v0  }
0x14: {  	[tilespmem:s4+$0x230] =	vst v0;
	s6 =	smul.u32 $0x50000, s1  }
0x15: {  	[tilespmem:s4+$0x240] =	vst v0  }
0x16: {  	[tilespmem:s4+$0x250] =	vst v0;
	s23 =	smul.u32 $0x280, s1;
	s6 =	sshrl.u32 s6, $0x2  }
0x17: {  	[tilespmem:s4+$0x260] =	vst v0;
	s16 =	simm.s32 $0x200;
	s17 =	simm.s32 $0x4;
	s15 =	sadd.s32 s6, s3  }
0x18: {  	[spmem:s15] =	stream.linear.scatter [tilespmem:s16], [sflag:$0x4], $0x4000, $0x38;
	[tilespmem:$0x1C200] =	vst v63  }
0x19: {  	s10 =	sadd.s32 $0x80, s23;
	_ =	swait.ge [sflag:s17], $0x4000  }
0x1a: {  	s24 =	sshll.u32 s10, $0x7;
	[sflag:s17] =	ssyncset.done $0x0  }
0x1b: {  	s14 =	sadd.s32 s24, s3;
	[sflag:s17] =	ssyncadd.s32 $0xFFFFC000  }
0x1c: {  	[spmem:s14] =	stream.linear.scatter [tilespmem:s16], [sflag:$0x4], $0x4000, $0x38;
	[tilespmem:$0x1C200] =	vst v63  }
0x1d: {  	s8 =	sadd.s32 $0x100, s23;
	_ =	swait.ge [sflag:s17], $0x4000  }
0x1e: {  	s25 =	sshll.u32 s8, $0x7;
	[sflag:s17] =	ssyncset.done $0x0  }
0x1f: {  	s12 =	sadd.s32 s25, s3;
	[sflag:s17] =	ssyncadd.s32 $0xFFFFC000  }
0x20: {  	[spmem:s12] =	stream.linear.scatter [tilespmem:s16], [sflag:$0x4], $0x4000, $0x38;
	[tilespmem:$0x1C200] =	vst v63  }
0x21: {  	s6 =	sadd.s32 $0x180, s23;
	_ =	swait.ge [sflag:s17], $0x4000  }
0x22: {  	s9 =	sshll.u32 s6, $0x7;
	[sflag:s17] =	ssyncset.done $0x0  }
0x23: {  	s11 =	sadd.s32 s9, s3;
	[sflag:s17] =	ssyncadd.s32 $0xFFFFC000  }
0x24: {  	[spmem:s11] =	stream.linear.scatter [tilespmem:s16], [sflag:$0x4], $0x4000, $0x38;
	[tilespmem:$0x1C200] =	vst v63  }
0x25: {  	s4 =	sadd.s32 $0x200, s23;
	_ =	swait.ge [sflag:s17], $0x4000  }
0x26: {  	s26 =	sshll.u32 s4, $0x7;
	[sflag:s17] =	ssyncset.done $0x0  }
0x27: {  	s23 =	smul.u32 $0xA00, s1;
	s9 =	sadd.s32 s26, s3;
	[sflag:s17] =	ssyncadd.s32 $0xFFFFC000  }
0x28: {  	[spmem:s9] =	stream.linear.scatter [tilespmem:s16], [sflag:$0x4], $0x4000, $0x38;
	[tilespmem:$0x1C200] =	vst v63  }
0x29: {  	s20 =	simm.s32 $0x0;
	s18 =	sadd.s32 $0x0, s23;
	_ =	swait.ge [sflag:s17], $0x4000  }
0x2a: {  	s19 =	sand.u32 $0x60, s20;
	s18 =	sand.u32 $0x1FF80, s18;
	[sflag:s17] =	ssyncset.done $0x0  }
0x2b: {  	s18 =	sor.u32 s19, s18;
	[sflag:s17] =	ssyncadd.s32 $0xFFFFC000  }
0x2c: {  	s28 =	sadd.s32 s13, s18;
	[bflag:$0x0] =	sbarrier.arrive $0xFFFF  }
0x2d: {  	[tilespmem:s20], [sflag:$0x3] =	stream.linear.gather [hbm4b:s28+s20], $0x80, $0x38;
	[tilespmem:$0x1C200] =	vst v63  }
0x2e: {  	s19 =	sadd.s32 s7, s18;
	s22 =	sor.u32 $0x10, s18;
	s17 =	simm.s32 $0x100  }
0x2f: {  	[tilespmem:s17], [sflag:$0x3] =	stream.linear.gather [hbm4b:s19+s20], $0x80, $0x38;
	[tilespmem:$0x1C200] =	vst v63  }
0x30: {  	s18 =	simm.s32 $0x80;
	s31 =	sadd.s32 s13, s22  }
0x31: {  	[tilespmem:s18], [sflag:$0x3] =	stream.linear.gather [hbm4b:s31+s20], $0x80, $0x38;
	[tilespmem:$0x1C200] =	vst v63  }
0x32: {  	s21 =	simm.s32 $0x3;
	s22 =	sadd.s32 s7, s22;
	s19 =	simm.s32 $0x180  }
0x33: {  	[tilespmem:s19], [sflag:$0x3] =	stream.linear.gather [hbm4b:s22+s20], $0x80, $0x38;
	[tilespmem:$0x1C200] =	vst v63  }
0x34: {  	_ =	swait.ge [sflag:s21], $0x80  }
0x35: {  	[sflag:s21] =	ssyncset.done $0x0  }
0x36: {  	[sflag:s21] =	ssyncadd.s32 $0xFFFFFF80  }
0x37: {  	[tilespmem:s16], [sflag:$0x1] =	stream.indirect.gather [hbm4b:s5+s18], $0x80, s20, s18, $0xb8;
	[tilespmem:$0x1C200] =	vst v63  }
0x38: {  	_ =	swait.ge [sflag:s21], $0x80  }
0x39: {  	[sflag:s21] =	ssyncset.done $0x0  }
0x3a: {  	s22 =	simm.s32 $0x4200;
	[sflag:s21] =	ssyncadd.s32 $0xFFFFFF80  }
0x3b: {  	[tilespmem:s22], [sflag:$0x1] =	stream.indirect.gather [hbm4b:s5+s18], $0x80, s18, s18, $0xb8;
	[tilespmem:$0x1C200] =	vst v63  }
0x3c: {  	_ =	swait.ge [sflag:s21], $0x80  }
0x3d: {  	[sflag:s21] =	ssyncset.done $0x0  }
0x3e: {  	[sflag:s21] =	ssyncadd.s32 $0xFFFFFF80  }
0x3f: {  	_ =	swait.ge [sflag:s21], $0x80  }
0x40: {  	[sflag:s21] =	ssyncset.done $0x0  }
0x41: {  	s24 =	simm.s32 $0x1;
	[sflag:s21] =	ssyncadd.s32 $0xFFFFFF80  }
0x42: {  	_ =	swait.ge [sflag:s24], $0x4000  }
0x43: {  	[sflag:s24] =	ssyncset.done $0x0  }
0x44: {  	[sflag:s24] =	ssyncadd.s32 $0xFFFFC000  }
0x45: {  	[spmem:s3] =	stream.indirect.scatter.add.f32 [tilespmem:s16], [sflag:$0x2], $0x80, s17, s18, $0xb8;
	[tilespmem:$0x1C200] =	vst v63  }
0x46: {  	_ =	swait.ge [sflag:s24], $0x4000  }
0x47: {  	[sflag:s24] =	ssyncset.done $0x0  }
0x48: {  	s25 =	simm.s32 $0x2;
	[sflag:s24] =	ssyncadd.s32 $0xFFFFC000  }
0x49: {  	[spmem:s3] =	stream.indirect.scatter.add.f32 [tilespmem:s22], [sflag:$0x2], $0x80, s19, s18, $0xb8;
	[tilespmem:$0x1C200] =	vst v63  }
0x4a: {  	_ =	swait.ge [sflag:s25], $0x4000  }
0x4b: {  	[sflag:s25] =	ssyncset.done $0x0  }
0x4c: {  	s26 =	simm.s32 $0x20;
	s28 =	sadd.s32 $0x20, s23;
	[sflag:s25] =	ssyncadd.s32 $0xFFFFC000  }
0x4d: {  	s26 =	sand.u32 $0x60, s26;
	s28 =	sand.u32 $0x1FF80, s28;
	_ =	swait.ge [sflag:s25], $0x4000  }
0x4e: {  	s30 =	simm.s32 $0x40;
	s29 =	sor.u32 s26, s28;
	[sflag:s25] =	ssyncset.done $0x0  }
.LBB2_3:
0x4f: {  	s31 =	sadd.s32 s13, s29  }
0x50: {  	[sflag:s25] =	ssyncadd.s32 $0xFFFFC000;
	s28 =	smov.u32 s30;
	s26 =	sadd.s32 $0x20, s30  }
0x51: {  	[tilespmem:s20], [sflag:$0x3] =	stream.linear.gather [hbm4b:s31+s20], $0x80, $0x38;
	[tilespmem:$0x1C200] =	vst v63  }
0x52: {  	p0 =	sne.s32 s30, $0x9E0;
	s30 =	sadd.s32 s7, s29;
	s29 =	sor.u32 $0x10, s29  }
0x53: {  	[tilespmem:s17], [sflag:$0x3] =	stream.linear.gather [hbm4b:s30+s20], $0x80, $0x38;
	[tilespmem:$0x1C200] =	vst v63  }
0x54: {  	s30 =	sadd.s32 s13, s29  }
0x55: {  	[tilespmem:s18], [sflag:$0x3] =	stream.linear.gather [hbm4b:s30+s20], $0x80, $0x38;
	[tilespmem:$0x1C200] =	vst v63  }
0x56: {  	s29 =	sadd.s32 s7, s29  }
0x57: {  	[tilespmem:s19], [sflag:$0x3] =	stream.linear.gather [hbm4b:s29+s20], $0x80, $0x38;
	[tilespmem:$0x1C200] =	vst v63  }
0x58: {  	_ =	swait.ge [sflag:s21], $0x80  }
0x59: {  	[sflag:s21] =	ssyncset.done $0x0  }
0x5a: {  	[sflag:s21] =	ssyncadd.s32 $0xFFFFFF80  }
0x5b: {  	[tilespmem:s16], [sflag:$0x1] =	stream.indirect.gather [hbm4b:s5+s18], $0x80, s20, s18, $0xb8;
	[tilespmem:$0x1C200] =	vst v63  }
0x5c: {  	_ =	swait.ge [sflag:s21], $0x80  }
0x5d: {  	[sflag:s21] =	ssyncset.done $0x0  }
0x5e: {  	[sflag:s21] =	ssyncadd.s32 $0xFFFFFF80  }
0x5f: {  	[tilespmem:s22], [sflag:$0x1] =	stream.indirect.gather [hbm4b:s5+s18], $0x80, s18, s18, $0xb8;
	[tilespmem:$0x1C200] =	vst v63  }
0x60: {  	_ =	swait.ge [sflag:s21], $0x80  }
0x61: {  	[sflag:s21] =	ssyncset.done $0x0  }
0x62: {  	[sflag:s21] =	ssyncadd.s32 $0xFFFFFF80  }
0x63: {  	_ =	swait.ge [sflag:s21], $0x80  }
0x64: {  	[sflag:s21] =	ssyncset.done $0x0  }
0x65: {  	[sflag:s21] =	ssyncadd.s32 $0xFFFFFF80  }
0x66: {  	_ =	swait.ge [sflag:s24], $0x4000  }
0x67: {  	[sflag:s24] =	ssyncset.done $0x0  }
0x68: {  	[sflag:s24] =	ssyncadd.s32 $0xFFFFC000  }
0x69: {  	[spmem:s3] =	stream.indirect.scatter.add.f32 [tilespmem:s16], [sflag:$0x2], $0x80, s17, s18, $0xb8;
	[tilespmem:$0x1C200] =	vst v63  }
0x6a: {  	_ =	swait.ge [sflag:s24], $0x4000  }
0x6b: {  	[sflag:s24] =	ssyncset.done $0x0  }
0x6c: {  	[sflag:s24] =	ssyncadd.s32 $0xFFFFC000  }
0x6d: {  	[spmem:s3] =	stream.indirect.scatter.add.f32 [tilespmem:s22], [sflag:$0x2], $0x80, s19, s18, $0xb8;
	[tilespmem:$0x1C200] =	vst v63  }
.Ltmp1:
0x6e: {  	_ =	swait.ge [sflag:s25], $0x4000;
	(pc) =	sbr.rel @p0 .LBB2_3-.Ltmp1, $4  }
0x6f: {  	[sflag:s25] =	ssyncset.done $0x0  }
0x70: {  	s29 =	sadd.s32 s28, s23;
	[sflag:s25] =	ssyncadd.s32 $0xFFFFC000  }
0x71: {  	s28 =	sand.u32 $0x60, s28;
	s29 =	sand.u32 $0x1FF80, s29;
	_ =	swait.ge [sflag:s25], $0x4000  }
0x72: {  	s30 =	smov.u32 s26;
	s29 =	sor.u32 s28, s29;
	[sflag:s25] =	ssyncset.done $0x0  }
0x73: {  	[sflag:s25] =	ssyncadd.s32 $0xFFFFC000;
	s23 =	sadd.s32 s13, s29  }
0x74: {  	[tilespmem:s20], [sflag:$0x3] =	stream.linear.gather [hbm4b:s23+s20], $0x80, $0x38;
	[tilespmem:$0x1C200] =	vst v63  }
0x75: {  	s28 =	sadd.s32 s7, s29;
	s30 =	sor.u32 $0x10, s29  }
0x76: {  	[tilespmem:s17], [sflag:$0x3] =	stream.linear.gather [hbm4b:s28+s20], $0x80, $0x38;
	[tilespmem:$0x1C200] =	vst v63  }
0x77: {  	s31 =	sadd.s32 s13, s30  }
0x78: {  	[tilespmem:s18], [sflag:$0x3] =	stream.linear.gather [hbm4b:s31+s20], $0x80, $0x38;
	[tilespmem:$0x1C200] =	vst v63  }
0x79: {  	s23 =	sadd.s32 s7, s30  }
0x7a: {  	[tilespmem:s19], [sflag:$0x3] =	stream.linear.gather [hbm4b:s23+s20], $0x80, $0x38;
	[tilespmem:$0x1C200] =	vst v63  }
0x7b: {  	_ =	swait.ge [sflag:s21], $0x80  }
0x7c: {  	[sflag:s21] =	ssyncset.done $0x0  }
0x7d: {  	[sflag:s21] =	ssyncadd.s32 $0xFFFFFF80  }
0x7e: {  	[tilespmem:s16], [sflag:$0x1] =	stream.indirect.gather [hbm4b:s5+s18], $0x80, s20, s18, $0xb8;
	[tilespmem:$0x1C200] =	vst v63  }
0x7f: {  	_ =	swait.ge [sflag:s21], $0x80  }
0x80: {  	[sflag:s21] =	ssyncset.done $0x0  }
0x81: {  	[sflag:s21] =	ssyncadd.s32 $0xFFFFFF80  }
0x82: {  	[tilespmem:s22], [sflag:$0x1] =	stream.indirect.gather [hbm4b:s5+s18], $0x80, s18, s18, $0xb8;
	[tilespmem:$0x1C200] =	vst v63  }
0x83: {  	_ =	swait.ge [sflag:s21], $0x80  }
0x84: {  	[sflag:s21] =	ssyncset.done $0x0  }
0x85: {  	[sflag:s21] =	ssyncadd.s32 $0xFFFFFF80  }
0x86: {  	_ =	swait.ge [sflag:s21], $0x80  }
0x87: {  	[sflag:s21] =	ssyncset.done $0x0  }
0x88: {  	[sflag:s21] =	ssyncadd.s32 $0xFFFFFF80  }
0x89: {  	_ =	swait.ge [sflag:s24], $0x4000  }
0x8a: {  	[sflag:s24] =	ssyncset.done $0x0  }
0x8b: {  	[sflag:s24] =	ssyncadd.s32 $0xFFFFC000  }
0x8c: {  	[spmem:s3] =	stream.indirect.scatter.add.f32 [tilespmem:s16], [sflag:$0x2], $0x80, s17, s18, $0xb8;
	[tilespmem:$0x1C200] =	vst v63  }
0x8d: {  	_ =	swait.ge [sflag:s24], $0x4000  }
0x8e: {  	[sflag:s24] =	ssyncset.done $0x0  }
0x8f: {  	[sflag:s24] =	ssyncadd.s32 $0xFFFFC000  }
0x90: {  	[spmem:s3] =	stream.indirect.scatter.add.f32 [tilespmem:s22], [sflag:$0x2], $0x80, s19, s18, $0xb8;
	[tilespmem:$0x1C200] =	vst v63  }
0x91: {  	_ =	swait.ge [sflag:s25], $0x4000  }
0x92: {  	[sflag:s25] =	ssyncset.done $0x0  }
0x93: {  	[sflag:s25] =	ssyncadd.s32 $0xFFFFC000  }
0x94: {  	_ =	swait.ge [sflag:s25], $0x4000  }
0x95: {  	[sflag:s25] =	ssyncset.done $0x0  }
0x96: {  	[sflag:s25] =	ssyncadd.s32 $0xFFFFC000  }
0x97: {  	s24 =	simm.s32 $0x200;
	s25 =	simm.s32 $0x4;
	[bflag:$0x0] =	sbarrier.arrive $0xFFFF  }
0x98: {  	[tilespmem:s24], [sflag:$0x4] =	stream.linear.gather [spmem:s15], $0x4000, $0x38;
	[tilespmem:$0x1C200] =	vst v63  }
0x99: {  	s26 =	smul.u32 $0x2800, s1;
	_ =	swait.ge [sflag:s25], $0x4000  }
0x9a: {  	[sflag:s25] =	ssyncset.done $0x0  }
0x9b: {  	s7 =	sadd.s32 s2, s26;
	s28 =	simm.s32 $0x0;
	[sflag:s25] =	ssyncadd.s32 $0xFFFFC000  }
0x9c: {  	[hbm4b:s7+s28] =	stream.linear.scatter [tilespmem:s24], [sflag:$0x4], $0x4000, $0x38;
	[tilespmem:$0x1C200] =	vst v63  }
0x9d: {  	_ =	swait.ge [sflag:s25], $0x4000  }
0x9e: {  	[sflag:s25] =	ssyncset.done $0x0  }
0x9f: {  	[sflag:s25] =	ssyncadd.s32 $0xFFFFC000  }
0xa0: {  	[tilespmem:s24], [sflag:$0x4] =	stream.linear.gather [spmem:s14], $0x4000, $0x38;
	[tilespmem:$0x1C200] =	vst v63  }
0xa1: {  	_ =	swait.ge [sflag:s25], $0x4000  }
0xa2: {  	s29 =	sshll.u32 s10, $0x4;
	[sflag:s25] =	ssyncset.done $0x0  }
0xa3: {  	s7 =	sadd.s32 s2, s29;
	[sflag:s25] =	ssyncadd.s32 $0xFFFFC000  }
0xa4: {  	[hbm4b:s7+s28] =	stream.linear.scatter [tilespmem:s24], [sflag:$0x4], $0x4000, $0x38;
	[tilespmem:$0x1C200] =	vst v63  }
0xa5: {  	_ =	swait.ge [sflag:s25], $0x4000  }
0xa6: {  	[sflag:s25] =	ssyncset.done $0x0  }
0xa7: {  	[sflag:s25] =	ssyncadd.s32 $0xFFFFC000  }
0xa8: {  	[tilespmem:s24], [sflag:$0x4] =	stream.linear.gather [spmem:s12], $0x4000, $0x38;
	[tilespmem:$0x1C200] =	vst v63  }
0xa9: {  	_ =	swait.ge [sflag:s25], $0x4000  }
0xaa: {  	s30 =	sshll.u32 s8, $0x4;
	[sflag:s25] =	ssyncset.done $0x0  }
0xab: {  	s7 =	sadd.s32 s2, s30;
	[sflag:s25] =	ssyncadd.s32 $0xFFFFC000  }
0xac: {  	[hbm4b:s7+s28] =	stream.linear.scatter [tilespmem:s24], [sflag:$0x4], $0x4000, $0x38;
	[tilespmem:$0x1C200] =	vst v63  }
0xad: {  	_ =	swait.ge [sflag:s25], $0x4000  }
0xae: {  	[sflag:s25] =	ssyncset.done $0x0  }
0xaf: {  	[sflag:s25] =	ssyncadd.s32 $0xFFFFC000  }
0xb0: {  	[tilespmem:s24], [sflag:$0x4] =	stream.linear.gather [spmem:s11], $0x4000, $0x38;
	[tilespmem:$0x1C200] =	vst v63  }
0xb1: {  	_ =	swait.ge [sflag:s25], $0x4000  }
0xb2: {  	s6 =	sshll.u32 s6, $0x4;
	[sflag:s25] =	ssyncset.done $0x0  }
0xb3: {  	s6 =	sadd.s32 s2, s6;
	[sflag:s25] =	ssyncadd.s32 $0xFFFFC000  }
0xb4: {  	[hbm4b:s6+s28] =	stream.linear.scatter [tilespmem:s24], [sflag:$0x4], $0x4000, $0x38;
	[tilespmem:$0x1C200] =	vst v63  }
0xb5: {  	_ =	swait.ge [sflag:s25], $0x4000  }
0xb6: {  	[sflag:s25] =	ssyncset.done $0x0  }
0xb7: {  	[sflag:s25] =	ssyncadd.s32 $0xFFFFC000  }
0xb8: {  	[tilespmem:s24], [sflag:$0x4] =	stream.linear.gather [spmem:s9], $0x4000, $0x38;
	[tilespmem:$0x1C200] =	vst v63  }
0xb9: {  	_ =	swait.ge [sflag:s25], $0x4000  }
0xba: {  	s4 =	sshll.u32 s4, $0x4;
	[sflag:s25] =	ssyncset.done $0x0  }
0xbb: {  	s31 =	sadd.s32 s2, s4;
	[sflag:s25] =	ssyncadd.s32 $0xFFFFC000  }
0xbc: {  	[hbm4b:s31+s28] =	stream.linear.scatter [tilespmem:s24], [sflag:$0x4], $0x4000, $0x38;
	[tilespmem:$0x1C200] =	vst v63  }
0xbd: {  	_ =	swait.ge [sflag:s25], $0x4000  }
0xbe: {  	[sflag:s25] =	ssyncset.done $0x0  }
0xbf: {  	[sflag:s25] =	ssyncadd.s32 $0xFFFFC000  }
0xc0: {  	_ =	sfence.sel $0x180000  }
0xc1: {  	[bflag:$0x0] =	sbarrier.arrive $0xFFFF  }
0xc2: {  	p0 =	sne.s32 s1, $0x0;
	_ =	strace $0x9000004D  }
0xc3: {  	s0 =	sadd.s32 @!p0 $0x100000, s0;
	[bflag:$0x2] =	sbarrier.arrive $0xFFFF  }
0xc4: {  	[sflag:s0] =	ssyncadd.tile.s32 @!p0 $0x1;
	_ =	shalt  }
.Lfunc_end2:
_tile_overlayer_lowered:
.L_overlay_start_2:
0xc5: {  	(tag) =	ssettag $0x2  }
0xc6: {  	s0 =	rddreg [dreg:$0x0];
	s2 =	stileid.u32  }
0xc7: {  	s1 =	rddreg [dreg:$0x1];
	p0 =	sne.s32 s2, $0x0  }
0xc8: {  	s3 =	rddreg [dreg:$0x2];
	[bflag:$0x3] =	sbarrier.arrive $0xFFFF;
	s2 =	simm.s32 @!p0 $0x1C04  }
0xc9: {  	[timem:s3], [sflag:s2] =	dma.local @!p0 [hbm:s0], s1  }
0xca: {  	s0 =	simm.s32 @!p0 $0x4  }
0xcb: {  	_ =	swait.ge @!p0 [sflag:s0], s1  }
0xcc: {  	s1 =	ssub.s32 @!p0 $0x0, s1;
	[sflag:s0] =	ssyncset.done @!p0 $0x0  }
0xcd: {  	[sflag:s0] =	ssyncadd.s32 @!p0 s1  }
0xce: {  	[bflag:$0x3] =	sbarrier.arrive $0xFFFF  }
0xcf: {  	_ =	shalt  }

// kernel: kernel.7.cloned.1.call-start
scs
__scs_entry_jumppad:
0x0: {  	(pc) =	sbr.rel $0x88, $3  }
0x1: {  	(tag) =	ssettag $0x0;
	lr =	simm.s32 $0x1  }
0x2: {  	[smem:$0x3F8F] =	sst lr;
	_ =	strace $0xD0000000  }
0x3: {  	_ = 	snop  }
0x4: {  	_ = 	snop  }
0x5: {  	_ = 	snop  }
0x6: {  	_ = 	snop  }
0x7: {  	_ = 	snop  }
__scs_overlays_trampoline_lowered:
0x8: {  	[smem:$0x3F9E] =	sst s0  }
0x9: {  	[smem:$0x3F9F] =	sst s1  }
0xa: {  	[smem:$0x3FA0] =	sst s2  }
0xb: {  	[smem:$0x3FA1] =	sst s3  }
0xc: {  	[smem:$0x3FA2] =	sst s4  }
0xd: {  	[smem:$0x3FA3] =	sst s5  }
0xe: {  	[smem:$0x3FA4] =	sst s6  }
0xf: {  	[smem:$0x3FA5] =	sst s7  }
0x10: {  	[smem:$0x3FA6] =	sst s8  }
0x11: {  	[smem:$0x3FA7] =	sst s9;
	s0 =	simm.s32 @!p0 $0x0  }
0x12: {  	s1 =	sld [smem:$0x3F8D];
	s0 =	simm.s32 @p0 $0x1  }
0x13: {  	[smem:$0x3FA8] =	sst s0;
	s0 =	simm.s32 @!p1 $0x0  }
0x14: {  	s2 =	sld [smem:$0x3F8C];
	s0 =	simm.s32 @p1 $0x1  }
0x15: {  	[smem:$0x3FA9] =	sst s0;
	s0 =	simm.s32 @!p2 $0x0  }
0x16: {  	s3 =	sld [smem:$0x3FDB];
	s0 =	simm.s32 @p2 $0x1  }
0x17: {  	s4 =	simm.s32 $0x1BF5;
	[smem:$0x3FAB] =	sst s0  }
0x18: {  	s0 =	sld [smem:$0x3F8E];
	_ =	swait.ge [sflag:s4], $0x0  }
0x19: {  	s7 =	sld [smem:$0x3F8F]  }
0x1a: {  	s8 =	sadd.s32 $0xFFFFE003, lr  }
0x1b: {  	s9 =	sadd.s32 $0xFFFFFEF7, lr;
	s5 =	simm.s32 $0xFFFFFFFF;
	p2 =	slt.u32 s8, $0xFFFFF086  }
0x1c: {  	p1 =	slt.u32 s9, $0xF7A;
	s5 =	simm.s32 @!p2 $0x0  }
0x1d: {  	s5 =	simm.s32 @p1 $0x1;
	p0 =	seq.s32 s7, s2  }
0x1e: {  	s7 =	smul.u32 @!p0 $0xF7A, s2;
	p2 =	seq.s32 @!p0 s5, $0x0  }
0x1f: {  	s9 =	smul.u32 $0xF7A, s1;
	s8 =	simm.s32 @!p0 $0x1BF5;
	p2 =	por !p2, p0  }
0x20: {  	[sflag:s8] =	ssyncset.s32 @!p0 $0xFFFFF086;
	s6 =	sadd.s32 @!p0 s3, s7;
	s7 =	simm.s32 @!p0 $0x108  }
0x21: {  	s3 =	sadd.s32 s3, s9;
	s6 =	sadd.s32 @!p0 $0x88, s6;
	s7 =	simm.s32 @p2 $0x1082  }
0x22: {  	[simem:s7], [sflag:s8] =	dma.local @!p0 [hbm:s6], $0xF7A  }
0x23: {  	s9 =	sor.u32 $0xD0000000, s2;
	s6 =	simm.s32 $0x108;
	_ =	swait.ge @!p0 [sflag:s8], $0x0  }
0x24: {  	s3 =	sadd.s32 $0x88, s3;
	s6 =	simm.s32 @!p1 $0x1082;
	[sflag:s4] =	ssyncset.s32 $0xFFFFF086  }
0x25: {  	[simem:s6], [sflag:s4] =	dma.local [hbm:s3], $0xF7A  }
0x26: {  	[smem:$0x3F8F] =	sst s1;
	(tag) =	ssettag s2;
	_ =	strace s9  }
0x27: {  	s1 =	sld [smem:$0x3F9F]  }
0x28: {  	s2 =	sld [smem:$0x3FA0]  }
0x29: {  	s4 =	sld [smem:$0x3FA2]  }
0x2a: {  	p0 =	seq.s32 s5, $0x0;
	s5 =	sld [smem:$0x3FA3]  }
0x2b: {  	s6 =	sld [smem:$0x3FA4]  }
0x2c: {  	s7 =	sld [smem:$0x3FA5]  }
0x2d: {  	s3 =	simm.s32 $0x108;
	s8 =	sld [smem:$0x3FA6]  }
0x2e: {  	s3 =	simm.s32 @!p0 $0x1082;
	s9 =	sld [smem:$0x3FA7]  }
0x2f: {  	lr =	sadd.s32 s0, s3;
	s0 =	sld [smem:$0x3F9E]  }
0x30: {  	s3 =	sld [smem:$0x3FA1]  }
0x31: {  	[smem:$0x3FAA] =	sst s10  }
0x32: {  	s10 =	sld [smem:$0x3FA8];
	_ =	sdelay $0x3  }
0x33: {  	p0 =	seq.s32 s10, $0x1;
	s10 =	sld [smem:$0x3FAA];
	_ =	sdelay $0x3  }
0x34: {  	[smem:$0x3FAA] =	sst s10  }
0x35: {  	s10 =	sld [smem:$0x3FA9];
	_ =	sdelay $0x3  }
0x36: {  	p1 =	seq.s32 s10, $0x1;
	s10 =	sld [smem:$0x3FAA];
	_ =	sdelay $0x3  }
0x37: {  	[smem:$0x3FAA] =	sst s10  }
0x38: {  	s10 =	sld [smem:$0x3FAB]  }
0x39: {  	_ = 	snop;
	(pc) =	sbr.ind lr, $3  }
0x3a: {  	_ = 	snop  }
0x3b: {  	_ = 	snop  }
0x3c: {  	p2 =	seq.s32 s10, $0x1;
	s10 =	sld [smem:$0x3FAA]  }
0x3d: {  	_ =	shalt  }
0x3e: {  	_ =	shalt  }
0x3f: {  	_ =	shalt  }
0x40: {  	_ =	shalt  }
0x41: {  	_ =	shalt  }
0x42: {  	_ =	shalt  }
0x43: {  	_ =	shalt  }
0x44: {  	_ =	shalt  }
0x45: {  	_ =	shalt  }
0x46: {  	_ =	shalt  }
0x47: {  	_ =	shalt  }
0x48: {  	_ =	shalt  }
0x49: {  	_ =	shalt  }
0x4a: {  	_ =	shalt  }
0x4b: {  	_ =	shalt  }
0x4c: {  	_ =	shalt  }
0x4d: {  	_ =	shalt  }
0x4e: {  	_ =	shalt  }
0x4f: {  	_ =	shalt  }
0x50: {  	_ =	shalt  }
0x51: {  	_ =	shalt  }
0x52: {  	_ =	shalt  }
0x53: {  	_ =	shalt  }
0x54: {  	_ =	shalt  }
0x55: {  	_ =	shalt  }
0x56: {  	_ =	shalt  }
0x57: {  	_ =	shalt  }
0x58: {  	_ =	shalt  }
0x59: {  	_ =	shalt  }
0x5a: {  	_ =	shalt  }
0x5b: {  	_ =	shalt  }
0x5c: {  	_ =	shalt  }
0x5d: {  	_ =	shalt  }
0x5e: {  	_ =	shalt  }
0x5f: {  	_ =	shalt  }
0x60: {  	_ =	shalt  }
0x61: {  	_ =	shalt  }
0x62: {  	_ =	shalt  }
0x63: {  	_ =	shalt  }
0x64: {  	_ =	shalt  }
0x65: {  	_ =	shalt  }
0x66: {  	_ =	shalt  }
0x67: {  	_ =	shalt  }
0x68: {  	_ =	shalt  }
0x69: {  	_ =	shalt  }
0x6a: {  	_ =	shalt  }
0x6b: {  	_ =	shalt  }
0x6c: {  	_ =	shalt  }
0x6d: {  	_ =	shalt  }
0x6e: {  	_ =	shalt  }
0x6f: {  	_ =	shalt  }
0x70: {  	_ =	shalt  }
0x71: {  	_ =	shalt  }
0x72: {  	_ =	shalt  }
0x73: {  	_ =	shalt  }
0x74: {  	_ =	shalt  }
0x75: {  	_ =	shalt  }
0x76: {  	_ =	shalt  }
0x77: {  	_ =	shalt  }
0x78: {  	_ =	shalt  }
0x79: {  	_ =	shalt  }
0x7a: {  	_ =	shalt  }
0x7b: {  	_ =	shalt  }
0x7c: {  	_ =	shalt  }
0x7d: {  	_ =	shalt  }
0x7e: {  	_ =	shalt  }
0x7f: {  	_ =	shalt  }
0x80: {  	_ =	shalt  }
0x81: {  	_ =	shalt  }
0x82: {  	_ =	shalt  }
0x83: {  	_ =	shalt  }
0x84: {  	_ =	shalt  }
0x85: {  	_ =	shalt  }
0x86: {  	_ =	shalt  }
0x87: {  	_ =	shalt  }
.Lfunc_end0:
.L_simem_size_0:
called_computation_lowered:
.L_overlay_start_0:
0x88: {  	s0 =	sld [smem:$0x3FD9]  }
0x89: {  	s1 =	sld [smem:$0x3FFE];
	_ =	sdelay $0x3  }
0x8a: {  	s0 =	sadd.s32 s1, s0  }
0x8b: {  	[smem:$0x3FB6] =	sst s0  }
0x8c: {  	_ = 	snop  }
0x8d: {  	s0 =	sld [smem:$0x3FD0];
	(tm) =	ssettm $0x1  }
0x8e: {  	s16 =	sld [smem:$0x3FFB];
	_ =	sdelay $0x3  }
0x8f: {  	_ =	strace s16  }
0x90: {  	s1 =	sld [smem:$0x3FFC];
	_ =	sdelay $0x3  }
0x91: {  	_ =	strace s1  }
0x92: {  	s1 =	sld [smem:$0x3FFD];
	_ =	sdelay $0x3  }
0x93: {  	_ =	strace s1  }
0x94: {  	_ =	strace $0x8FFFFFFF  }
0x95: {  	s17 =	sld [smem:$0x3FDB];
	_ =	sdelay $0x1  }
0x96: {  	s2 =	simm.s32 $_scs_section_size  }
0x97: {  	s3 =	simm.s32 $_size__tile_overlayer_lowered;
	s4 =	simm.s32 $_tile_overlayer_lowered  }
0x98: {  	s20 =	simm.s32 $0x1BFF;
	s19 =	sshll.u32 s4, $0x1;
	s1 =	sadd.s32 s2, s17  }
0x99: {  	s5 =	simm.s32 $0x0;
	s18 =	sshll.u32 s3, $0x1;
	s3 =	sadd.s32 s19, s1  }
0x9a: {  	[timem:s5], [sflag:s20] =	dma.local [hbm:s3], s18  }
0x9b: {  	_ =	swait.ge [sflag:s20], s18  }
0x9c: {  	s2 =	ssub.s32 $0x0, s18;
	[sflag:s20] =	ssyncset.done $0x0  }
0x9d: {  	[sflag:s20] =	ssyncadd.s32 s2;
	_ =	sdelay $0x1  }
0x9e: {  	s21 =	simm.s32 $0x1B8B  }
0x9f: {  	_ =	swait.ge [sflag:s21], $0x1  }
0xa0: {  	[sflag:s21] =	ssyncset.done $0x0  }
0xa1: {  	s23 =	simm.s32 $0x1B8E;
	s22 =	sld [smem:$0x3FFE];
	[sflag:s21] =	ssyncadd.s32 $0xFFFFFFFF  }
0xa2: {  	s24 =	simm.s32 $execute0_lowered;
	[smem:$0x3FD2] =	sst s23  }
0xa3: {  	s3 =	sshll.u32 s24, $0x1;
	_ =	strace $0x80000046;
	[dreg:$0x1] =	wrdreg $0xFFFFFFFF  }
0xa4: {  	s25 =	simm.s32 $_size_execute0_lowered;
	s1 =	sadd.s32 s1, s3;
	[dreg:$0x0] =	wrdreg $0x0  }
0xa5: {  	s3 =	sshll.u32 s25, $0x1;
	[dreg:$0x2] =	wrdreg s1  }
0xa6: {  	[dreg:$0x3] =	wrdreg s3  }
0xa7: {  	[dreg:$0x4] =	wrdreg $0xC0  }
0xa8: {  	_ =	task [dreg:s5], $0x5FFFF  }
0xa9: {  	[dreg:$0x1] =	wrdreg $0xFFFFFFFF  }
0xaa: {  	[dreg:$0x0] =	wrdreg $0x60  }
0xab: {  	[dreg:$0x2] =	wrdreg s22  }
0xac: {  	[dreg:$0x3] =	wrdreg s0  }
0xad: {  	[dreg:$0x4] =	wrdreg $0x82000  }
0xae: {  	[dreg:$0x5] =	wrdreg $0x9  }
0xaf: {  	_ =	task.clear_ibuf [dreg:s5], $0x6FFFF;
	_ =	strace $0x90000046  }
0xb0: {  	s26 =	simm.s32 $0x9;
	_ =	strace $0x80000048  }
0xb1: {  	_ =	swait.ge [sflag:s26], $0x1  }
0xb2: {  	[sflag:s26] =	ssyncadd.s32 $0xFFFFFFFF  }
0xb3: {  	_ =	strace $0x90000048  }
0xb4: {  	_ =	sfence  }
0xb5: {  	s28 =	sld [smem:$0x0];
	_ =	sdelay $0x1  }
0xb6: {  	s29 =	srdreg.scid  }
0xb7: {  	s30 =	sshll.u32 s29, $0xD;
	s31 =	sshrl.u32 s29, $0x2  }
0xb8: {  	s2 =	sand.u32 $0x4000, s30;
	s1 =	sand.u32 $0x1, s29;
	s0 =	sadd.s32 s31, s28  }
0xb9: {  	s1 =	sor.u32 s2, s1;
	s0 =	sshll.u32 s0, $0x11  }
0xba: {  	s0 =	sor.u32 s0, s1  }
0xbb: {  	s0 =	sadd.s32 $0x8F2B, s0  }
0xbc: {  	[sflag:s0] =	ssyncadd.remote.s32 $0x1  }
0xbd: {  	_ =	sfence.sel $0xFFFF  }
0xbe: {  	[dreg:$0x0] =	wrdreg $0xFFFFFFFF;
	(pc) =	sbr.abs _section_cstart, $3  }
0xbf: {  	[dreg:$0x1] =	wrdreg $0xFFFFFFFF  }
0xc0: {  	_ =	task.clear_ibuf [dreg:s5], $0x2FFFF;
	_ =	strace $0x9FFFFFFF  }
0xc1: {  	(tm) =	ssettm $0x7FFFFFFF  }
tec
execute0_lowered:
.L_overlay_start_1:
0x0: {  	(tag) =	ssettag $0x1  }
0x1: {  	s1 =	rddreg [dreg:$0x0]  }
0x2: {  	s7 =	rddreg [dreg:$0x1]  }
0x3: {  	s3 =	rddreg [dreg:$0x2]  }
0x4: {  	s0 =	rddreg [dreg:$0x3]  }
0x5: {  	s2 =	simm.s32 $0x0;
	s4 =	simm.s32 $0x0;
	s6 =	simm.s32 $0x200  }
0x6: {  	[smem:$0x7FF] =	sst s2;
	s5 =	sadd.s32 $0xD600, s1;
	s13 =	sadd.s32 $0x3600, s1  }
0x7: {  	v0 =	vimm.f32 $0.0e+00;
	s2 =	sadd.s32 $0x34800, s1;
	s1 =	stileid.u32;
	_ =	strace $0x80000047  }
.LBB2_1:
0x8: {  	p0 =	sne.s32 s6, $0xFE00;
	[tilespmem:s4+$0x270] =	vst v0  }
0x9: {  	[tilespmem:s4+$0x200] =	vst v0  }
0xa: {  	[tilespmem:s4+$0x210] =	vst v0  }
.Ltmp0:
0xb: {  	[tilespmem:s4+$0x220] =	vst v0;
	(pc) =	sbr.rel @p0 .LBB2_1-.Ltmp0, $4  }
0xc: {  	[tilespmem:s4+$0x230] =	vst v0  }
0xd: {  	[tilespmem:s4+$0x240] =	vst v0  }
0xe: {  	[tilespmem:s4+$0x250] =	vst v0  }
0xf: {  	[tilespmem:s4+$0x260] =	vst v0;
	s4 =	sshra.s32 s6, $0x2;
	s6 =	sadd.s32 $0x200, s6  }
0x10: {  	[tilespmem:s4+$0x270] =	vst v0  }
0x11: {  	[tilespmem:s4+$0x200] =	vst v0  }
0x12: {  	[tilespmem:s4+$0x210] =	vst v0  }
0x13: {  	[tilespmem:s4+$0x220] =	vst v0  }
0x14: {  	[tilespmem:s4+$0x230] =	vst v0;
	s6 =	smul.u32 $0x50000, s1  }
0x15: {  	[tilespmem:s4+$0x240] =	vst v0  }
0x16: {  	[tilespmem:s4+$0x250] =	vst v0;
	s23 =	smul.u32 $0x280, s1;
	s6 =	sshrl.u32 s6, $0x2  }
0x17: {  	[tilespmem:s4+$0x260] =	vst v0;
	s16 =	simm.s32 $0x200;
	s17 =	simm.s32 $0x4;
	s15 =	sadd.s32 s6, s3  }
0x18: {  	[spmem:s15] =	stream.linear.scatter [tilespmem:s16], [sflag:$0x4], $0x4000, $0x38;
	[tilespmem:$0x1C200] =	vst v63  }
0x19: {  	s10 =	sadd.s32 $0x80, s23;
	_ =	swait.ge [sflag:s17], $0x4000  }
0x1a: {  	s24 =	sshll.u32 s10, $0x7;
	[sflag:s17] =	ssyncset.done $0x0  }
0x1b: {  	s14 =	sadd.s32 s24, s3;
	[sflag:s17] =	ssyncadd.s32 $0xFFFFC000  }
0x1c: {  	[spmem:s14] =	stream.linear.scatter [tilespmem:s16], [sflag:$0x4], $0x4000, $0x38;
	[tilespmem:$0x1C200] =	vst v63  }
0x1d: {  	s8 =	sadd.s32 $0x100, s23;
	_ =	swait.ge [sflag:s17], $0x4000  }
0x1e: {  	s25 =	sshll.u32 s8, $0x7;
	[sflag:s17] =	ssyncset.done $0x0  }
0x1f: {  	s12 =	sadd.s32 s25, s3;
	[sflag:s17] =	ssyncadd.s32 $0xFFFFC000  }
0x20: {  	[spmem:s12] =	stream.linear.scatter [tilespmem:s16], [sflag:$0x4], $0x4000, $0x38;
	[tilespmem:$0x1C200] =	vst v63  }
0x21: {  	s6 =	sadd.s32 $0x180, s23;
	_ =	swait.ge [sflag:s17], $0x4000  }
0x22: {  	s9 =	sshll.u32 s6, $0x7;
	[sflag:s17] =	ssyncset.done $0x0  }
0x23: {  	s11 =	sadd.s32 s9, s3;
	[sflag:s17] =	ssyncadd.s32 $0xFFFFC000  }
0x24: {  	[spmem:s11] =	stream.linear.scatter [tilespmem:s16], [sflag:$0x4], $0x4000, $0x38;
	[tilespmem:$0x1C200] =	vst v63  }
0x25: {  	s4 =	sadd.s32 $0x200, s23;
	_ =	swait.ge [sflag:s17], $0x4000  }
0x26: {  	s26 =	sshll.u32 s4, $0x7;
	[sflag:s17] =	ssyncset.done $0x0  }
0x27: {  	s23 =	smul.u32 $0xA00, s1;
	s9 =	sadd.s32 s26, s3;
	[sflag:s17] =	ssyncadd.s32 $0xFFFFC000  }
0x28: {  	[spmem:s9] =	stream.linear.scatter [tilespmem:s16], [sflag:$0x4], $0x4000, $0x38;
	[tilespmem:$0x1C200] =	vst v63  }
0x29: {  	s20 =	simm.s32 $0x0;
	s18 =	sadd.s32 $0x0, s23;
	_ =	swait.ge [sflag:s17], $0x4000  }
0x2a: {  	s19 =	sand.u32 $0x60, s20;
	s18 =	sand.u32 $0x1FF80, s18;
	[sflag:s17] =	ssyncset.done $0x0  }
0x2b: {  	s18 =	sor.u32 s19, s18;
	[sflag:s17] =	ssyncadd.s32 $0xFFFFC000  }
0x2c: {  	s28 =	sadd.s32 s13, s18;
	[bflag:$0x0] =	sbarrier.arrive $0xFFFF  }
0x2d: {  	[tilespmem:s20], [sflag:$0x3] =	stream.linear.gather [hbm4b:s28+s20], $0x80, $0x38;
	[tilespmem:$0x1C200] =	vst v63  }
0x2e: {  	s19 =	sadd.s32 s7, s18;
	s22 =	sor.u32 $0x10, s18;
	s17 =	simm.s32 $0x100  }
0x2f: {  	[tilespmem:s17], [sflag:$0x3] =	stream.linear.gather [hbm4b:s19+s20], $0x80, $0x38;
	[tilespmem:$0x1C200] =	vst v63  }
0x30: {  	s18 =	simm.s32 $0x80;
	s31 =	sadd.s32 s13, s22  }
0x31: {  	[tilespmem:s18], [sflag:$0x3] =	stream.linear.gather [hbm4b:s31+s20], $0x80, $0x38;
	[tilespmem:$0x1C200] =	vst v63  }
0x32: {  	s21 =	simm.s32 $0x3;
	s22 =	sadd.s32 s7, s22;
	s19 =	simm.s32 $0x180  }
0x33: {  	[tilespmem:s19], [sflag:$0x3] =	stream.linear.gather [hbm4b:s22+s20], $0x80, $0x38;
	[tilespmem:$0x1C200] =	vst v63  }
0x34: {  	_ =	swait.ge [sflag:s21], $0x80  }
0x35: {  	[sflag:s21] =	ssyncset.done $0x0  }
0x36: {  	[sflag:s21] =	ssyncadd.s32 $0xFFFFFF80  }
0x37: {  	[tilespmem:s16], [sflag:$0x1] =	stream.indirect.gather [hbm4b:s5+s18], $0x80, s20, s18, $0xb8;
	[tilespmem:$0x1C200] =	vst v63  }
0x38: {  	_ =	swait.ge [sflag:s21], $0x80  }
0x39: {  	[sflag:s21] =	ssyncset.done $0x0  }
0x3a: {  	s22 =	simm.s32 $0x4200;
	[sflag:s21] =	ssyncadd.s32 $0xFFFFFF80  }
0x3b: {  	[tilespmem:s22], [sflag:$0x1] =	stream.indirect.gather [hbm4b:s5+s18], $0x80, s18, s18, $0xb8;
	[tilespmem:$0x1C200] =	vst v63  }
0x3c: {  	_ =	swait.ge [sflag:s21], $0x80  }
0x3d: {  	[sflag:s21] =	ssyncset.done $0x0  }
0x3e: {  	[sflag:s21] =	ssyncadd.s32 $0xFFFFFF80  }
0x3f: {  	_ =	swait.ge [sflag:s21], $0x80  }
0x40: {  	[sflag:s21] =	ssyncset.done $0x0  }
0x41: {  	s24 =	simm.s32 $0x1;
	[sflag:s21] =	ssyncadd.s32 $0xFFFFFF80  }
0x42: {  	_ =	swait.ge [sflag:s24], $0x4000  }
0x43: {  	[sflag:s24] =	ssyncset.done $0x0  }
0x44: {  	[sflag:s24] =	ssyncadd.s32 $0xFFFFC000  }
0x45: {  	[spmem:s3] =	stream.indirect.scatter.add.f32 [tilespmem:s16], [sflag:$0x2], $0x80, s17, s18, $0xb8;
	[tilespmem:$0x1C200] =	vst v63  }
0x46: {  	_ =	swait.ge [sflag:s24], $0x4000  }
0x47: {  	[sflag:s24] =	ssyncset.done $0x0  }
0x48: {  	s25 =	simm.s32 $0x2;
	[sflag:s24] =	ssyncadd.s32 $0xFFFFC000  }
0x49: {  	[spmem:s3] =	stream.indirect.scatter.add.f32 [tilespmem:s22], [sflag:$0x2], $0x80, s19, s18, $0xb8;
	[tilespmem:$0x1C200] =	vst v63  }
0x4a: {  	_ =	swait.ge [sflag:s25], $0x4000  }
0x4b: {  	[sflag:s25] =	ssyncset.done $0x0  }
0x4c: {  	s26 =	simm.s32 $0x20;
	s28 =	sadd.s32 $0x20, s23;
	[sflag:s25] =	ssyncadd.s32 $0xFFFFC000  }
0x4d: {  	s26 =	sand.u32 $0x60, s26;
	s28 =	sand.u32 $0x1FF80, s28;
	_ =	swait.ge [sflag:s25], $0x4000  }
0x4e: {  	s30 =	simm.s32 $0x40;
	s29 =	sor.u32 s26, s28;
	[sflag:s25] =	ssyncset.done $0x0  }
.LBB2_3:
0x4f: {  	s31 =	sadd.s32 s13, s29  }
0x50: {  	[sflag:s25] =	ssyncadd.s32 $0xFFFFC000;
	s28 =	smov.u32 s30;
	s26 =	sadd.s32 $0x20, s30  }
0x51: {  	[tilespmem:s20], [sflag:$0x3] =	stream.linear.gather [hbm4b:s31+s20], $0x80, $0x38;
	[tilespmem:$0x1C200] =	vst v63  }
0x52: {  	p0 =	sne.s32 s30, $0x9E0;
	s30 =	sadd.s32 s7, s29;
	s29 =	sor.u32 $0x10, s29  }
0x53: {  	[tilespmem:s17], [sflag:$0x3] =	stream.linear.gather [hbm4b:s30+s20], $0x80, $0x38;
	[tilespmem:$0x1C200] =	vst v63  }
0x54: {  	s30 =	sadd.s32 s13, s29  }
0x55: {  	[tilespmem:s18], [sflag:$0x3] =	stream.linear.gather [hbm4b:s30+s20], $0x80, $0x38;
	[tilespmem:$0x1C200] =	vst v63  }
0x56: {  	s29 =	sadd.s32 s7, s29  }
0x57: {  	[tilespmem:s19], [sflag:$0x3] =	stream.linear.gather [hbm4b:s29+s20], $0x80, $0x38;
	[tilespmem:$0x1C200] =	vst v63  }
0x58: {  	_ =	swait.ge [sflag:s21], $0x80  }
0x59: {  	[sflag:s21] =	ssyncset.done $0x0  }
0x5a: {  	[sflag:s21] =	ssyncadd.s32 $0xFFFFFF80  }
0x5b: {  	[tilespmem:s16], [sflag:$0x1] =	stream.indirect.gather [hbm4b:s5+s18], $0x80, s20, s18, $0xb8;
	[tilespmem:$0x1C200] =	vst v63  }
0x5c: {  	_ =	swait.ge [sflag:s21], $0x80  }
0x5d: {  	[sflag:s21] =	ssyncset.done $0x0  }
0x5e: {  	[sflag:s21] =	ssyncadd.s32 $0xFFFFFF80  }
0x5f: {  	[tilespmem:s22], [sflag:$0x1] =	stream.indirect.gather [hbm4b:s5+s18], $0x80, s18, s18, $0xb8;
	[tilespmem:$0x1C200] =	vst v63  }
0x60: {  	_ =	swait.ge [sflag:s21], $0x80  }
0x61: {  	[sflag:s21] =	ssyncset.done $0x0  }
0x62: {  	[sflag:s21] =	ssyncadd.s32 $0xFFFFFF80  }
0x63: {  	_ =	swait.ge [sflag:s21], $0x80  }
0x64: {  	[sflag:s21] =	ssyncset.done $0x0  }
0x65: {  	[sflag:s21] =	ssyncadd.s32 $0xFFFFFF80  }
0x66: {  	_ =	swait.ge [sflag:s24], $0x4000  }
0x67: {  	[sflag:s24] =	ssyncset.done $0x0  }
0x68: {  	[sflag:s24] =	ssyncadd.s32 $0xFFFFC000  }
0x69: {  	[spmem:s3] =	stream.indirect.scatter.add.f32 [tilespmem:s16], [sflag:$0x2], $0x80, s17, s18, $0xb8;
	[tilespmem:$0x1C200] =	vst v63  }
0x6a: {  	_ =	swait.ge [sflag:s24], $0x4000  }
0x6b: {  	[sflag:s24] =	ssyncset.done $0x0  }
0x6c: {  	[sflag:s24] =	ssyncadd.s32 $0xFFFFC000  }
0x6d: {  	[spmem:s3] =	stream.indirect.scatter.add.f32 [tilespmem:s22], [sflag:$0x2], $0x80, s19, s18, $0xb8;
	[tilespmem:$0x1C200] =	vst v63  }
.Ltmp1:
0x6e: {  	_ =	swait.ge [sflag:s25], $0x4000;
	(pc) =	sbr.rel @p0 .LBB2_3-.Ltmp1, $4  }
0x6f: {  	[sflag:s25] =	ssyncset.done $0x0  }
0x70: {  	s29 =	sadd.s32 s28, s23;
	[sflag:s25] =	ssyncadd.s32 $0xFFFFC000  }
0x71: {  	s28 =	sand.u32 $0x60, s28;
	s29 =	sand.u32 $0x1FF80, s29;
	_ =	swait.ge [sflag:s25], $0x4000  }
0x72: {  	s30 =	smov.u32 s26;
	s29 =	sor.u32 s28, s29;
	[sflag:s25] =	ssyncset.done $0x0  }
0x73: {  	[sflag:s25] =	ssyncadd.s32 $0xFFFFC000;
	s23 =	sadd.s32 s13, s29  }
0x74: {  	[tilespmem:s20], [sflag:$0x3] =	stream.linear.gather [hbm4b:s23+s20], $0x80, $0x38;
	[tilespmem:$0x1C200] =	vst v63  }
0x75: {  	s28 =	sadd.s32 s7, s29;
	s30 =	sor.u32 $0x10, s29  }
0x76: {  	[tilespmem:s17], [sflag:$0x3] =	stream.linear.gather [hbm4b:s28+s20], $0x80, $0x38;
	[tilespmem:$0x1C200] =	vst v63  }
0x77: {  	s31 =	sadd.s32 s13, s30  }
0x78: {  	[tilespmem:s18], [sflag:$0x3] =	stream.linear.gather [hbm4b:s31+s20], $0x80, $0x38;
	[tilespmem:$0x1C200] =	vst v63  }
0x79: {  	s23 =	sadd.s32 s7, s30  }
0x7a: {  	[tilespmem:s19], [sflag:$0x3] =	stream.linear.gather [hbm4b:s23+s20], $0x80, $0x38;
	[tilespmem:$0x1C200] =	vst v63  }
0x7b: {  	_ =	swait.ge [sflag:s21], $0x80  }
0x7c: {  	[sflag:s21] =	ssyncset.done $0x0  }
0x7d: {  	[sflag:s21] =	ssyncadd.s32 $0xFFFFFF80  }
0x7e: {  	[tilespmem:s16], [sflag:$0x1] =	stream.indirect.gather [hbm4b:s5+s18], $0x80, s20, s18, $0xb8;
	[tilespmem:$0x1C200] =	vst v63  }
0x7f: {  	_ =	swait.ge [sflag:s21], $0x80  }
0x80: {  	[sflag:s21] =	ssyncset.done $0x0  }
0x81: {  	[sflag:s21] =	ssyncadd.s32 $0xFFFFFF80  }
0x82: {  	[tilespmem:s22], [sflag:$0x1] =	stream.indirect.gather [hbm4b:s5+s18], $0x80, s18, s18, $0xb8;
	[tilespmem:$0x1C200] =	vst v63  }
0x83: {  	_ =	swait.ge [sflag:s21], $0x80  }
0x84: {  	[sflag:s21] =	ssyncset.done $0x0  }
0x85: {  	[sflag:s21] =	ssyncadd.s32 $0xFFFFFF80  }
0x86: {  	_ =	swait.ge [sflag:s21], $0x80  }
0x87: {  	[sflag:s21] =	ssyncset.done $0x0  }
0x88: {  	[sflag:s21] =	ssyncadd.s32 $0xFFFFFF80  }
0x89: {  	_ =	swait.ge [sflag:s24], $0x4000  }
0x8a: {  	[sflag:s24] =	ssyncset.done $0x0  }
0x8b: {  	[sflag:s24] =	ssyncadd.s32 $0xFFFFC000  }
0x8c: {  	[spmem:s3] =	stream.indirect.scatter.add.f32 [tilespmem:s16], [sflag:$0x2], $0x80, s17, s18, $0xb8;
	[tilespmem:$0x1C200] =	vst v63  }
0x8d: {  	_ =	swait.ge [sflag:s24], $0x4000  }
0x8e: {  	[sflag:s24] =	ssyncset.done $0x0  }
0x8f: {  	[sflag:s24] =	ssyncadd.s32 $0xFFFFC000  }
0x90: {  	[spmem:s3] =	stream.indirect.scatter.add.f32 [tilespmem:s22], [sflag:$0x2], $0x80, s19, s18, $0xb8;
	[tilespmem:$0x1C200] =	vst v63  }
0x91: {  	_ =	swait.ge [sflag:s25], $0x4000  }
0x92: {  	[sflag:s25] =	ssyncset.done $0x0  }
0x93: {  	[sflag:s25] =	ssyncadd.s32 $0xFFFFC000  }
0x94: {  	_ =	swait.ge [sflag:s25], $0x4000  }
0x95: {  	[sflag:s25] =	ssyncset.done $0x0  }
0x96: {  	[sflag:s25] =	ssyncadd.s32 $0xFFFFC000  }
0x97: {  	s24 =	simm.s32 $0x200;
	s25 =	simm.s32 $0x4;
	[bflag:$0x0] =	sbarrier.arrive $0xFFFF  }
0x98: {  	[tilespmem:s24], [sflag:$0x4] =	stream.linear.gather [spmem:s15], $0x4000, $0x38;
	[tilespmem:$0x1C200] =	vst v63  }
0x99: {  	s26 =	smul.u32 $0x2800, s1;
	_ =	swait.ge [sflag:s25], $0x4000  }
0x9a: {  	[sflag:s25] =	ssyncset.done $0x0  }
0x9b: {  	s7 =	sadd.s32 s2, s26;
	s28 =	simm.s32 $0x0;
	[sflag:s25] =	ssyncadd.s32 $0xFFFFC000  }
0x9c: {  	[hbm4b:s7+s28] =	stream.linear.scatter [tilespmem:s24], [sflag:$0x4], $0x4000, $0x38;
	[tilespmem:$0x1C200] =	vst v63  }
0x9d: {  	_ =	swait.ge [sflag:s25], $0x4000  }
0x9e: {  	[sflag:s25] =	ssyncset.done $0x0  }
0x9f: {  	[sflag:s25] =	ssyncadd.s32 $0xFFFFC000  }
0xa0: {  	[tilespmem:s24], [sflag:$0x4] =	stream.linear.gather [spmem:s14], $0x4000, $0x38;
	[tilespmem:$0x1C200] =	vst v63  }
0xa1: {  	_ =	swait.ge [sflag:s25], $0x4000  }
0xa2: {  	s29 =	sshll.u32 s10, $0x4;
	[sflag:s25] =	ssyncset.done $0x0  }
0xa3: {  	s7 =	sadd.s32 s2, s29;
	[sflag:s25] =	ssyncadd.s32 $0xFFFFC000  }
0xa4: {  	[hbm4b:s7+s28] =	stream.linear.scatter [tilespmem:s24], [sflag:$0x4], $0x4000, $0x38;
	[tilespmem:$0x1C200] =	vst v63  }
0xa5: {  	_ =	swait.ge [sflag:s25], $0x4000  }
0xa6: {  	[sflag:s25] =	ssyncset.done $0x0  }
0xa7: {  	[sflag:s25] =	ssyncadd.s32 $0xFFFFC000  }
0xa8: {  	[tilespmem:s24], [sflag:$0x4] =	stream.linear.gather [spmem:s12], $0x4000, $0x38;
	[tilespmem:$0x1C200] =	vst v63  }
0xa9: {  	_ =	swait.ge [sflag:s25], $0x4000  }
0xaa: {  	s30 =	sshll.u32 s8, $0x4;
	[sflag:s25] =	ssyncset.done $0x0  }
0xab: {  	s7 =	sadd.s32 s2, s30;
	[sflag:s25] =	ssyncadd.s32 $0xFFFFC000  }
0xac: {  	[hbm4b:s7+s28] =	stream.linear.scatter [tilespmem:s24], [sflag:$0x4], $0x4000, $0x38;
	[tilespmem:$0x1C200] =	vst v63  }
0xad: {  	_ =	swait.ge [sflag:s25], $0x4000  }
0xae: {  	[sflag:s25] =	ssyncset.done $0x0  }
0xaf: {  	[sflag:s25] =	ssyncadd.s32 $0xFFFFC000  }
0xb0: {  	[tilespmem:s24], [sflag:$0x4] =	stream.linear.gather [spmem:s11], $0x4000, $0x38;
	[tilespmem:$0x1C200] =	vst v63  }
0xb1: {  	_ =	swait.ge [sflag:s25], $0x4000  }
0xb2: {  	s6 =	sshll.u32 s6, $0x4;
	[sflag:s25] =	ssyncset.done $0x0  }
0xb3: {  	s6 =	sadd.s32 s2, s6;
	[sflag:s25] =	ssyncadd.s32 $0xFFFFC000  }
0xb4: {  	[hbm4b:s6+s28] =	stream.linear.scatter [tilespmem:s24], [sflag:$0x4], $0x4000, $0x38;
	[tilespmem:$0x1C200] =	vst v63  }
0xb5: {  	_ =	swait.ge [sflag:s25], $0x4000  }
0xb6: {  	[sflag:s25] =	ssyncset.done $0x0  }
0xb7: {  	[sflag:s25] =	ssyncadd.s32 $0xFFFFC000  }
0xb8: {  	[tilespmem:s24], [sflag:$0x4] =	stream.linear.gather [spmem:s9], $0x4000, $0x38;
	[tilespmem:$0x1C200] =	vst v63  }
0xb9: {  	_ =	swait.ge [sflag:s25], $0x4000  }
0xba: {  	s4 =	sshll.u32 s4, $0x4;
	[sflag:s25] =	ssyncset.done $0x0  }
0xbb: {  	s31 =	sadd.s32 s2, s4;
	[sflag:s25] =	ssyncadd.s32 $0xFFFFC000  }
0xbc: {  	[hbm4b:s31+s28] =	stream.linear.scatter [tilespmem:s24], [sflag:$0x4], $0x4000, $0x38;
	[tilespmem:$0x1C200] =	vst v63  }
0xbd: {  	_ =	swait.ge [sflag:s25], $0x4000  }
0xbe: {  	[sflag:s25] =	ssyncset.done $0x0  }
0xbf: {  	[sflag:s25] =	ssyncadd.s32 $0xFFFFC000  }
0xc0: {  	_ =	sfence.sel $0x180000  }
0xc1: {  	[bflag:$0x0] =	sbarrier.arrive $0xFFFF  }
0xc2: {  	p0 =	sne.s32 s1, $0x0;
	_ =	strace $0x90000047  }
0xc3: {  	s0 =	sadd.s32 @!p0 $0x100000, s0;
	[bflag:$0x2] =	sbarrier.arrive $0xFFFF  }
0xc4: {  	[sflag:s0] =	ssyncadd.tile.s32 @!p0 $0x1;
	_ =	shalt  }
.Lfunc_end2:
_tile_overlayer_lowered:
.L_overlay_start_2:
0xc5: {  	(tag) =	ssettag $0x2  }
0xc6: {  	s0 =	rddreg [dreg:$0x0];
	s2 =	stileid.u32  }
0xc7: {  	s1 =	rddreg [dreg:$0x1];
	p0 =	sne.s32 s2, $0x0  }
0xc8: {  	s3 =	rddreg [dreg:$0x2];
	[bflag:$0x3] =	sbarrier.arrive $0xFFFF;
	s2 =	simm.s32 @!p0 $0x1C04  }
0xc9: {  	[timem:s3], [sflag:s2] =	dma.local @!p0 [hbm:s0], s1  }
0xca: {  	s0 =	simm.s32 @!p0 $0x4  }
0xcb: {  	_ =	swait.ge @!p0 [sflag:s0], s1  }
0xcc: {  	s1 =	ssub.s32 @!p0 $0x0, s1;
	[sflag:s0] =	ssyncset.done @!p0 $0x0  }
0xcd: {  	[sflag:s0] =	ssyncadd.s32 @!p0 s1  }
0xce: {  	[bflag:$0x3] =	sbarrier.arrive $0xFFFF  }
0xcf: {  	_ =	shalt  }

</sc_bundles>
